<compile_context>
chip_gen: v7x
topology: tpu7x:2x2x1
jax: 0.10.2.dev20260603
libtpu: 0.0.44.dev20260713+nightly
codegen_flags: <defaults>
</compile_context>

<pallas_src>
import functools

import jax
import jax.numpy as jnp
from jax import lax
from jax.experimental import pallas as pl
from jax.experimental.pallas import tpu as pltpu
from jax.experimental.pallas import tpu_sc as plsc

NUM_VTX = 227
NUM_DIM = 3
EMB = 128
BATCH = 256
SEQ = 2048
SCALE = float(EMB) ** 0.5

NC = 2
NS = 16
NW = NC * NS
S_BLK = 128
B_BLK = BATCH // 2
NBUF = 2
BPB = 2
NPAIR = B_BLK // BPB


def _body(vert_hbm, vtx_hbm, pos_hbm, dim_hbm, out_hbm,
          idx1, table1, dim_v, comb_v, comb_p, out_v, isem, o0, o1):
    osem = [o0, o1]
    wid = lax.axis_index("s") * NC + lax.axis_index("c")
    j = lax.rem(wid, 16)
    h = wid // 16
    s0 = j * S_BLK
    b0 = h * B_BLK

    pltpu.sync_copy(vtx_hbm, table1)
    pltpu.sync_copy(dim_hbm, dim_v)
    pltpu.sync_copy(pos_hbm.at[pl.ds(s0, S_BLK)], comb_v)

    def idx_row(b, carry):
        pltpu.async_copy(
            vert_hbm.at[pl.ds((b0 + b) * SEQ + s0, S_BLK)],
            idx1.at[pl.ds(b * S_BLK, S_BLK)], isem)
        return carry
    lax.fori_loop(0, B_BLK, idx_row, 0)

    def idx_drain(b, carry):
        pltpu.make_async_copy(
            vert_hbm.at[pl.ds(b0 * SEQ + s0, S_BLK)],
            idx1.at[pl.ds(0, S_BLK)], isem).wait()
        return carry
    lax.fori_loop(0, B_BLK, idx_drain, 0)

    def comb_row(i, carry):
        r = lax.rem(s0 + i, NUM_DIM)
        w0 = jnp.full((16,), jnp.where(r == 0, SCALE, 0.0), jnp.float32)
        w1 = jnp.full((16,), jnp.where(r == 1, SCALE, 0.0), jnp.float32)
        w2 = jnp.full((16,), jnp.where(r == 2, SCALE, 0.0), jnp.float32)
        for g in range(EMB // 16):
            sl = pl.ds(g * 16, 16)
            comb_v[i, sl] = (comb_v[i, sl] * SCALE
                             + dim_v[0, sl] * w0
                             + dim_v[1, sl] * w1
                             + dim_v[2, sl] * w2)
        return carry
    lax.fori_loop(0, S_BLK, comb_row, 0)

    def comb_pack(i, carry):
        for g2 in range(EMB // 32):
            a = comb_v[i, pl.ds(g2 * 32, 16)]
            b = comb_v[i, pl.ds(g2 * 32 + 16, 16)]
            w = plsc.pack(a, b, format=plsc.PackFormat.INTERLEAVED)
            comb_p[i, pl.ds(g2 * 16, 16)] = plsc.bitcast(w, jnp.int32)
        return carry
    lax.fori_loop(0, S_BLK, comb_pack, 0)

    col = lax.iota(jnp.int32, 16)

    def start_out(p, k):
        for r in range(BPB):
            pltpu.async_copy(
                out_v.at[k, pl.ds(r * S_BLK, S_BLK)],
                out_hbm.at[b0 + p * BPB + r, pl.ds(s0, S_BLK)], osem[k])

    def wait_out(p, k):
        for r in range(BPB):
            pltpu.make_async_copy(
                out_v.at[k, pl.ds(r * S_BLK, S_BLK)],
                out_hbm.at[b0 + p * BPB + r, pl.ds(s0, S_BLK)],
                osem[k]).wait()

    def batch_pair(bp, carry):
        for k in range(NBUF):
            p = bp * NBUF + k

            @pl.when(p >= NBUF)
            def _():
                wait_out(p - NBUF, k)

            @plsc.parallel_loop(0, BPB * S_BLK, step=1, unroll=8)
            def seq_row(i):
                vvec = plsc.load_gather(
                    idx1, [jnp.full((16,), p * BPB * S_BLK + i, jnp.int32)])
                base = vvec * (EMB // 2) + col
                ci = lax.rem(i, S_BLK)
                for g2 in range(EMB // 32):
                    tw = plsc.load_gather(table1, [base + g2 * 16])
                    cw = comb_p[ci, pl.ds(g2 * 16, 16)]
                    ta, tb = plsc.unpack(
                        plsc.bitcast(tw, jnp.bfloat16),
                        format=plsc.PackFormat.INTERLEAVED)
                    ca, cb = plsc.unpack(
                        plsc.bitcast(cw, jnp.bfloat16),
                        format=plsc.PackFormat.INTERLEAVED)
                    out_v[k, i, pl.ds(g2 * 32, 16)] = ta + ca
                    out_v[k, i, pl.ds(g2 * 32 + 16, 16)] = tb + cb
            start_out(p, k)
        return carry
    lax.fori_loop(0, NPAIR // NBUF, batch_pair, 0)

    for k in range(NBUF):
        wait_out(NPAIR - NBUF + k, k)


@jax.jit
def kernel(vertices, vtx_table, pos_table, dim_table):
    vert1 = vertices.astype(jnp.int32).reshape(-1)
    t = (vtx_table * SCALE).astype(jnp.bfloat16)
    t = t.reshape(NUM_VTX, EMB // 32, 2, 16).transpose(0, 1, 3, 2)
    vtx1 = jax.lax.bitcast_convert_type(t, jnp.int32).reshape(-1)
    mesh = plsc.VectorSubcoreMesh(core_axis_name="c", subcore_axis_name="s")
    f = functools.partial(
        pl.kernel,
        mesh=mesh,
        out_type=jax.ShapeDtypeStruct((BATCH, SEQ, EMB), jnp.float32),
        scratch_types=[
            pltpu.VMEM((B_BLK * S_BLK,), jnp.int32),
            pltpu.VMEM((NUM_VTX * EMB // 2,), jnp.int32),
            pltpu.VMEM((NUM_DIM, EMB), jnp.float32),
            pltpu.VMEM((S_BLK, EMB), jnp.float32),
            pltpu.VMEM((S_BLK, EMB // 2), jnp.int32),
            pltpu.VMEM((NBUF, BPB * S_BLK, EMB), jnp.float32),
        ] + [pltpu.SemaphoreType.DMA] * 3,
        compiler_params=pltpu.CompilerParams(needs_layout_passes=False),
    )(_body)
    return f(vert1, vtx1, pos_table, dim_table)

# --- scband reference (transcript-rebuilt; emitter-appended) ---
"""Pipeline reference for scband-vertex-embeddings-54726473286055 (READ-ONLY COPY).

The authoritative reference and input builder live on the scoring server;
editing this copy changes nothing except your own understanding.
"""

import jax, jax.numpy as jnp
import numpy as np

NUM_VTX = 227
NUM_DIM = 3
EMB = 128
MAX_SEQ = 2048
PAD = 2
BATCH = 256
SEQ = 2048
SCALE = float(EMB) ** 0.5  # l2_norm=False -> scale = sqrt(embedding_dim)


def setup_inputs(seed: int = 0) -> dict:
    key = jax.random.key(seed)
    k1, k2, k3, k4 = jax.random.split(key, 4)
    vertices = jax.random.randint(k1, (BATCH, SEQ), 0, NUM_VTX)
    vtx_table = jax.random.normal(k2, (NUM_VTX, EMB), dtype=jnp.float32)
    vtx_table = vtx_table.at[PAD].set(0.0)  # padding_idx row is zero in nn.Embedding
    pos_table = jax.random.normal(k3, (MAX_SEQ, EMB), dtype=jnp.float32)
    dim_table = jax.random.normal(k4, (NUM_DIM, EMB), dtype=jnp.float32)
    return {
        "vertices": vertices,
        "vtx_table": vtx_table,
        "pos_table": pos_table,
        "dim_table": dim_table,
    }


def reference(vertices, vtx_table, pos_table, dim_table):
    # type_of_embeddings = ['vtx', 'pos', 'dim'], concat_embeddings=False, l2_norm=False
    B, S = vertices.shape
    # 'vtx': embedding gather over vocab, scaled
    vtx_emb = jnp.take(vtx_table, vertices, axis=0) * SCALE          # [B, S, EMB]
    # 'dim': per-position dimension embedding (arange(S) % num_vertex_dimensions)
    dim_idx = jnp.arange(S) % NUM_DIM
    dim_emb = jnp.take(dim_table, dim_idx, axis=0) * SCALE           # [S, EMB]
    # 'pos': learned positional embedding
    pos_emb = jnp.take(pos_table, jnp.arange(S), axis=0) * SCALE     # [S, EMB]
    # sum(embedding_list): broadcast [S, EMB] terms over batch, matching torch semantics
    embeddings = vtx_emb + dim_emb[None, :, :] + pos_emb[None, :, :]
    return embeddings

if __name__ == "__main__":
    import jax
    _d = setup_inputs()
    print(jax.jit(kernel)(*tuple(_d.values())))

</pallas_src>

<mosaic_0001>
#map = affine_map<(d0, d1) -> (0)>
#map1 = affine_map<(d0, d1) -> (0, 0)>
#map2 = affine_map<(d0, d1) -> (0, 0, 0)>
module attributes {stable_mosaic.version = 14 : i64} {
  func.func @_body(%arg0: i32, %arg1: i32, %arg2: memref<524288xi32, #tpu.memory_space<hbm>>, %arg3: memref<14528xi32, #tpu.memory_space<hbm>>, %arg4: memref<2048x128xf32, #tpu.memory_space<hbm>>, %arg5: memref<3x128xf32, #tpu.memory_space<hbm>>, %arg6: memref<256x2048x128xf32, #tpu.memory_space<hbm>>, %arg7: memref<16384xi32, #tpu.memory_space<vmem>>, %arg8: memref<14528xi32, #tpu.memory_space<vmem>>, %arg9: memref<3x128xf32, #tpu.memory_space<vmem>>, %arg10: memref<128x128xf32, #tpu.memory_space<vmem>>, %arg11: memref<128x64xi32, #tpu.memory_space<vmem>>, %arg12: memref<2x256x128xf32, #tpu.memory_space<vmem>>, %arg13: memref<!tpu.dma_semaphore, #tpu.memory_space<semaphore_mem>>, %arg14: memref<!tpu.dma_semaphore, #tpu.memory_space<semaphore_mem>>, %arg15: memref<!tpu.dma_semaphore, #tpu.memory_space<semaphore_mem>>) attributes {dimension_semantics = [#tpu.dimension_semantics<core_parallel>, #tpu.dimension_semantics<subcore_parallel>], iteration_bounds = array<i64: 2, 16>, scalar_prefetch = 0 : i64, scratch_operands = 9 : i64, tpu.core_type = #tpu.core_type<sc_vector_subcore>, window_params = [{transform_indices = #map}, {transform_indices = #map}, {transform_indices = #map1}, {transform_indices = #map1}, {transform_indices = #map2}]} {
    %mul3A = arith.constant 2 : i32
    %mul3A_0 = arith.muli %arg1, %mul3A : i32
    %add3A = arith.addi %mul3A_0, %arg0 : i32
    %rem3A = arith.constant 16 : i32
    %rem3A_1 = arith.remsi %add3A, %rem3A : i32
    %jit3A = arith.constant 16 : i32
    %div3A = arith.divsi %add3A, %jit3A : i32
    %sign3A = arith.constant 0 : i32
    %sign3A_2 = arith.cmpi sgt, %add3A, %sign3A : i32
    %sign3A_3 = arith.extui %sign3A_2 : i1 to i32
    %sign3A_4 = arith.constant 0 : i32
    %sign3A_5 = arith.cmpi slt, %add3A, %sign3A_4 : i32
    %sign3A_6 = arith.extui %sign3A_5 : i1 to i32
    %sign3A_7 = arith.subi %sign3A_3, %sign3A_6 : i32
    %sign3A_8 = arith.constant 0 : i32
    %sign3A_9 = arith.cmpi sgt, %jit3A, %sign3A_8 : i32
    %sign3A_10 = arith.extui %sign3A_9 : i1 to i32
    %sign3A_11 = arith.constant 0 : i32
    %sign3A_12 = arith.cmpi slt, %jit3A, %sign3A_11 : i32
    %sign3A_13 = arith.extui %sign3A_12 : i1 to i32
    %sign3A_14 = arith.subi %sign3A_10, %sign3A_13 : i32
    %ne3A = arith.cmpi ne, %sign3A_7, %sign3A_14 : i32
    %rem3A_15 = arith.remsi %add3A, %jit3A : i32
    %ne3A_16 = arith.constant 0 : i32
    %ne3A_17 = arith.cmpi ne, %rem3A_15, %ne3A_16 : i32
    %and3A = arith.andi %ne3A, %ne3A_17 : i1
    %sub3A = arith.constant 1 : i32
    %sub3A_18 = arith.subi %div3A, %sub3A : i32
    %select_n3A = arith.select %and3A, %sub3A_18, %div3A : i32
    %mul3A_19 = arith.constant 128 : i32
    %mul3A_20 = arith.muli %rem3A_1, %mul3A_19 : i32
    %mul3A_21 = arith.constant 128 : i32
    %mul3A_22 = arith.muli %select_n3A, %mul3A_21 : i32
    "tpu.region"() ({
      %run_scoped3A = tpu.sem_alloc : memref<!tpu.dma_semaphore, #tpu.memory_space<semaphore_mem>>
      tpu.enqueue_dma source(%arg3 : memref<14528xi32, #tpu.memory_space<hbm>>) target(%arg8 : memref<14528xi32, #tpu.memory_space<vmem>>) target_semaphore(%run_scoped3A : memref<!tpu.dma_semaphore, #tpu.memory_space<semaphore_mem>>)
      tpu.wait_dma2 semaphore(%run_scoped3A : memref<!tpu.dma_semaphore, #tpu.memory_space<semaphore_mem>>) src(%arg3 : memref<14528xi32, #tpu.memory_space<hbm>>) dst(%arg8 : memref<14528xi32, #tpu.memory_space<vmem>>)
      tpu.yield
    }) : () -> ()
    "tpu.region"() ({
      %run_scoped3A = tpu.sem_alloc : memref<!tpu.dma_semaphore, #tpu.memory_space<semaphore_mem>>
      tpu.enqueue_dma source(%arg5 : memref<3x128xf32, #tpu.memory_space<hbm>>) target(%arg9 : memref<3x128xf32, #tpu.memory_space<vmem>>) target_semaphore(%run_scoped3A : memref<!tpu.dma_semaphore, #tpu.memory_space<semaphore_mem>>)
      tpu.wait_dma2 semaphore(%run_scoped3A : memref<!tpu.dma_semaphore, #tpu.memory_space<semaphore_mem>>) src(%arg5 : memref<3x128xf32, #tpu.memory_space<hbm>>) dst(%arg9 : memref<3x128xf32, #tpu.memory_space<vmem>>)
      tpu.yield
    }) : () -> ()
    "tpu.region"() ({
      %run_scoped3A = tpu.sem_alloc : memref<!tpu.dma_semaphore, #tpu.memory_space<semaphore_mem>>
      %dma_start3A = arith.constant 0 : i32
      %dma_start3A_127 = tpu.memref_slice %arg4[%mul3A_20, %dma_start3A] : memref<2048x128xf32, #tpu.memory_space<hbm>> -> memref<128x128xf32, #tpu.memory_space<hbm>>
      %dma_start3A_128 = arith.constant 0 : i32
      %dma_start3A_129 = tpu.memref_slice %arg4[%mul3A_20, %dma_start3A_128] : memref<2048x128xf32, #tpu.memory_space<hbm>> -> memref<128x128xf32, #tpu.memory_space<hbm>>
      tpu.enqueue_dma source(%dma_start3A_129 : memref<128x128xf32, #tpu.memory_space<hbm>>) target(%arg10 : memref<128x128xf32, #tpu.memory_space<vmem>>) target_semaphore(%run_scoped3A : memref<!tpu.dma_semaphore, #tpu.memory_space<semaphore_mem>>)
      %dma_wait3A_130 = arith.constant 0 : i32
      %dma_wait3A_131 = tpu.memref_slice %arg4[%mul3A_20, %dma_wait3A_130] : memref<2048x128xf32, #tpu.memory_space<hbm>> -> memref<128x128xf32, #tpu.memory_space<hbm>>
      %dma_wait3A_132 = arith.constant 0 : i32
      %dma_wait3A_133 = tpu.memref_slice %arg4[%mul3A_20, %dma_wait3A_132] : memref<2048x128xf32, #tpu.memory_space<hbm>> -> memref<128x128xf32, #tpu.memory_space<hbm>>
      tpu.wait_dma2 semaphore(%run_scoped3A : memref<!tpu.dma_semaphore, #tpu.memory_space<semaphore_mem>>) src(%dma_wait3A_133 : memref<128x128xf32, #tpu.memory_space<hbm>>) dst(%arg10 : memref<128x128xf32, #tpu.memory_space<vmem>>)
      tpu.yield
    }) : () -> ()
    %scan3A = arith.constant 0 : i32
    %scan3A_23 = arith.constant 0 : i32
    %scan3A_24 = arith.constant 128 : i32
    %scan3A_25 = arith.addi %scan3A_23, %scan3A_24 : i32
    %scan3A_26 = arith.constant 1 : i32
    scf.for %scan3A_127 = %scan3A_23 to %scan3A_25 step %scan3A_26  : i32 {
      %add3A_128 = arith.addi %mul3A_22, %scan3A_127 : i32
      %mul3A_129 = arith.constant 2048 : i32
      %mul3A_130 = arith.muli %add3A_128, %mul3A_129 : i32
      %add3A_131 = arith.addi %mul3A_130, %mul3A_20 : i32
      %mul3A_132 = arith.constant 128 : i32
      %mul3A_133 = arith.muli %scan3A_127, %mul3A_132 : i32
      %dma_start3A = tpu.memref_slice %arg7[%mul3A_133] : memref<16384xi32, #tpu.memory_space<vmem>> -> memref<128xi32, #tpu.memory_space<vmem>>
      %dma_start3A_134 = tpu.memref_slice %arg2[%add3A_131] : memref<524288xi32, #tpu.memory_space<hbm>> -> memref<128xi32, #tpu.memory_space<hbm>>
      %dma_start3A_135 = tpu.memref_slice %arg7[%mul3A_133] : memref<16384xi32, #tpu.memory_space<vmem>> -> memref<128xi32, #tpu.memory_space<vmem>>
      %dma_start3A_136 = tpu.memref_slice %arg2[%add3A_131] : memref<524288xi32, #tpu.memory_space<hbm>> -> memref<128xi32, #tpu.memory_space<hbm>>
      tpu.enqueue_dma source(%dma_start3A_136 : memref<128xi32, #tpu.memory_space<hbm>>) target(%dma_start3A_135 : memref<128xi32, #tpu.memory_space<vmem>>) target_semaphore(%arg13 : memref<!tpu.dma_semaphore, #tpu.memory_space<semaphore_mem>>)
    }
    %scan3A_27 = arith.constant 128 : i32
    %scan3A_28 = arith.constant 0 : i32
    %scan3A_29 = arith.constant 0 : i32
    %scan3A_30 = arith.constant 128 : i32
    %scan3A_31 = arith.addi %scan3A_29, %scan3A_30 : i32
    %scan3A_32 = arith.constant 1 : i32
    scf.for %scan3A_127 = %scan3A_29 to %scan3A_31 step %scan3A_32  : i32 {
      %mul3A_128 = arith.constant 2048 : i32
      %mul3A_129 = arith.muli %mul3A_22, %mul3A_128 : i32
      %add3A_130 = arith.addi %mul3A_129, %mul3A_20 : i32
      %dma_wait3A_131 = arith.constant 0 : i32
      %dma_wait3A_132 = tpu.memref_slice %arg7[%dma_wait3A_131] : memref<16384xi32, #tpu.memory_space<vmem>> -> memref<128xi32, #tpu.memory_space<vmem>>
      %dma_wait3A_133 = tpu.memref_slice %arg2[%add3A_130] : memref<524288xi32, #tpu.memory_space<hbm>> -> memref<128xi32, #tpu.memory_space<hbm>>
      %dma_wait3A_134 = arith.constant 0 : i32
      %dma_wait3A_135 = tpu.memref_slice %arg7[%dma_wait3A_134] : memref<16384xi32, #tpu.memory_space<vmem>> -> memref<128xi32, #tpu.memory_space<vmem>>
      %dma_wait3A_136 = tpu.memref_slice %arg2[%add3A_130] : memref<524288xi32, #tpu.memory_space<hbm>> -> memref<128xi32, #tpu.memory_space<hbm>>
      tpu.wait_dma2 semaphore(%arg13 : memref<!tpu.dma_semaphore, #tpu.memory_space<semaphore_mem>>) src(%dma_wait3A_136 : memref<128xi32, #tpu.memory_space<hbm>>) dst(%dma_wait3A_135 : memref<128xi32, #tpu.memory_space<vmem>>)
    }
    %scan3A_33 = arith.constant 128 : i32
    %scan3A_34 = arith.constant 0 : i32
    %scan3A_35 = arith.constant 0 : i32
    %scan3A_36 = arith.constant 128 : i32
    %scan3A_37 = arith.addi %scan3A_35, %scan3A_36 : i32
    %scan3A_38 = arith.constant 1 : i32
    scf.for %scan3A_127 = %scan3A_35 to %scan3A_37 step %scan3A_38  : i32 {
      %add3A_128 = arith.addi %mul3A_20, %scan3A_127 : i32
      %rem3A_129 = arith.constant 3 : i32
      %rem3A_130 = arith.remsi %add3A_128, %rem3A_129 : i32
      %eq3A = arith.constant 0 : i32
      %eq3A_131 = arith.cmpi eq, %rem3A_130, %eq3A : i32
      %jit3A_132 = arith.constant 11.3137083 : f32
      %jit3A_133 = arith.constant 0.000000e+00 : f32
      %select_n3A_134 = arith.select %eq3A_131, %jit3A_132, %jit3A_133 : f32
      %broadcast_in_dim3A = vector.broadcast %select_n3A_134 : f32 to vector<16xf32>
      %eq3A_135 = arith.constant 1 : i32
      %eq3A_136 = arith.cmpi eq, %rem3A_130, %eq3A_135 : i32
      %jit3A_137 = arith.constant 11.3137083 : f32
      %jit3A_138 = arith.constant 0.000000e+00 : f32
      %select_n3A_139 = arith.select %eq3A_136, %jit3A_137, %jit3A_138 : f32
      %broadcast_in_dim3A_140 = vector.broadcast %select_n3A_139 : f32 to vector<16xf32>
      %eq3A_141 = arith.constant 2 : i32
      %eq3A_142 = arith.cmpi eq, %rem3A_130, %eq3A_141 : i32
      %jit3A_143 = arith.constant 11.3137083 : f32
      %jit3A_144 = arith.constant 0.000000e+00 : f32
      %select_n3A_145 = arith.select %eq3A_142, %jit3A_143, %jit3A_144 : f32
      %broadcast_in_dim3A_146 = vector.broadcast %select_n3A_145 : f32 to vector<16xf32>
      %get3A = arith.index_cast %scan3A_127 : i32 to index
      %get3A_147 = arith.constant 0 : index
      %get3A_148 = tpu.vector_load %arg10[%get3A, %get3A_147] {strides = array<i32>} : memref<128x128xf32, #tpu.memory_space<vmem>>, vector<16xf32>,
      %mul3A_149 = arith.constant 11.3137083 : f32
      %mul3A_150 = vector.broadcast %mul3A_149 : f32 to vector<16xf32>
      %mul3A_151 = arith.mulf %get3A_148, %mul3A_150 : vector<16xf32>
      %get3A_152 = arith.constant 0 : i32
      %get3A_153 = arith.index_cast %get3A_152 : i32 to index
      %get3A_154 = arith.constant 0 : index
      %get3A_155 = tpu.vector_load %arg9[%get3A_153, %get3A_154] {strides = array<i32>} : memref<3x128xf32, #tpu.memory_space<vmem>>, vector<16xf32>,
      %mul3A_156 = arith.mulf %get3A_155, %broadcast_in_dim3A : vector<16xf32>
      %add3A_157 = arith.addf %mul3A_151, %mul3A_156 : vector<16xf32>
      %get3A_158 = arith.constant 1 : i32
      %get3A_159 = arith.index_cast %get3A_158 : i32 to index
      %get3A_160 = arith.constant 0 : index
      %get3A_161 = tpu.vector_load %arg9[%get3A_159, %get3A_160] {strides = array<i32>} : memref<3x128xf32, #tpu.memory_space<vmem>>, vector<16xf32>,
      %mul3A_162 = arith.mulf %get3A_161, %broadcast_in_dim3A_140 : vector<16xf32>
      %add3A_163 = arith.addf %add3A_157, %mul3A_162 : vector<16xf32>
      %get3A_164 = arith.constant 2 : i32
      %get3A_165 = arith.index_cast %get3A_164 : i32 to index
      %get3A_166 = arith.constant 0 : index
      %get3A_167 = tpu.vector_load %arg9[%get3A_165, %get3A_166] {strides = array<i32>} : memref<3x128xf32, #tpu.memory_space<vmem>>, vector<16xf32>,
      %mul3A_168 = arith.mulf %get3A_167, %broadcast_in_dim3A_146 : vector<16xf32>
      %add3A_169 = arith.addf %add3A_163, %mul3A_168 : vector<16xf32>
      %swap3A = arith.index_cast %scan3A_127 : i32 to index
      %swap3A_170 = arith.constant 0 : index
      %swap3A_171 = tpu.vector_load %arg10[%swap3A, %swap3A_170] {strides = array<i32>} : memref<128x128xf32, #tpu.memory_space<vmem>>, vector<16xf32>,
      tpu.vector_store %arg10[%swap3A, %swap3A_170], %add3A_169 {strides = array<i32>} : memref<128x128xf32, #tpu.memory_space<vmem>>, vector<16xf32>,
      %get3A_172 = arith.index_cast %scan3A_127 : i32 to index
      %get3A_173 = arith.constant 16 : index
      %get3A_174 = tpu.vector_load %arg10[%get3A_172, %get3A_173] {strides = array<i32>} : memref<128x128xf32, #tpu.memory_space<vmem>>, vector<16xf32>,
      %mul3A_175 = arith.constant 11.3137083 : f32
      %mul3A_176 = vector.broadcast %mul3A_175 : f32 to vector<16xf32>
      %mul3A_177 = arith.mulf %get3A_174, %mul3A_176 : vector<16xf32>
      %get3A_178 = arith.constant 0 : i32
      %get3A_179 = arith.index_cast %get3A_178 : i32 to index
      %get3A_180 = arith.constant 16 : index
      %get3A_181 = tpu.vector_load %arg9[%get3A_179, %get3A_180] {strides = array<i32>} : memref<3x128xf32, #tpu.memory_space<vmem>>, vector<16xf32>,
      %mul3A_182 = arith.mulf %get3A_181, %broadcast_in_dim3A : vector<16xf32>
      %add3A_183 = arith.addf %mul3A_177, %mul3A_182 : vector<16xf32>
      %get3A_184 = arith.constant 1 : i32
      %get3A_185 = arith.index_cast %get3A_184 : i32 to index
      %get3A_186 = arith.constant 16 : index
      %get3A_187 = tpu.vector_load %arg9[%get3A_185, %get3A_186] {strides = array<i32>} : memref<3x128xf32, #tpu.memory_space<vmem>>, vector<16xf32>,
      %mul3A_188 = arith.mulf %get3A_187, %broadcast_in_dim3A_140 : vector<16xf32>
      %add3A_189 = arith.addf %add3A_183, %mul3A_188 : vector<16xf32>
      %get3A_190 = arith.constant 2 : i32
      %get3A_191 = arith.index_cast %get3A_190 : i32 to index
      %get3A_192 = arith.constant 16 : index
      %get3A_193 = tpu.vector_load %arg9[%get3A_191, %get3A_192] {strides = array<i32>} : memref<3x128xf32, #tpu.memory_space<vmem>>, vector<16xf32>,
      %mul3A_194 = arith.mulf %get3A_193, %broadcast_in_dim3A_146 : vector<16xf32>
      %add3A_195 = arith.addf %add3A_189, %mul3A_194 : vector<16xf32>
      %swap3A_196 = arith.index_cast %scan3A_127 : i32 to index
      %swap3A_197 = arith.constant 16 : index
      %swap3A_198 = tpu.vector_load %arg10[%swap3A_196, %swap3A_197] {strides = array<i32>} : memref<128x128xf32, #tpu.memory_space<vmem>>, vector<16xf32>,
      tpu.vector_store %arg10[%swap3A_196, %swap3A_197], %add3A_195 {strides = array<i32>} : memref<128x128xf32, #tpu.memory_space<vmem>>, vector<16xf32>,
      %get3A_199 = arith.index_cast %scan3A_127 : i32 to index
      %get3A_200 = arith.constant 32 : index
      %get3A_201 = tpu.vector_load %arg10[%get3A_199, %get3A_200] {strides = array<i32>} : memref<128x128xf32, #tpu.memory_space<vmem>>, vector<16xf32>,
      %mul3A_202 = arith.constant 11.3137083 : f32
      %mul3A_203 = vector.broadcast %mul3A_202 : f32 to vector<16xf32>
      %mul3A_204 = arith.mulf %get3A_201, %mul3A_203 : vector<16xf32>
      %get3A_205 = arith.constant 0 : i32
      %get3A_206 = arith.index_cast %get3A_205 : i32 to index
      %get3A_207 = arith.constant 32 : index
      %get3A_208 = tpu.vector_load %arg9[%get3A_206, %get3A_207] {strides = array<i32>} : memref<3x128xf32, #tpu.memory_space<vmem>>, vector<16xf32>,
      %mul3A_209 = arith.mulf %get3A_208, %broadcast_in_dim3A : vector<16xf32>
      %add3A_210 = arith.addf %mul3A_204, %mul3A_209 : vector<16xf32>
      %get3A_211 = arith.constant 1 : i32
      %get3A_212 = arith.index_cast %get3A_211 : i32 to index
      %get3A_213 = arith.constant 32 : index
      %get3A_214 = tpu.vector_load %arg9[%get3A_212, %get3A_213] {strides = array<i32>} : memref<3x128xf32, #tpu.memory_space<vmem>>, vector<16xf32>,
      %mul3A_215 = arith.mulf %get3A_214, %broadcast_in_dim3A_140 : vector<16xf32>
      %add3A_216 = arith.addf %add3A_210, %mul3A_215 : vector<16xf32>
      %get3A_217 = arith.constant 2 : i32
      %get3A_218 = arith.index_cast %get3A_217 : i32 to index
      %get3A_219 = arith.constant 32 : index
      %get3A_220 = tpu.vector_load %arg9[%get3A_218, %get3A_219] {strides = array<i32>} : memref<3x128xf32, #tpu.memory_space<vmem>>, vector<16xf32>,
      %mul3A_221 = arith.mulf %get3A_220, %broadcast_in_dim3A_146 : vector<16xf32>
      %add3A_222 = arith.addf %add3A_216, %mul3A_221 : vector<16xf32>
      %swap3A_223 = arith.index_cast %scan3A_127 : i32 to index
      %swap3A_224 = arith.constant 32 : index
      %swap3A_225 = tpu.vector_load %arg10[%swap3A_223, %swap3A_224] {strides = array<i32>} : memref<128x128xf32, #tpu.memory_space<vmem>>, vector<16xf32>,
      tpu.vector_store %arg10[%swap3A_223, %swap3A_224], %add3A_222 {strides = array<i32>} : memref<128x128xf32, #tpu.memory_space<vmem>>, vector<16xf32>,
      %get3A_226 = arith.index_cast %scan3A_127 : i32 to index
      %get3A_227 = arith.constant 48 : index
      %get3A_228 = tpu.vector_load %arg10[%get3A_226, %get3A_227] {strides = array<i32>} : memref<128x128xf32, #tpu.memory_space<vmem>>, vector<16xf32>,
      %mul3A_229 = arith.constant 11.3137083 : f32
      %mul3A_230 = vector.broadcast %mul3A_229 : f32 to vector<16xf32>
      %mul3A_231 = arith.mulf %get3A_228, %mul3A_230 : vector<16xf32>
      %get3A_232 = arith.constant 0 : i32
      %get3A_233 = arith.index_cast %get3A_232 : i32 to index
      %get3A_234 = arith.constant 48 : index
      %get3A_235 = tpu.vector_load %arg9[%get3A_233, %get3A_234] {strides = array<i32>} : memref<3x128xf32, #tpu.memory_space<vmem>>, vector<16xf32>,
      %mul3A_236 = arith.mulf %get3A_235, %broadcast_in_dim3A : vector<16xf32>
      %add3A_237 = arith.addf %mul3A_231, %mul3A_236 : vector<16xf32>
      %get3A_238 = arith.constant 1 : i32
      %get3A_239 = arith.index_cast %get3A_238 : i32 to index
      %get3A_240 = arith.constant 48 : index
      %get3A_241 = tpu.vector_load %arg9[%get3A_239, %get3A_240] {strides = array<i32>} : memref<3x128xf32, #tpu.memory_space<vmem>>, vector<16xf32>,
      %mul3A_242 = arith.mulf %get3A_241, %broadcast_in_dim3A_140 : vector<16xf32>
      %add3A_243 = arith.addf %add3A_237, %mul3A_242 : vector<16xf32>
      %get3A_244 = arith.constant 2 : i32
      %get3A_245 = arith.index_cast %get3A_244 : i32 to index
      %get3A_246 = arith.constant 48 : index
      %get3A_247 = tpu.vector_load %arg9[%get3A_245, %get3A_246] {strides = array<i32>} : memref<3x128xf32, #tpu.memory_space<vmem>>, vector<16xf32>,
      %mul3A_248 = arith.mulf %get3A_247, %broadcast_in_dim3A_146 : vector<16xf32>
      %add3A_249 = arith.addf %add3A_243, %mul3A_248 : vector<16xf32>
      %swap3A_250 = arith.index_cast %scan3A_127 : i32 to index
      %swap3A_251 = arith.constant 48 : index
      %swap3A_252 = tpu.vector_load %arg10[%swap3A_250, %swap3A_251] {strides = array<i32>} : memref<128x128xf32, #tpu.memory_space<vmem>>, vector<16xf32>,
      tpu.vector_store %arg10[%swap3A_250, %swap3A_251], %add3A_249 {strides = array<i32>} : memref<128x128xf32, #tpu.memory_space<vmem>>, vector<16xf32>,
      %get3A_253 = arith.index_cast %scan3A_127 : i32 to index
      %get3A_254 = arith.constant 64 : index
      %get3A_255 = tpu.vector_load %arg10[%get3A_253, %get3A_254] {strides = array<i32>} : memref<128x128xf32, #tpu.memory_space<vmem>>, vector<16xf32>,
      %mul3A_256 = arith.constant 11.3137083 : f32
      %mul3A_257 = vector.broadcast %mul3A_256 : f32 to vector<16xf32>
      %mul3A_258 = arith.mulf %get3A_255, %mul3A_257 : vector<16xf32>
      %get3A_259 = arith.constant 0 : i32
      %get3A_260 = arith.index_cast %get3A_259 : i32 to index
      %get3A_261 = arith.constant 64 : index
      %get3A_262 = tpu.vector_load %arg9[%get3A_260, %get3A_261] {strides = array<i32>} : memref<3x128xf32, #tpu.memory_space<vmem>>, vector<16xf32>,
      %mul3A_263 = arith.mulf %get3A_262, %broadcast_in_dim3A : vector<16xf32>
      %add3A_264 = arith.addf %mul3A_258, %mul3A_263 : vector<16xf32>
      %get3A_265 = arith.constant 1 : i32
      %get3A_266 = arith.index_cast %get3A_265 : i32 to index
      %get3A_267 = arith.constant 64 : index
      %get3A_268 = tpu.vector_load %arg9[%get3A_266, %get3A_267] {strides = array<i32>} : memref<3x128xf32, #tpu.memory_space<vmem>>, vector<16xf32>,
      %mul3A_269 = arith.mulf %get3A_268, %broadcast_in_dim3A_140 : vector<16xf32>
      %add3A_270 = arith.addf %add3A_264, %mul3A_269 : vector<16xf32>
      %get3A_271 = arith.constant 2 : i32
      %get3A_272 = arith.index_cast %get3A_271 : i32 to index
      %get3A_273 = arith.constant 64 : index
      %get3A_274 = tpu.vector_load %arg9[%get3A_272, %get3A_273] {strides = array<i32>} : memref<3x128xf32, #tpu.memory_space<vmem>>, vector<16xf32>,
      %mul3A_275 = arith.mulf %get3A_274, %broadcast_in_dim3A_146 : vector<16xf32>
      %add3A_276 = arith.addf %add3A_270, %mul3A_275 : vector<16xf32>
      %swap3A_277 = arith.index_cast %scan3A_127 : i32 to index
      %swap3A_278 = arith.constant 64 : index
      %swap3A_279 = tpu.vector_load %arg10[%swap3A_277, %swap3A_278] {strides = array<i32>} : memref<128x128xf32, #tpu.memory_space<vmem>>, vector<16xf32>,
      tpu.vector_store %arg10[%swap3A_277, %swap3A_278], %add3A_276 {strides = array<i32>} : memref<128x128xf32, #tpu.memory_space<vmem>>, vector<16xf32>,
      %get3A_280 = arith.index_cast %scan3A_127 : i32 to index
      %get3A_281 = arith.constant 80 : index
      %get3A_282 = tpu.vector_load %arg10[%get3A_280, %get3A_281] {strides = array<i32>} : memref<128x128xf32, #tpu.memory_space<vmem>>, vector<16xf32>,
      %mul3A_283 = arith.constant 11.3137083 : f32
      %mul3A_284 = vector.broadcast %mul3A_283 : f32 to vector<16xf32>
      %mul3A_285 = arith.mulf %get3A_282, %mul3A_284 : vector<16xf32>
      %get3A_286 = arith.constant 0 : i32
      %get3A_287 = arith.index_cast %get3A_286 : i32 to index
      %get3A_288 = arith.constant 80 : index
      %get3A_289 = tpu.vector_load %arg9[%get3A_287, %get3A_288] {strides = array<i32>} : memref<3x128xf32, #tpu.memory_space<vmem>>, vector<16xf32>,
      %mul3A_290 = arith.mulf %get3A_289, %broadcast_in_dim3A : vector<16xf32>
      %add3A_291 = arith.addf %mul3A_285, %mul3A_290 : vector<16xf32>
      %get3A_292 = arith.constant 1 : i32
      %get3A_293 = arith.index_cast %get3A_292 : i32 to index
      %get3A_294 = arith.constant 80 : index
      %get3A_295 = tpu.vector_load %arg9[%get3A_293, %get3A_294] {strides = array<i32>} : memref<3x128xf32, #tpu.memory_space<vmem>>, vector<16xf32>,
      %mul3A_296 = arith.mulf %get3A_295, %broadcast_in_dim3A_140 : vector<16xf32>
      %add3A_297 = arith.addf %add3A_291, %mul3A_296 : vector<16xf32>
      %get3A_298 = arith.constant 2 : i32
      %get3A_299 = arith.index_cast %get3A_298 : i32 to index
      %get3A_300 = arith.constant 80 : index
      %get3A_301 = tpu.vector_load %arg9[%get3A_299, %get3A_300] {strides = array<i32>} : memref<3x128xf32, #tpu.memory_space<vmem>>, vector<16xf32>,
      %mul3A_302 = arith.mulf %get3A_301, %broadcast_in_dim3A_146 : vector<16xf32>
      %add3A_303 = arith.addf %add3A_297, %mul3A_302 : vector<16xf32>
      %swap3A_304 = arith.index_cast %scan3A_127 : i32 to index
      %swap3A_305 = arith.constant 80 : index
      %swap3A_306 = tpu.vector_load %arg10[%swap3A_304, %swap3A_305] {strides = array<i32>} : memref<128x128xf32, #tpu.memory_space<vmem>>, vector<16xf32>,
      tpu.vector_store %arg10[%swap3A_304, %swap3A_305], %add3A_303 {strides = array<i32>} : memref<128x128xf32, #tpu.memory_space<vmem>>, vector<16xf32>,
      %get3A_307 = arith.index_cast %scan3A_127 : i32 to index
      %get3A_308 = arith.constant 96 : index
      %get3A_309 = tpu.vector_load %arg10[%get3A_307, %get3A_308] {strides = array<i32>} : memref<128x128xf32, #tpu.memory_space<vmem>>, vector<16xf32>,
      %mul3A_310 = arith.constant 11.3137083 : f32
      %mul3A_311 = vector.broadcast %mul3A_310 : f32 to vector<16xf32>
      %mul3A_312 = arith.mulf %get3A_309, %mul3A_311 : vector<16xf32>
      %get3A_313 = arith.constant 0 : i32
      %get3A_314 = arith.index_cast %get3A_313 : i32 to index
      %get3A_315 = arith.constant 96 : index
      %get3A_316 = tpu.vector_load %arg9[%get3A_314, %get3A_315] {strides = array<i32>} : memref<3x128xf32, #tpu.memory_space<vmem>>, vector<16xf32>,
      %mul3A_317 = arith.mulf %get3A_316, %broadcast_in_dim3A : vector<16xf32>
      %add3A_318 = arith.addf %mul3A_312, %mul3A_317 : vector<16xf32>
      %get3A_319 = arith.constant 1 : i32
      %get3A_320 = arith.index_cast %get3A_319 : i32 to index
      %get3A_321 = arith.constant 96 : index
      %get3A_322 = tpu.vector_load %arg9[%get3A_320, %get3A_321] {strides = array<i32>} : memref<3x128xf32, #tpu.memory_space<vmem>>, vector<16xf32>,
      %mul3A_323 = arith.mulf %get3A_322, %broadcast_in_dim3A_140 : vector<16xf32>
      %add3A_324 = arith.addf %add3A_318, %mul3A_323 : vector<16xf32>
      %get3A_325 = arith.constant 2 : i32
      %get3A_326 = arith.index_cast %get3A_325 : i32 to index
      %get3A_327 = arith.constant 96 : index
      %get3A_328 = tpu.vector_load %arg9[%get3A_326, %get3A_327] {strides = array<i32>} : memref<3x128xf32, #tpu.memory_space<vmem>>, vector<16xf32>,
      %mul3A_329 = arith.mulf %get3A_328, %broadcast_in_dim3A_146 : vector<16xf32>
      %add3A_330 = arith.addf %add3A_324, %mul3A_329 : vector<16xf32>
      %swap3A_331 = arith.index_cast %scan3A_127 : i32 to index
      %swap3A_332 = arith.constant 96 : index
      %swap3A_333 = tpu.vector_load %arg10[%swap3A_331, %swap3A_332] {strides = array<i32>} : memref<128x128xf32, #tpu.memory_space<vmem>>, vector<16xf32>,
      tpu.vector_store %arg10[%swap3A_331, %swap3A_332], %add3A_330 {strides = array<i32>} : memref<128x128xf32, #tpu.memory_space<vmem>>, vector<16xf32>,
      %get3A_334 = arith.index_cast %scan3A_127 : i32 to index
      %get3A_335 = arith.constant 112 : index
      %get3A_336 = tpu.vector_load %arg10[%get3A_334, %get3A_335] {strides = array<i32>} : memref<128x128xf32, #tpu.memory_space<vmem>>, vector<16xf32>,
      %mul3A_337 = arith.constant 11.3137083 : f32
      %mul3A_338 = vector.broadcast %mul3A_337 : f32 to vector<16xf32>
      %mul3A_339 = arith.mulf %get3A_336, %mul3A_338 : vector<16xf32>
      %get3A_340 = arith.constant 0 : i32
      %get3A_341 = arith.index_cast %get3A_340 : i32 to index
      %get3A_342 = arith.constant 112 : index
      %get3A_343 = tpu.vector_load %arg9[%get3A_341, %get3A_342] {strides = array<i32>} : memref<3x128xf32, #tpu.memory_space<vmem>>, vector<16xf32>,
      %mul3A_344 = arith.mulf %get3A_343, %broadcast_in_dim3A : vector<16xf32>
      %add3A_345 = arith.addf %mul3A_339, %mul3A_344 : vector<16xf32>
      %get3A_346 = arith.constant 1 : i32
      %get3A_347 = arith.index_cast %get3A_346 : i32 to index
      %get3A_348 = arith.constant 112 : index
      %get3A_349 = tpu.vector_load %arg9[%get3A_347, %get3A_348] {strides = array<i32>} : memref<3x128xf32, #tpu.memory_space<vmem>>, vector<16xf32>,
      %mul3A_350 = arith.mulf %get3A_349, %broadcast_in_dim3A_140 : vector<16xf32>
      %add3A_351 = arith.addf %add3A_345, %mul3A_350 : vector<16xf32>
      %get3A_352 = arith.constant 2 : i32
      %get3A_353 = arith.index_cast %get3A_352 : i32 to index
      %get3A_354 = arith.constant 112 : index
      %get3A_355 = tpu.vector_load %arg9[%get3A_353, %get3A_354] {strides = array<i32>} : memref<3x128xf32, #tpu.memory_space<vmem>>, vector<16xf32>,
      %mul3A_356 = arith.mulf %get3A_355, %broadcast_in_dim3A_146 : vector<16xf32>
      %add3A_357 = arith.addf %add3A_351, %mul3A_356 : vector<16xf32>
      %swap3A_358 = arith.index_cast %scan3A_127 : i32 to index
      %swap3A_359 = arith.constant 112 : index
      %swap3A_360 = tpu.vector_load %arg10[%swap3A_358, %swap3A_359] {strides = array<i32>} : memref<128x128xf32, #tpu.memory_space<vmem>>, vector<16xf32>,
      tpu.vector_store %arg10[%swap3A_358, %swap3A_359], %add3A_357 {strides = array<i32>} : memref<128x128xf32, #tpu.memory_space<vmem>>, vector<16xf32>,
    }
    %scan3A_39 = arith.constant 128 : i32
    %scan3A_40 = arith.constant 0 : i32
    %scan3A_41 = arith.constant 0 : i32
    %scan3A_42 = arith.constant 128 : i32
    %scan3A_43 = arith.addi %scan3A_41, %scan3A_42 : i32
    %scan3A_44 = arith.constant 1 : i32
    scf.for %scan3A_127 = %scan3A_41 to %scan3A_43 step %scan3A_44  : i32 {
      %get3A = arith.index_cast %scan3A_127 : i32 to index
      %get3A_128 = arith.constant 0 : index
      %get3A_129 = tpu.vector_load %arg10[%get3A, %get3A_128] {strides = array<i32>} : memref<128x128xf32, #tpu.memory_space<vmem>>, vector<16xf32>,
      %get3A_130 = arith.index_cast %scan3A_127 : i32 to index
      %get3A_131 = arith.constant 16 : index
      %get3A_132 = tpu.vector_load %arg10[%get3A_130, %get3A_131] {strides = array<i32>} : memref<128x128xf32, #tpu.memory_space<vmem>>, vector<16xf32>,
      %pack3A = tpu.pack_subelements %get3A_129, %get3A_132 {pack_format = #tpu.pack_format<interleaved>, positions = array<i32: 0, 1>} : vector<16xf32>, vector<16xf32> -> vector<32xbf16>
      %bitcast3A = vector.bitcast %pack3A : vector<32xbf16> to vector<16xi32>
      %swap3A = arith.index_cast %scan3A_127 : i32 to index
      %swap3A_133 = arith.constant 0 : index
      %swap3A_134 = tpu.vector_load %arg11[%swap3A, %swap3A_133] {strides = array<i32>} : memref<128x64xi32, #tpu.memory_space<vmem>>, vector<16xi32>,
      tpu.vector_store %arg11[%swap3A, %swap3A_133], %bitcast3A {strides = array<i32>} : memref<128x64xi32, #tpu.memory_space<vmem>>, vector<16xi32>,
      %get3A_135 = arith.index_cast %scan3A_127 : i32 to index
      %get3A_136 = arith.constant 32 : index
      %get3A_137 = tpu.vector_load %arg10[%get3A_135, %get3A_136] {strides = array<i32>} : memref<128x128xf32, #tpu.memory_space<vmem>>, vector<16xf32>,
      %get3A_138 = arith.index_cast %scan3A_127 : i32 to index
      %get3A_139 = arith.constant 48 : index
      %get3A_140 = tpu.vector_load %arg10[%get3A_138, %get3A_139] {strides = array<i32>} : memref<128x128xf32, #tpu.memory_space<vmem>>, vector<16xf32>,
      %pack3A_141 = tpu.pack_subelements %get3A_137, %get3A_140 {pack_format = #tpu.pack_format<interleaved>, positions = array<i32: 0, 1>} : vector<16xf32>, vector<16xf32> -> vector<32xbf16>
      %bitcast3A_142 = vector.bitcast %pack3A_141 : vector<32xbf16> to vector<16xi32>
      %swap3A_143 = arith.index_cast %scan3A_127 : i32 to index
      %swap3A_144 = arith.constant 16 : index
      %swap3A_145 = tpu.vector_load %arg11[%swap3A_143, %swap3A_144] {strides = array<i32>} : memref<128x64xi32, #tpu.memory_space<vmem>>, vector<16xi32>,
      tpu.vector_store %arg11[%swap3A_143, %swap3A_144], %bitcast3A_142 {strides = array<i32>} : memref<128x64xi32, #tpu.memory_space<vmem>>, vector<16xi32>,
      %get3A_146 = arith.index_cast %scan3A_127 : i32 to index
      %get3A_147 = arith.constant 64 : index
      %get3A_148 = tpu.vector_load %arg10[%get3A_146, %get3A_147] {strides = array<i32>} : memref<128x128xf32, #tpu.memory_space<vmem>>, vector<16xf32>,
      %get3A_149 = arith.index_cast %scan3A_127 : i32 to index
      %get3A_150 = arith.constant 80 : index
      %get3A_151 = tpu.vector_load %arg10[%get3A_149, %get3A_150] {strides = array<i32>} : memref<128x128xf32, #tpu.memory_space<vmem>>, vector<16xf32>,
      %pack3A_152 = tpu.pack_subelements %get3A_148, %get3A_151 {pack_format = #tpu.pack_format<interleaved>, positions = array<i32: 0, 1>} : vector<16xf32>, vector<16xf32> -> vector<32xbf16>
      %bitcast3A_153 = vector.bitcast %pack3A_152 : vector<32xbf16> to vector<16xi32>
      %swap3A_154 = arith.index_cast %scan3A_127 : i32 to index
      %swap3A_155 = arith.constant 32 : index
      %swap3A_156 = tpu.vector_load %arg11[%swap3A_154, %swap3A_155] {strides = array<i32>} : memref<128x64xi32, #tpu.memory_space<vmem>>, vector<16xi32>,
      tpu.vector_store %arg11[%swap3A_154, %swap3A_155], %bitcast3A_153 {strides = array<i32>} : memref<128x64xi32, #tpu.memory_space<vmem>>, vector<16xi32>,
      %get3A_157 = arith.index_cast %scan3A_127 : i32 to index
      %get3A_158 = arith.constant 96 : index
      %get3A_159 = tpu.vector_load %arg10[%get3A_157, %get3A_158] {strides = array<i32>} : memref<128x128xf32, #tpu.memory_space<vmem>>, vector<16xf32>,
      %get3A_160 = arith.index_cast %scan3A_127 : i32 to index
      %get3A_161 = arith.constant 112 : index
      %get3A_162 = tpu.vector_load %arg10[%get3A_160, %get3A_161] {strides = array<i32>} : memref<128x128xf32, #tpu.memory_space<vmem>>, vector<16xf32>,
      %pack3A_163 = tpu.pack_subelements %get3A_159, %get3A_162 {pack_format = #tpu.pack_format<interleaved>, positions = array<i32: 0, 1>} : vector<16xf32>, vector<16xf32> -> vector<32xbf16>
      %bitcast3A_164 = vector.bitcast %pack3A_163 : vector<32xbf16> to vector<16xi32>
      %swap3A_165 = arith.index_cast %scan3A_127 : i32 to index
      %swap3A_166 = arith.constant 48 : index
      %swap3A_167 = tpu.vector_load %arg11[%swap3A_165, %swap3A_166] {strides = array<i32>} : memref<128x64xi32, #tpu.memory_space<vmem>>, vector<16xi32>,
      tpu.vector_store %arg11[%swap3A_165, %swap3A_166], %bitcast3A_164 {strides = array<i32>} : memref<128x64xi32, #tpu.memory_space<vmem>>, vector<16xi32>,
    }
    %scan3A_45 = arith.constant 128 : i32
    %iota3A = tpu.iota {dimensions = array<i32: 0>} : vector<16xi32>
    %scan3A_46 = arith.constant 0 : i32
    %scan3A_47 = arith.constant 0 : i32
    %scan3A_48 = arith.constant 32 : i32
    %scan3A_49 = arith.addi %scan3A_47, %scan3A_48 : i32
    %scan3A_50 = arith.constant 1 : i32
    scf.for %scan3A_127 = %scan3A_47 to %scan3A_49 step %scan3A_50  : i32 {
      %mul3A_128 = arith.constant 2 : i32
      %mul3A_129 = arith.muli %scan3A_127, %mul3A_128 : i32
      %add3A_130 = arith.constant 0 : i32
      %add3A_131 = arith.addi %mul3A_129, %add3A_130 : i32
      %ge3A = arith.constant 2 : i32
      %ge3A_132 = arith.cmpi sge, %add3A_131, %ge3A : i32
      %convert_element_type3A = arith.extui %ge3A_132 : i1 to i32
      %cond3A = arith.constant 0 : i32
      %cond3A_133 = arith.cmpi ne, %convert_element_type3A, %cond3A : i32
      scf.if %cond3A_133 {
        %sub3A_227 = arith.constant 2 : i32
        %sub3A_228 = arith.subi %add3A_131, %sub3A_227 : i32
        %mul3A_229 = arith.constant 2 : i32
        %mul3A_230 = arith.muli %sub3A_228, %mul3A_229 : i32
        %add3A_231 = arith.addi %mul3A_22, %mul3A_230 : i32
        %add3A_232 = arith.constant 0 : i32
        %add3A_233 = arith.addi %add3A_231, %add3A_232 : i32
        %dma_wait3A_234 = arith.constant 0 : i32
        %dma_wait3A_235 = arith.constant 0 : i32
        %dma_wait3A_236 = arith.constant 0 : i32
        %dma_wait3A_237 = tpu.memref_slice %arg12[%dma_wait3A_234, %dma_wait3A_235, %dma_wait3A_236] : memref<2x256x128xf32, #tpu.memory_space<vmem>> -> memref<1x128x128xf32, #tpu.memory_space<vmem>>
        %dma_wait3A_238 = tpu.memref_squeeze %dma_wait3A_237 : memref<1x128x128xf32, #tpu.memory_space<vmem>> -> memref<128x128xf32, #tpu.memory_space<vmem>>
        %dma_wait3A_239 = arith.constant 0 : i32
        %dma_wait3A_240 = tpu.memref_slice %arg6[%add3A_233, %mul3A_20, %dma_wait3A_239] : memref<256x2048x128xf32, #tpu.memory_space<hbm>> -> memref<1x128x128xf32, #tpu.memory_space<hbm>>
        %dma_wait3A_241 = tpu.memref_squeeze %dma_wait3A_240 : memref<1x128x128xf32, #tpu.memory_space<hbm>> -> memref<128x128xf32, #tpu.memory_space<hbm>>
        %dma_wait3A_242 = arith.constant 0 : i32
        %dma_wait3A_243 = tpu.memref_slice %arg6[%add3A_233, %mul3A_20, %dma_wait3A_242] : memref<256x2048x128xf32, #tpu.memory_space<hbm>> -> memref<1x128x128xf32, #tpu.memory_space<hbm>>
        %dma_wait3A_244 = tpu.memref_squeeze %dma_wait3A_243 : memref<1x128x128xf32, #tpu.memory_space<hbm>> -> memref<128x128xf32, #tpu.memory_space<hbm>>
        %dma_wait3A_245 = arith.constant 0 : i32
        %dma_wait3A_246 = arith.constant 0 : i32
        %dma_wait3A_247 = tpu.memref_slice %arg12[%dma_wait3A_234, %dma_wait3A_245, %dma_wait3A_246] : memref<2x256x128xf32, #tpu.memory_space<vmem>> -> memref<1x128x128xf32, #tpu.memory_space<vmem>>
        %dma_wait3A_248 = tpu.memref_squeeze %dma_wait3A_247 : memref<1x128x128xf32, #tpu.memory_space<vmem>> -> memref<128x128xf32, #tpu.memory_space<vmem>>
        tpu.wait_dma2 semaphore(%arg14 : memref<!tpu.dma_semaphore, #tpu.memory_space<semaphore_mem>>) src(%dma_wait3A_248 : memref<128x128xf32, #tpu.memory_space<vmem>>) dst(%dma_wait3A_244 : memref<128x128xf32, #tpu.memory_space<hbm>>)
        %mul3A_249 = arith.constant 2 : i32
        %mul3A_250 = arith.muli %sub3A_228, %mul3A_249 : i32
        %add3A_251 = arith.addi %mul3A_22, %mul3A_250 : i32
        %add3A_252 = arith.constant 1 : i32
        %add3A_253 = arith.addi %add3A_251, %add3A_252 : i32
        %dma_wait3A_254 = arith.constant 0 : i32
        %dma_wait3A_255 = arith.constant 128 : i32
        %dma_wait3A_256 = arith.constant 0 : i32
        %dma_wait3A_257 = tpu.memref_slice %arg12[%dma_wait3A_254, %dma_wait3A_255, %dma_wait3A_256] : memref<2x256x128xf32, #tpu.memory_space<vmem>> -> memref<1x128x128xf32, #tpu.memory_space<vmem>>
        %dma_wait3A_258 = tpu.memref_squeeze %dma_wait3A_257 : memref<1x128x128xf32, #tpu.memory_space<vmem>> -> memref<128x128xf32, #tpu.memory_space<vmem>>
        %dma_wait3A_259 = arith.constant 0 : i32
        %dma_wait3A_260 = tpu.memref_slice %arg6[%add3A_253, %mul3A_20, %dma_wait3A_259] : memref<256x2048x128xf32, #tpu.memory_space<hbm>> -> memref<1x128x128xf32, #tpu.memory_space<hbm>>
        %dma_wait3A_261 = tpu.memref_squeeze %dma_wait3A_260 : memref<1x128x128xf32, #tpu.memory_space<hbm>> -> memref<128x128xf32, #tpu.memory_space<hbm>>
        %dma_wait3A_262 = arith.constant 0 : i32
        %dma_wait3A_263 = tpu.memref_slice %arg6[%add3A_253, %mul3A_20, %dma_wait3A_262] : memref<256x2048x128xf32, #tpu.memory_space<hbm>> -> memref<1x128x128xf32, #tpu.memory_space<hbm>>
        %dma_wait3A_264 = tpu.memref_squeeze %dma_wait3A_263 : memref<1x128x128xf32, #tpu.memory_space<hbm>> -> memref<128x128xf32, #tpu.memory_space<hbm>>
        %dma_wait3A_265 = arith.constant 128 : i32
        %dma_wait3A_266 = arith.constant 0 : i32
        %dma_wait3A_267 = tpu.memref_slice %arg12[%dma_wait3A_254, %dma_wait3A_265, %dma_wait3A_266] : memref<2x256x128xf32, #tpu.memory_space<vmem>> -> memref<1x128x128xf32, #tpu.memory_space<vmem>>
        %dma_wait3A_268 = tpu.memref_squeeze %dma_wait3A_267 : memref<1x128x128xf32, #tpu.memory_space<vmem>> -> memref<128x128xf32, #tpu.memory_space<vmem>>
        tpu.wait_dma2 semaphore(%arg14 : memref<!tpu.dma_semaphore, #tpu.memory_space<semaphore_mem>>) src(%dma_wait3A_268 : memref<128x128xf32, #tpu.memory_space<vmem>>) dst(%dma_wait3A_264 : memref<128x128xf32, #tpu.memory_space<hbm>>)
      } else {
      }
      %parallel_loop3A = arith.constant 0 : i32
      %parallel_loop3A_134 = arith.constant 256 : i32
      %parallel_loop3A_135 = arith.constant 1 : i32
      scf.for %parallel_loop3A_227 = %parallel_loop3A to %parallel_loop3A_134 step %parallel_loop3A_135  : i32 {
        %parallel_loop3A_228 = arith.constant 2 : i32
        %parallel_loop3A_229 = arith.muli %add3A_131, %parallel_loop3A_228 : i32
        %parallel_loop3A_230 = arith.constant 128 : i32
        %parallel_loop3A_231 = arith.muli %parallel_loop3A_229, %parallel_loop3A_230 : i32
        %parallel_loop3A_232 = arith.addi %parallel_loop3A_231, %parallel_loop3A_227 : i32
        %parallel_loop3A_233 = vector.broadcast %parallel_loop3A_232 : i32 to vector<16xi32>
        %parallel_loop3A_234 = tpu.vector_load_idx %arg7[%parallel_loop3A_233] : memref<16384xi32, #tpu.memory_space<vmem>>[vector<16xi32>], vector<16xi32>,
        %parallel_loop3A_235 = arith.constant 64 : i32
        %parallel_loop3A_236 = vector.broadcast %parallel_loop3A_235 : i32 to vector<16xi32>
        %parallel_loop3A_237 = arith.muli %parallel_loop3A_234, %parallel_loop3A_236 : vector<16xi32>
        %parallel_loop3A_238 = arith.addi %parallel_loop3A_237, %iota3A : vector<16xi32>
        %parallel_loop3A_239 = arith.constant 128 : i32
        %parallel_loop3A_240 = arith.remsi %parallel_loop3A_227, %parallel_loop3A_239 : i32
        %parallel_loop3A_241 = arith.constant 0 : i32
        %parallel_loop3A_242 = vector.broadcast %parallel_loop3A_241 : i32 to vector<16xi32>
        %parallel_loop3A_243 = arith.addi %parallel_loop3A_238, %parallel_loop3A_242 : vector<16xi32>
        %parallel_loop3A_244 = tpu.vector_load_idx %arg8[%parallel_loop3A_243] : memref<14528xi32, #tpu.memory_space<vmem>>[vector<16xi32>], vector<16xi32>,
        %parallel_loop3A_245 = arith.index_cast %parallel_loop3A_240 : i32 to index
        %parallel_loop3A_246 = arith.constant 0 : index
        %parallel_loop3A_247 = tpu.vector_load %arg11[%parallel_loop3A_245, %parallel_loop3A_246] {strides = array<i32>} : memref<128x64xi32, #tpu.memory_space<vmem>>, vector<16xi32>,
        %parallel_loop3A_248 = vector.bitcast %parallel_loop3A_244 : vector<16xi32> to vector<32xbf16>
        %parallel_loop3A_249 = tpu.unpack_subelements %parallel_loop3A_248, 0 {pack_format = #tpu.pack_format<interleaved>} : vector<32xbf16> -> vector<16xf32>
        %parallel_loop3A_250 = tpu.unpack_subelements %parallel_loop3A_248, 1 {pack_format = #tpu.pack_format<interleaved>} : vector<32xbf16> -> vector<16xf32>
        %parallel_loop3A_251 = vector.bitcast %parallel_loop3A_247 : vector<16xi32> to vector<32xbf16>
        %parallel_loop3A_252 = tpu.unpack_subelements %parallel_loop3A_251, 0 {pack_format = #tpu.pack_format<interleaved>} : vector<32xbf16> -> vector<16xf32>
        %parallel_loop3A_253 = tpu.unpack_subelements %parallel_loop3A_251, 1 {pack_format = #tpu.pack_format<interleaved>} : vector<32xbf16> -> vector<16xf32>
        %parallel_loop3A_254 = arith.addf %parallel_loop3A_249, %parallel_loop3A_252 : vector<16xf32>
        %parallel_loop3A_255 = arith.constant 0 : i32
        %parallel_loop3A_256 = arith.index_cast %parallel_loop3A_255 : i32 to index
        %parallel_loop3A_257 = arith.index_cast %parallel_loop3A_227 : i32 to index
        %parallel_loop3A_258 = arith.constant 0 : index
        %parallel_loop3A_259 = tpu.vector_load %arg12[%parallel_loop3A_256, %parallel_loop3A_257, %parallel_loop3A_258] {strides = array<i32>} : memref<2x256x128xf32, #tpu.memory_space<vmem>>, vector<16xf32>,
        tpu.vector_store %arg12[%parallel_loop3A_256, %parallel_loop3A_257, %parallel_loop3A_258], %parallel_loop3A_254 {strides = array<i32>} : memref<2x256x128xf32, #tpu.memory_space<vmem>>, vector<16xf32>,
        %parallel_loop3A_260 = arith.addf %parallel_loop3A_250, %parallel_loop3A_253 : vector<16xf32>
        %parallel_loop3A_261 = arith.constant 0 : i32
        %parallel_loop3A_262 = arith.index_cast %parallel_loop3A_261 : i32 to index
        %parallel_loop3A_263 = arith.index_cast %parallel_loop3A_227 : i32 to index
        %parallel_loop3A_264 = arith.constant 16 : index
        %parallel_loop3A_265 = tpu.vector_load %arg12[%parallel_loop3A_262, %parallel_loop3A_263, %parallel_loop3A_264] {strides = array<i32>} : memref<2x256x128xf32, #tpu.memory_space<vmem>>, vector<16xf32>,
        tpu.vector_store %arg12[%parallel_loop3A_262, %parallel_loop3A_263, %parallel_loop3A_264], %parallel_loop3A_260 {strides = array<i32>} : memref<2x256x128xf32, #tpu.memory_space<vmem>>, vector<16xf32>,
        %parallel_loop3A_266 = arith.constant 16 : i32
        %parallel_loop3A_267 = vector.broadcast %parallel_loop3A_266 : i32 to vector<16xi32>
        %parallel_loop3A_268 = arith.addi %parallel_loop3A_238, %parallel_loop3A_267 : vector<16xi32>
        %parallel_loop3A_269 = tpu.vector_load_idx %arg8[%parallel_loop3A_268] : memref<14528xi32, #tpu.memory_space<vmem>>[vector<16xi32>], vector<16xi32>,
        %parallel_loop3A_270 = arith.index_cast %parallel_loop3A_240 : i32 to index
        %parallel_loop3A_271 = arith.constant 16 : index
        %parallel_loop3A_272 = tpu.vector_load %arg11[%parallel_loop3A_270, %parallel_loop3A_271] {strides = array<i32>} : memref<128x64xi32, #tpu.memory_space<vmem>>, vector<16xi32>,
        %parallel_loop3A_273 = vector.bitcast %parallel_loop3A_269 : vector<16xi32> to vector<32xbf16>
        %parallel_loop3A_274 = tpu.unpack_subelements %parallel_loop3A_273, 0 {pack_format = #tpu.pack_format<interleaved>} : vector<32xbf16> -> vector<16xf32>
        %parallel_loop3A_275 = tpu.unpack_subelements %parallel_loop3A_273, 1 {pack_format = #tpu.pack_format<interleaved>} : vector<32xbf16> -> vector<16xf32>
        %parallel_loop3A_276 = vector.bitcast %parallel_loop3A_272 : vector<16xi32> to vector<32xbf16>
        %parallel_loop3A_277 = tpu.unpack_subelements %parallel_loop3A_276, 0 {pack_format = #tpu.pack_format<interleaved>} : vector<32xbf16> -> vector<16xf32>
        %parallel_loop3A_278 = tpu.unpack_subelements %parallel_loop3A_276, 1 {pack_format = #tpu.pack_format<interleaved>} : vector<32xbf16> -> vector<16xf32>
        %parallel_loop3A_279 = arith.addf %parallel_loop3A_274, %parallel_loop3A_277 : vector<16xf32>
        %parallel_loop3A_280 = arith.constant 0 : i32
        %parallel_loop3A_281 = arith.index_cast %parallel_loop3A_280 : i32 to index
        %parallel_loop3A_282 = arith.index_cast %parallel_loop3A_227 : i32 to index
        %parallel_loop3A_283 = arith.constant 32 : index
        %parallel_loop3A_284 = tpu.vector_load %arg12[%parallel_loop3A_281, %parallel_loop3A_282, %parallel_loop3A_283] {strides = array<i32>} : memref<2x256x128xf32, #tpu.memory_space<vmem>>, vector<16xf32>,
        tpu.vector_store %arg12[%parallel_loop3A_281, %parallel_loop3A_282, %parallel_loop3A_283], %parallel_loop3A_279 {strides = array<i32>} : memref<2x256x128xf32, #tpu.memory_space<vmem>>, vector<16xf32>,
        %parallel_loop3A_285 = arith.addf %parallel_loop3A_275, %parallel_loop3A_278 : vector<16xf32>
        %parallel_loop3A_286 = arith.constant 0 : i32
        %parallel_loop3A_287 = arith.index_cast %parallel_loop3A_286 : i32 to index
        %parallel_loop3A_288 = arith.index_cast %parallel_loop3A_227 : i32 to index
        %parallel_loop3A_289 = arith.constant 48 : index
        %parallel_loop3A_290 = tpu.vector_load %arg12[%parallel_loop3A_287, %parallel_loop3A_288, %parallel_loop3A_289] {strides = array<i32>} : memref<2x256x128xf32, #tpu.memory_space<vmem>>, vector<16xf32>,
        tpu.vector_store %arg12[%parallel_loop3A_287, %parallel_loop3A_288, %parallel_loop3A_289], %parallel_loop3A_285 {strides = array<i32>} : memref<2x256x128xf32, #tpu.memory_space<vmem>>, vector<16xf32>,
        %parallel_loop3A_291 = arith.constant 32 : i32
        %parallel_loop3A_292 = vector.broadcast %parallel_loop3A_291 : i32 to vector<16xi32>
        %parallel_loop3A_293 = arith.addi %parallel_loop3A_238, %parallel_loop3A_292 : vector<16xi32>
        %parallel_loop3A_294 = tpu.vector_load_idx %arg8[%parallel_loop3A_293] : memref<14528xi32, #tpu.memory_space<vmem>>[vector<16xi32>], vector<16xi32>,
        %parallel_loop3A_295 = arith.index_cast %parallel_loop3A_240 : i32 to index
        %parallel_loop3A_296 = arith.constant 32 : index
        %parallel_loop3A_297 = tpu.vector_load %arg11[%parallel_loop3A_295, %parallel_loop3A_296] {strides = array<i32>} : memref<128x64xi32, #tpu.memory_space<vmem>>, vector<16xi32>,
        %parallel_loop3A_298 = vector.bitcast %parallel_loop3A_294 : vector<16xi32> to vector<32xbf16>
        %parallel_loop3A_299 = tpu.unpack_subelements %parallel_loop3A_298, 0 {pack_format = #tpu.pack_format<interleaved>} : vector<32xbf16> -> vector<16xf32>
        %parallel_loop3A_300 = tpu.unpack_subelements %parallel_loop3A_298, 1 {pack_format = #tpu.pack_format<interleaved>} : vector<32xbf16> -> vector<16xf32>
        %parallel_loop3A_301 = vector.bitcast %parallel_loop3A_297 : vector<16xi32> to vector<32xbf16>
        %parallel_loop3A_302 = tpu.unpack_subelements %parallel_loop3A_301, 0 {pack_format = #tpu.pack_format<interleaved>} : vector<32xbf16> -> vector<16xf32>
        %parallel_loop3A_303 = tpu.unpack_subelements %parallel_loop3A_301, 1 {pack_format = #tpu.pack_format<interleaved>} : vector<32xbf16> -> vector<16xf32>
        %parallel_loop3A_304 = arith.addf %parallel_loop3A_299, %parallel_loop3A_302 : vector<16xf32>
        %parallel_loop3A_305 = arith.constant 0 : i32
        %parallel_loop3A_306 = arith.index_cast %parallel_loop3A_305 : i32 to index
        %parallel_loop3A_307 = arith.index_cast %parallel_loop3A_227 : i32 to index
        %parallel_loop3A_308 = arith.constant 64 : index
        %parallel_loop3A_309 = tpu.vector_load %arg12[%parallel_loop3A_306, %parallel_loop3A_307, %parallel_loop3A_308] {strides = array<i32>} : memref<2x256x128xf32, #tpu.memory_space<vmem>>, vector<16xf32>,
        tpu.vector_store %arg12[%parallel_loop3A_306, %parallel_loop3A_307, %parallel_loop3A_308], %parallel_loop3A_304 {strides = array<i32>} : memref<2x256x128xf32, #tpu.memory_space<vmem>>, vector<16xf32>,
        %parallel_loop3A_310 = arith.addf %parallel_loop3A_300, %parallel_loop3A_303 : vector<16xf32>
        %parallel_loop3A_311 = arith.constant 0 : i32
        %parallel_loop3A_312 = arith.index_cast %parallel_loop3A_311 : i32 to index
        %parallel_loop3A_313 = arith.index_cast %parallel_loop3A_227 : i32 to index
        %parallel_loop3A_314 = arith.constant 80 : index
        %parallel_loop3A_315 = tpu.vector_load %arg12[%parallel_loop3A_312, %parallel_loop3A_313, %parallel_loop3A_314] {strides = array<i32>} : memref<2x256x128xf32, #tpu.memory_space<vmem>>, vector<16xf32>,
        tpu.vector_store %arg12[%parallel_loop3A_312, %parallel_loop3A_313, %parallel_loop3A_314], %parallel_loop3A_310 {strides = array<i32>} : memref<2x256x128xf32, #tpu.memory_space<vmem>>, vector<16xf32>,
        %parallel_loop3A_316 = arith.constant 48 : i32
        %parallel_loop3A_317 = vector.broadcast %parallel_loop3A_316 : i32 to vector<16xi32>
        %parallel_loop3A_318 = arith.addi %parallel_loop3A_238, %parallel_loop3A_317 : vector<16xi32>
        %parallel_loop3A_319 = tpu.vector_load_idx %arg8[%parallel_loop3A_318] : memref<14528xi32, #tpu.memory_space<vmem>>[vector<16xi32>], vector<16xi32>,
        %parallel_loop3A_320 = arith.index_cast %parallel_loop3A_240 : i32 to index
        %parallel_loop3A_321 = arith.constant 48 : index
        %parallel_loop3A_322 = tpu.vector_load %arg11[%parallel_loop3A_320, %parallel_loop3A_321] {strides = array<i32>} : memref<128x64xi32, #tpu.memory_space<vmem>>, vector<16xi32>,
        %parallel_loop3A_323 = vector.bitcast %parallel_loop3A_319 : vector<16xi32> to vector<32xbf16>
        %parallel_loop3A_324 = tpu.unpack_subelements %parallel_loop3A_323, 0 {pack_format = #tpu.pack_format<interleaved>} : vector<32xbf16> -> vector<16xf32>
        %parallel_loop3A_325 = tpu.unpack_subelements %parallel_loop3A_323, 1 {pack_format = #tpu.pack_format<interleaved>} : vector<32xbf16> -> vector<16xf32>
        %parallel_loop3A_326 = vector.bitcast %parallel_loop3A_322 : vector<16xi32> to vector<32xbf16>
        %parallel_loop3A_327 = tpu.unpack_subelements %parallel_loop3A_326, 0 {pack_format = #tpu.pack_format<interleaved>} : vector<32xbf16> -> vector<16xf32>
        %parallel_loop3A_328 = tpu.unpack_subelements %parallel_loop3A_326, 1 {pack_format = #tpu.pack_format<interleaved>} : vector<32xbf16> -> vector<16xf32>
        %parallel_loop3A_329 = arith.addf %parallel_loop3A_324, %parallel_loop3A_327 : vector<16xf32>
        %parallel_loop3A_330 = arith.constant 0 : i32
        %parallel_loop3A_331 = arith.index_cast %parallel_loop3A_330 : i32 to index
        %parallel_loop3A_332 = arith.index_cast %parallel_loop3A_227 : i32 to index
        %parallel_loop3A_333 = arith.constant 96 : index
        %parallel_loop3A_334 = tpu.vector_load %arg12[%parallel_loop3A_331, %parallel_loop3A_332, %parallel_loop3A_333] {strides = array<i32>} : memref<2x256x128xf32, #tpu.memory_space<vmem>>, vector<16xf32>,
        tpu.vector_store %arg12[%parallel_loop3A_331, %parallel_loop3A_332, %parallel_loop3A_333], %parallel_loop3A_329 {strides = array<i32>} : memref<2x256x128xf32, #tpu.memory_space<vmem>>, vector<16xf32>,
        %parallel_loop3A_335 = arith.addf %parallel_loop3A_325, %parallel_loop3A_328 : vector<16xf32>
        %parallel_loop3A_336 = arith.constant 0 : i32
        %parallel_loop3A_337 = arith.index_cast %parallel_loop3A_336 : i32 to index
        %parallel_loop3A_338 = arith.index_cast %parallel_loop3A_227 : i32 to index
        %parallel_loop3A_339 = arith.constant 112 : index
        %parallel_loop3A_340 = tpu.vector_load %arg12[%parallel_loop3A_337, %parallel_loop3A_338, %parallel_loop3A_339] {strides = array<i32>} : memref<2x256x128xf32, #tpu.memory_space<vmem>>, vector<16xf32>,
        tpu.vector_store %arg12[%parallel_loop3A_337, %parallel_loop3A_338, %parallel_loop3A_339], %parallel_loop3A_335 {strides = array<i32>} : memref<2x256x128xf32, #tpu.memory_space<vmem>>, vector<16xf32>,
      } {sc.loop_unroll_factor = 8 : i64, sc.parallel_access}
      %mul3A_136 = arith.constant 2 : i32
      %mul3A_137 = arith.muli %add3A_131, %mul3A_136 : i32
      %add3A_138 = arith.addi %mul3A_22, %mul3A_137 : i32
      %add3A_139 = arith.constant 0 : i32
      %add3A_140 = arith.addi %add3A_138, %add3A_139 : i32
      %dma_start3A = arith.constant 0 : i32
      %dma_start3A_141 = arith.constant 0 : i32
      %dma_start3A_142 = arith.constant 0 : i32
      %dma_start3A_143 = tpu.memref_slice %arg12[%dma_start3A, %dma_start3A_141, %dma_start3A_142] : memref<2x256x128xf32, #tpu.memory_space<vmem>> -> memref<1x128x128xf32, #tpu.memory_space<vmem>>
      %dma_start3A_144 = tpu.memref_squeeze %dma_start3A_143 : memref<1x128x128xf32, #tpu.memory_space<vmem>> -> memref<128x128xf32, #tpu.memory_space<vmem>>
      %dma_start3A_145 = arith.constant 0 : i32
      %dma_start3A_146 = tpu.memref_slice %arg6[%add3A_140, %mul3A_20, %dma_start3A_145] : memref<256x2048x128xf32, #tpu.memory_space<hbm>> -> memref<1x128x128xf32, #tpu.memory_space<hbm>>
      %dma_start3A_147 = tpu.memref_squeeze %dma_start3A_146 : memref<1x128x128xf32, #tpu.memory_space<hbm>> -> memref<128x128xf32, #tpu.memory_space<hbm>>
      %dma_start3A_148 = arith.constant 0 : i32
      %dma_start3A_149 = tpu.memref_slice %arg6[%add3A_140, %mul3A_20, %dma_start3A_148] : memref<256x2048x128xf32, #tpu.memory_space<hbm>> -> memref<1x128x128xf32, #tpu.memory_space<hbm>>
      %dma_start3A_150 = tpu.memref_squeeze %dma_start3A_149 : memref<1x128x128xf32, #tpu.memory_space<hbm>> -> memref<128x128xf32, #tpu.memory_space<hbm>>
      %dma_start3A_151 = arith.constant 0 : i32
      %dma_start3A_152 = arith.constant 0 : i32
      %dma_start3A_153 = tpu.memref_slice %arg12[%dma_start3A, %dma_start3A_151, %dma_start3A_152] : memref<2x256x128xf32, #tpu.memory_space<vmem>> -> memref<1x128x128xf32, #tpu.memory_space<vmem>>
      %dma_start3A_154 = tpu.memref_squeeze %dma_start3A_153 : memref<1x128x128xf32, #tpu.memory_space<vmem>> -> memref<128x128xf32, #tpu.memory_space<vmem>>
      tpu.enqueue_dma source(%dma_start3A_154 : memref<128x128xf32, #tpu.memory_space<vmem>>) target(%dma_start3A_150 : memref<128x128xf32, #tpu.memory_space<hbm>>) target_semaphore(%arg14 : memref<!tpu.dma_semaphore, #tpu.memory_space<semaphore_mem>>)
      %mul3A_155 = arith.constant 2 : i32
      %mul3A_156 = arith.muli %add3A_131, %mul3A_155 : i32
      %add3A_157 = arith.addi %mul3A_22, %mul3A_156 : i32
      %add3A_158 = arith.constant 1 : i32
      %add3A_159 = arith.addi %add3A_157, %add3A_158 : i32
      %dma_start3A_160 = arith.constant 0 : i32
      %dma_start3A_161 = arith.constant 128 : i32
      %dma_start3A_162 = arith.constant 0 : i32
      %dma_start3A_163 = tpu.memref_slice %arg12[%dma_start3A_160, %dma_start3A_161, %dma_start3A_162] : memref<2x256x128xf32, #tpu.memory_space<vmem>> -> memref<1x128x128xf32, #tpu.memory_space<vmem>>
      %dma_start3A_164 = tpu.memref_squeeze %dma_start3A_163 : memref<1x128x128xf32, #tpu.memory_space<vmem>> -> memref<128x128xf32, #tpu.memory_space<vmem>>
      %dma_start3A_165 = arith.constant 0 : i32
      %dma_start3A_166 = tpu.memref_slice %arg6[%add3A_159, %mul3A_20, %dma_start3A_165] : memref<256x2048x128xf32, #tpu.memory_space<hbm>> -> memref<1x128x128xf32, #tpu.memory_space<hbm>>
      %dma_start3A_167 = tpu.memref_squeeze %dma_start3A_166 : memref<1x128x128xf32, #tpu.memory_space<hbm>> -> memref<128x128xf32, #tpu.memory_space<hbm>>
      %dma_start3A_168 = arith.constant 0 : i32
      %dma_start3A_169 = tpu.memref_slice %arg6[%add3A_159, %mul3A_20, %dma_start3A_168] : memref<256x2048x128xf32, #tpu.memory_space<hbm>> -> memref<1x128x128xf32, #tpu.memory_space<hbm>>
      %dma_start3A_170 = tpu.memref_squeeze %dma_start3A_169 : memref<1x128x128xf32, #tpu.memory_space<hbm>> -> memref<128x128xf32, #tpu.memory_space<hbm>>
      %dma_start3A_171 = arith.constant 128 : i32
      %dma_start3A_172 = arith.constant 0 : i32
      %dma_start3A_173 = tpu.memref_slice %arg12[%dma_start3A_160, %dma_start3A_171, %dma_start3A_172] : memref<2x256x128xf32, #tpu.memory_space<vmem>> -> memref<1x128x128xf32, #tpu.memory_space<vmem>>
      %dma_start3A_174 = tpu.memref_squeeze %dma_start3A_173 : memref<1x128x128xf32, #tpu.memory_space<vmem>> -> memref<128x128xf32, #tpu.memory_space<vmem>>
      tpu.enqueue_dma source(%dma_start3A_174 : memref<128x128xf32, #tpu.memory_space<vmem>>) target(%dma_start3A_170 : memref<128x128xf32, #tpu.memory_space<hbm>>) target_semaphore(%arg14 : memref<!tpu.dma_semaphore, #tpu.memory_space<semaphore_mem>>)
      %mul3A_175 = arith.constant 2 : i32
      %mul3A_176 = arith.muli %scan3A_127, %mul3A_175 : i32
      %add3A_177 = arith.constant 1 : i32
      %add3A_178 = arith.addi %mul3A_176, %add3A_177 : i32
      %ge3A_179 = arith.constant 2 : i32
      %ge3A_180 = arith.cmpi sge, %add3A_178, %ge3A_179 : i32
      %convert_element_type3A_181 = arith.extui %ge3A_180 : i1 to i32
      %cond3A_182 = arith.constant 0 : i32
      %cond3A_183 = arith.cmpi ne, %convert_element_type3A_181, %cond3A_182 : i32
      scf.if %cond3A_183 {
        %sub3A_227 = arith.constant 2 : i32
        %sub3A_228 = arith.subi %add3A_178, %sub3A_227 : i32
        %mul3A_229 = arith.constant 2 : i32
        %mul3A_230 = arith.muli %sub3A_228, %mul3A_229 : i32
        %add3A_231 = arith.addi %mul3A_22, %mul3A_230 : i32
        %add3A_232 = arith.constant 0 : i32
        %add3A_233 = arith.addi %add3A_231, %add3A_232 : i32
        %dma_wait3A_234 = arith.constant 1 : i32
        %dma_wait3A_235 = arith.constant 0 : i32
        %dma_wait3A_236 = arith.constant 0 : i32
        %dma_wait3A_237 = tpu.memref_slice %arg12[%dma_wait3A_234, %dma_wait3A_235, %dma_wait3A_236] : memref<2x256x128xf32, #tpu.memory_space<vmem>> -> memref<1x128x128xf32, #tpu.memory_space<vmem>>
        %dma_wait3A_238 = tpu.memref_squeeze %dma_wait3A_237 : memref<1x128x128xf32, #tpu.memory_space<vmem>> -> memref<128x128xf32, #tpu.memory_space<vmem>>
        %dma_wait3A_239 = arith.constant 0 : i32
        %dma_wait3A_240 = tpu.memref_slice %arg6[%add3A_233, %mul3A_20, %dma_wait3A_239] : memref<256x2048x128xf32, #tpu.memory_space<hbm>> -> memref<1x128x128xf32, #tpu.memory_space<hbm>>
        %dma_wait3A_241 = tpu.memref_squeeze %dma_wait3A_240 : memref<1x128x128xf32, #tpu.memory_space<hbm>> -> memref<128x128xf32, #tpu.memory_space<hbm>>
        %dma_wait3A_242 = arith.constant 0 : i32
        %dma_wait3A_243 = tpu.memref_slice %arg6[%add3A_233, %mul3A_20, %dma_wait3A_242] : memref<256x2048x128xf32, #tpu.memory_space<hbm>> -> memref<1x128x128xf32, #tpu.memory_space<hbm>>
        %dma_wait3A_244 = tpu.memref_squeeze %dma_wait3A_243 : memref<1x128x128xf32, #tpu.memory_space<hbm>> -> memref<128x128xf32, #tpu.memory_space<hbm>>
        %dma_wait3A_245 = arith.constant 0 : i32
        %dma_wait3A_246 = arith.constant 0 : i32
        %dma_wait3A_247 = tpu.memref_slice %arg12[%dma_wait3A_234, %dma_wait3A_245, %dma_wait3A_246] : memref<2x256x128xf32, #tpu.memory_space<vmem>> -> memref<1x128x128xf32, #tpu.memory_space<vmem>>
        %dma_wait3A_248 = tpu.memref_squeeze %dma_wait3A_247 : memref<1x128x128xf32, #tpu.memory_space<vmem>> -> memref<128x128xf32, #tpu.memory_space<vmem>>
        tpu.wait_dma2 semaphore(%arg15 : memref<!tpu.dma_semaphore, #tpu.memory_space<semaphore_mem>>) src(%dma_wait3A_248 : memref<128x128xf32, #tpu.memory_space<vmem>>) dst(%dma_wait3A_244 : memref<128x128xf32, #tpu.memory_space<hbm>>)
        %mul3A_249 = arith.constant 2 : i32
        %mul3A_250 = arith.muli %sub3A_228, %mul3A_249 : i32
        %add3A_251 = arith.addi %mul3A_22, %mul3A_250 : i32
        %add3A_252 = arith.constant 1 : i32
        %add3A_253 = arith.addi %add3A_251, %add3A_252 : i32
        %dma_wait3A_254 = arith.constant 1 : i32
        %dma_wait3A_255 = arith.constant 128 : i32
        %dma_wait3A_256 = arith.constant 0 : i32
        %dma_wait3A_257 = tpu.memref_slice %arg12[%dma_wait3A_254, %dma_wait3A_255, %dma_wait3A_256] : memref<2x256x128xf32, #tpu.memory_space<vmem>> -> memref<1x128x128xf32, #tpu.memory_space<vmem>>
        %dma_wait3A_258 = tpu.memref_squeeze %dma_wait3A_257 : memref<1x128x128xf32, #tpu.memory_space<vmem>> -> memref<128x128xf32, #tpu.memory_space<vmem>>
        %dma_wait3A_259 = arith.constant 0 : i32
        %dma_wait3A_260 = tpu.memref_slice %arg6[%add3A_253, %mul3A_20, %dma_wait3A_259] : memref<256x2048x128xf32, #tpu.memory_space<hbm>> -> memref<1x128x128xf32, #tpu.memory_space<hbm>>
        %dma_wait3A_261 = tpu.memref_squeeze %dma_wait3A_260 : memref<1x128x128xf32, #tpu.memory_space<hbm>> -> memref<128x128xf32, #tpu.memory_space<hbm>>
        %dma_wait3A_262 = arith.constant 0 : i32
        %dma_wait3A_263 = tpu.memref_slice %arg6[%add3A_253, %mul3A_20, %dma_wait3A_262] : memref<256x2048x128xf32, #tpu.memory_space<hbm>> -> memref<1x128x128xf32, #tpu.memory_space<hbm>>
        %dma_wait3A_264 = tpu.memref_squeeze %dma_wait3A_263 : memref<1x128x128xf32, #tpu.memory_space<hbm>> -> memref<128x128xf32, #tpu.memory_space<hbm>>
        %dma_wait3A_265 = arith.constant 128 : i32
        %dma_wait3A_266 = arith.constant 0 : i32
        %dma_wait3A_267 = tpu.memref_slice %arg12[%dma_wait3A_254, %dma_wait3A_265, %dma_wait3A_266] : memref<2x256x128xf32, #tpu.memory_space<vmem>> -> memref<1x128x128xf32, #tpu.memory_space<vmem>>
        %dma_wait3A_268 = tpu.memref_squeeze %dma_wait3A_267 : memref<1x128x128xf32, #tpu.memory_space<vmem>> -> memref<128x128xf32, #tpu.memory_space<vmem>>
        tpu.wait_dma2 semaphore(%arg15 : memref<!tpu.dma_semaphore, #tpu.memory_space<semaphore_mem>>) src(%dma_wait3A_268 : memref<128x128xf32, #tpu.memory_space<vmem>>) dst(%dma_wait3A_264 : memref<128x128xf32, #tpu.memory_space<hbm>>)
      } else {
      }
      %parallel_loop3A_184 = arith.constant 0 : i32
      %parallel_loop3A_185 = arith.constant 256 : i32
      %parallel_loop3A_186 = arith.constant 1 : i32
      scf.for %parallel_loop3A_227 = %parallel_loop3A_184 to %parallel_loop3A_185 step %parallel_loop3A_186  : i32 {
        %parallel_loop3A_228 = arith.constant 2 : i32
        %parallel_loop3A_229 = arith.muli %add3A_178, %parallel_loop3A_228 : i32
        %parallel_loop3A_230 = arith.constant 128 : i32
        %parallel_loop3A_231 = arith.muli %parallel_loop3A_229, %parallel_loop3A_230 : i32
        %parallel_loop3A_232 = arith.addi %parallel_loop3A_231, %parallel_loop3A_227 : i32
        %parallel_loop3A_233 = vector.broadcast %parallel_loop3A_232 : i32 to vector<16xi32>
        %parallel_loop3A_234 = tpu.vector_load_idx %arg7[%parallel_loop3A_233] : memref<16384xi32, #tpu.memory_space<vmem>>[vector<16xi32>], vector<16xi32>,
        %parallel_loop3A_235 = arith.constant 64 : i32
        %parallel_loop3A_236 = vector.broadcast %parallel_loop3A_235 : i32 to vector<16xi32>
        %parallel_loop3A_237 = arith.muli %parallel_loop3A_234, %parallel_loop3A_236 : vector<16xi32>
        %parallel_loop3A_238 = arith.addi %parallel_loop3A_237, %iota3A : vector<16xi32>
        %parallel_loop3A_239 = arith.constant 128 : i32
        %parallel_loop3A_240 = arith.remsi %parallel_loop3A_227, %parallel_loop3A_239 : i32
        %parallel_loop3A_241 = arith.constant 0 : i32
        %parallel_loop3A_242 = vector.broadcast %parallel_loop3A_241 : i32 to vector<16xi32>
        %parallel_loop3A_243 = arith.addi %parallel_loop3A_238, %parallel_loop3A_242 : vector<16xi32>
        %parallel_loop3A_244 = tpu.vector_load_idx %arg8[%parallel_loop3A_243] : memref<14528xi32, #tpu.memory_space<vmem>>[vector<16xi32>], vector<16xi32>,
        %parallel_loop3A_245 = arith.index_cast %parallel_loop3A_240 : i32 to index
        %parallel_loop3A_246 = arith.constant 0 : index
        %parallel_loop3A_247 = tpu.vector_load %arg11[%parallel_loop3A_245, %parallel_loop3A_246] {strides = array<i32>} : memref<128x64xi32, #tpu.memory_space<vmem>>, vector<16xi32>,
        %parallel_loop3A_248 = vector.bitcast %parallel_loop3A_244 : vector<16xi32> to vector<32xbf16>
        %parallel_loop3A_249 = tpu.unpack_subelements %parallel_loop3A_248, 0 {pack_format = #tpu.pack_format<interleaved>} : vector<32xbf16> -> vector<16xf32>
        %parallel_loop3A_250 = tpu.unpack_subelements %parallel_loop3A_248, 1 {pack_format = #tpu.pack_format<interleaved>} : vector<32xbf16> -> vector<16xf32>
        %parallel_loop3A_251 = vector.bitcast %parallel_loop3A_247 : vector<16xi32> to vector<32xbf16>
        %parallel_loop3A_252 = tpu.unpack_subelements %parallel_loop3A_251, 0 {pack_format = #tpu.pack_format<interleaved>} : vector<32xbf16> -> vector<16xf32>
        %parallel_loop3A_253 = tpu.unpack_subelements %parallel_loop3A_251, 1 {pack_format = #tpu.pack_format<interleaved>} : vector<32xbf16> -> vector<16xf32>
        %parallel_loop3A_254 = arith.addf %parallel_loop3A_249, %parallel_loop3A_252 : vector<16xf32>
        %parallel_loop3A_255 = arith.constant 1 : i32
        %parallel_loop3A_256 = arith.index_cast %parallel_loop3A_255 : i32 to index
        %parallel_loop3A_257 = arith.index_cast %parallel_loop3A_227 : i32 to index
        %parallel_loop3A_258 = arith.constant 0 : index
        %parallel_loop3A_259 = tpu.vector_load %arg12[%parallel_loop3A_256, %parallel_loop3A_257, %parallel_loop3A_258] {strides = array<i32>} : memref<2x256x128xf32, #tpu.memory_space<vmem>>, vector<16xf32>,
        tpu.vector_store %arg12[%parallel_loop3A_256, %parallel_loop3A_257, %parallel_loop3A_258], %parallel_loop3A_254 {strides = array<i32>} : memref<2x256x128xf32, #tpu.memory_space<vmem>>, vector<16xf32>,
        %parallel_loop3A_260 = arith.addf %parallel_loop3A_250, %parallel_loop3A_253 : vector<16xf32>
        %parallel_loop3A_261 = arith.constant 1 : i32
        %parallel_loop3A_262 = arith.index_cast %parallel_loop3A_261 : i32 to index
        %parallel_loop3A_263 = arith.index_cast %parallel_loop3A_227 : i32 to index
        %parallel_loop3A_264 = arith.constant 16 : index
        %parallel_loop3A_265 = tpu.vector_load %arg12[%parallel_loop3A_262, %parallel_loop3A_263, %parallel_loop3A_264] {strides = array<i32>} : memref<2x256x128xf32, #tpu.memory_space<vmem>>, vector<16xf32>,
        tpu.vector_store %arg12[%parallel_loop3A_262, %parallel_loop3A_263, %parallel_loop3A_264], %parallel_loop3A_260 {strides = array<i32>} : memref<2x256x128xf32, #tpu.memory_space<vmem>>, vector<16xf32>,
        %parallel_loop3A_266 = arith.constant 16 : i32
        %parallel_loop3A_267 = vector.broadcast %parallel_loop3A_266 : i32 to vector<16xi32>
        %parallel_loop3A_268 = arith.addi %parallel_loop3A_238, %parallel_loop3A_267 : vector<16xi32>
        %parallel_loop3A_269 = tpu.vector_load_idx %arg8[%parallel_loop3A_268] : memref<14528xi32, #tpu.memory_space<vmem>>[vector<16xi32>], vector<16xi32>,
        %parallel_loop3A_270 = arith.index_cast %parallel_loop3A_240 : i32 to index
        %parallel_loop3A_271 = arith.constant 16 : index
        %parallel_loop3A_272 = tpu.vector_load %arg11[%parallel_loop3A_270, %parallel_loop3A_271] {strides = array<i32>} : memref<128x64xi32, #tpu.memory_space<vmem>>, vector<16xi32>,
        %parallel_loop3A_273 = vector.bitcast %parallel_loop3A_269 : vector<16xi32> to vector<32xbf16>
        %parallel_loop3A_274 = tpu.unpack_subelements %parallel_loop3A_273, 0 {pack_format = #tpu.pack_format<interleaved>} : vector<32xbf16> -> vector<16xf32>
        %parallel_loop3A_275 = tpu.unpack_subelements %parallel_loop3A_273, 1 {pack_format = #tpu.pack_format<interleaved>} : vector<32xbf16> -> vector<16xf32>
        %parallel_loop3A_276 = vector.bitcast %parallel_loop3A_272 : vector<16xi32> to vector<32xbf16>
        %parallel_loop3A_277 = tpu.unpack_subelements %parallel_loop3A_276, 0 {pack_format = #tpu.pack_format<interleaved>} : vector<32xbf16> -> vector<16xf32>
        %parallel_loop3A_278 = tpu.unpack_subelements %parallel_loop3A_276, 1 {pack_format = #tpu.pack_format<interleaved>} : vector<32xbf16> -> vector<16xf32>
        %parallel_loop3A_279 = arith.addf %parallel_loop3A_274, %parallel_loop3A_277 : vector<16xf32>
        %parallel_loop3A_280 = arith.constant 1 : i32
        %parallel_loop3A_281 = arith.index_cast %parallel_loop3A_280 : i32 to index
        %parallel_loop3A_282 = arith.index_cast %parallel_loop3A_227 : i32 to index
        %parallel_loop3A_283 = arith.constant 32 : index
        %parallel_loop3A_284 = tpu.vector_load %arg12[%parallel_loop3A_281, %parallel_loop3A_282, %parallel_loop3A_283] {strides = array<i32>} : memref<2x256x128xf32, #tpu.memory_space<vmem>>, vector<16xf32>,
        tpu.vector_store %arg12[%parallel_loop3A_281, %parallel_loop3A_282, %parallel_loop3A_283], %parallel_loop3A_279 {strides = array<i32>} : memref<2x256x128xf32, #tpu.memory_space<vmem>>, vector<16xf32>,
        %parallel_loop3A_285 = arith.addf %parallel_loop3A_275, %parallel_loop3A_278 : vector<16xf32>
        %parallel_loop3A_286 = arith.constant 1 : i32
        %parallel_loop3A_287 = arith.index_cast %parallel_loop3A_286 : i32 to index
        %parallel_loop3A_288 = arith.index_cast %parallel_loop3A_227 : i32 to index
        %parallel_loop3A_289 = arith.constant 48 : index
        %parallel_loop3A_290 = tpu.vector_load %arg12[%parallel_loop3A_287, %parallel_loop3A_288, %parallel_loop3A_289] {strides = array<i32>} : memref<2x256x128xf32, #tpu.memory_space<vmem>>, vector<16xf32>,
        tpu.vector_store %arg12[%parallel_loop3A_287, %parallel_loop3A_288, %parallel_loop3A_289], %parallel_loop3A_285 {strides = array<i32>} : memref<2x256x128xf32, #tpu.memory_space<vmem>>, vector<16xf32>,
        %parallel_loop3A_291 = arith.constant 32 : i32
        %parallel_loop3A_292 = vector.broadcast %parallel_loop3A_291 : i32 to vector<16xi32>
        %parallel_loop3A_293 = arith.addi %parallel_loop3A_238, %parallel_loop3A_292 : vector<16xi32>
        %parallel_loop3A_294 = tpu.vector_load_idx %arg8[%parallel_loop3A_293] : memref<14528xi32, #tpu.memory_space<vmem>>[vector<16xi32>], vector<16xi32>,
        %parallel_loop3A_295 = arith.index_cast %parallel_loop3A_240 : i32 to index
        %parallel_loop3A_296 = arith.constant 32 : index
        %parallel_loop3A_297 = tpu.vector_load %arg11[%parallel_loop3A_295, %parallel_loop3A_296] {strides = array<i32>} : memref<128x64xi32, #tpu.memory_space<vmem>>, vector<16xi32>,
        %parallel_loop3A_298 = vector.bitcast %parallel_loop3A_294 : vector<16xi32> to vector<32xbf16>
        %parallel_loop3A_299 = tpu.unpack_subelements %parallel_loop3A_298, 0 {pack_format = #tpu.pack_format<interleaved>} : vector<32xbf16> -> vector<16xf32>
        %parallel_loop3A_300 = tpu.unpack_subelements %parallel_loop3A_298, 1 {pack_format = #tpu.pack_format<interleaved>} : vector<32xbf16> -> vector<16xf32>
        %parallel_loop3A_301 = vector.bitcast %parallel_loop3A_297 : vector<16xi32> to vector<32xbf16>
        %parallel_loop3A_302 = tpu.unpack_subelements %parallel_loop3A_301, 0 {pack_format = #tpu.pack_format<interleaved>} : vector<32xbf16> -> vector<16xf32>
        %parallel_loop3A_303 = tpu.unpack_subelements %parallel_loop3A_301, 1 {pack_format = #tpu.pack_format<interleaved>} : vector<32xbf16> -> vector<16xf32>
        %parallel_loop3A_304 = arith.addf %parallel_loop3A_299, %parallel_loop3A_302 : vector<16xf32>
        %parallel_loop3A_305 = arith.constant 1 : i32
        %parallel_loop3A_306 = arith.index_cast %parallel_loop3A_305 : i32 to index
        %parallel_loop3A_307 = arith.index_cast %parallel_loop3A_227 : i32 to index
        %parallel_loop3A_308 = arith.constant 64 : index
        %parallel_loop3A_309 = tpu.vector_load %arg12[%parallel_loop3A_306, %parallel_loop3A_307, %parallel_loop3A_308] {strides = array<i32>} : memref<2x256x128xf32, #tpu.memory_space<vmem>>, vector<16xf32>,
        tpu.vector_store %arg12[%parallel_loop3A_306, %parallel_loop3A_307, %parallel_loop3A_308], %parallel_loop3A_304 {strides = array<i32>} : memref<2x256x128xf32, #tpu.memory_space<vmem>>, vector<16xf32>,
        %parallel_loop3A_310 = arith.addf %parallel_loop3A_300, %parallel_loop3A_303 : vector<16xf32>
        %parallel_loop3A_311 = arith.constant 1 : i32
        %parallel_loop3A_312 = arith.index_cast %parallel_loop3A_311 : i32 to index
        %parallel_loop3A_313 = arith.index_cast %parallel_loop3A_227 : i32 to index
        %parallel_loop3A_314 = arith.constant 80 : index
        %parallel_loop3A_315 = tpu.vector_load %arg12[%parallel_loop3A_312, %parallel_loop3A_313, %parallel_loop3A_314] {strides = array<i32>} : memref<2x256x128xf32, #tpu.memory_space<vmem>>, vector<16xf32>,
        tpu.vector_store %arg12[%parallel_loop3A_312, %parallel_loop3A_313, %parallel_loop3A_314], %parallel_loop3A_310 {strides = array<i32>} : memref<2x256x128xf32, #tpu.memory_space<vmem>>, vector<16xf32>,
        %parallel_loop3A_316 = arith.constant 48 : i32
        %parallel_loop3A_317 = vector.broadcast %parallel_loop3A_316 : i32 to vector<16xi32>
        %parallel_loop3A_318 = arith.addi %parallel_loop3A_238, %parallel_loop3A_317 : vector<16xi32>
        %parallel_loop3A_319 = tpu.vector_load_idx %arg8[%parallel_loop3A_318] : memref<14528xi32, #tpu.memory_space<vmem>>[vector<16xi32>], vector<16xi32>,
        %parallel_loop3A_320 = arith.index_cast %parallel_loop3A_240 : i32 to index
        %parallel_loop3A_321 = arith.constant 48 : index
        %parallel_loop3A_322 = tpu.vector_load %arg11[%parallel_loop3A_320, %parallel_loop3A_321] {strides = array<i32>} : memref<128x64xi32, #tpu.memory_space<vmem>>, vector<16xi32>,
        %parallel_loop3A_323 = vector.bitcast %parallel_loop3A_319 : vector<16xi32> to vector<32xbf16>
        %parallel_loop3A_324 = tpu.unpack_subelements %parallel_loop3A_323, 0 {pack_format = #tpu.pack_format<interleaved>} : vector<32xbf16> -> vector<16xf32>
        %parallel_loop3A_325 = tpu.unpack_subelements %parallel_loop3A_323, 1 {pack_format = #tpu.pack_format<interleaved>} : vector<32xbf16> -> vector<16xf32>
        %parallel_loop3A_326 = vector.bitcast %parallel_loop3A_322 : vector<16xi32> to vector<32xbf16>
        %parallel_loop3A_327 = tpu.unpack_subelements %parallel_loop3A_326, 0 {pack_format = #tpu.pack_format<interleaved>} : vector<32xbf16> -> vector<16xf32>
        %parallel_loop3A_328 = tpu.unpack_subelements %parallel_loop3A_326, 1 {pack_format = #tpu.pack_format<interleaved>} : vector<32xbf16> -> vector<16xf32>
        %parallel_loop3A_329 = arith.addf %parallel_loop3A_324, %parallel_loop3A_327 : vector<16xf32>
        %parallel_loop3A_330 = arith.constant 1 : i32
        %parallel_loop3A_331 = arith.index_cast %parallel_loop3A_330 : i32 to index
        %parallel_loop3A_332 = arith.index_cast %parallel_loop3A_227 : i32 to index
        %parallel_loop3A_333 = arith.constant 96 : index
        %parallel_loop3A_334 = tpu.vector_load %arg12[%parallel_loop3A_331, %parallel_loop3A_332, %parallel_loop3A_333] {strides = array<i32>} : memref<2x256x128xf32, #tpu.memory_space<vmem>>, vector<16xf32>,
        tpu.vector_store %arg12[%parallel_loop3A_331, %parallel_loop3A_332, %parallel_loop3A_333], %parallel_loop3A_329 {strides = array<i32>} : memref<2x256x128xf32, #tpu.memory_space<vmem>>, vector<16xf32>,
        %parallel_loop3A_335 = arith.addf %parallel_loop3A_325, %parallel_loop3A_328 : vector<16xf32>
        %parallel_loop3A_336 = arith.constant 1 : i32
        %parallel_loop3A_337 = arith.index_cast %parallel_loop3A_336 : i32 to index
        %parallel_loop3A_338 = arith.index_cast %parallel_loop3A_227 : i32 to index
        %parallel_loop3A_339 = arith.constant 112 : index
        %parallel_loop3A_340 = tpu.vector_load %arg12[%parallel_loop3A_337, %parallel_loop3A_338, %parallel_loop3A_339] {strides = array<i32>} : memref<2x256x128xf32, #tpu.memory_space<vmem>>, vector<16xf32>,
        tpu.vector_store %arg12[%parallel_loop3A_337, %parallel_loop3A_338, %parallel_loop3A_339], %parallel_loop3A_335 {strides = array<i32>} : memref<2x256x128xf32, #tpu.memory_space<vmem>>, vector<16xf32>,
      } {sc.loop_unroll_factor = 8 : i64, sc.parallel_access}
      %mul3A_187 = arith.constant 2 : i32
      %mul3A_188 = arith.muli %add3A_178, %mul3A_187 : i32
      %add3A_189 = arith.addi %mul3A_22, %mul3A_188 : i32
      %add3A_190 = arith.constant 0 : i32
      %add3A_191 = arith.addi %add3A_189, %add3A_190 : i32
      %dma_start3A_192 = arith.constant 1 : i32
      %dma_start3A_193 = arith.constant 0 : i32
      %dma_start3A_194 = arith.constant 0 : i32
      %dma_start3A_195 = tpu.memref_slice %arg12[%dma_start3A_192, %dma_start3A_193, %dma_start3A_194] : memref<2x256x128xf32, #tpu.memory_space<vmem>> -> memref<1x128x128xf32, #tpu.memory_space<vmem>>
      %dma_start3A_196 = tpu.memref_squeeze %dma_start3A_195 : memref<1x128x128xf32, #tpu.memory_space<vmem>> -> memref<128x128xf32, #tpu.memory_space<vmem>>
      %dma_start3A_197 = arith.constant 0 : i32
      %dma_start3A_198 = tpu.memref_slice %arg6[%add3A_191, %mul3A_20, %dma_start3A_197] : memref<256x2048x128xf32, #tpu.memory_space<hbm>> -> memref<1x128x128xf32, #tpu.memory_space<hbm>>
      %dma_start3A_199 = tpu.memref_squeeze %dma_start3A_198 : memref<1x128x128xf32, #tpu.memory_space<hbm>> -> memref<128x128xf32, #tpu.memory_space<hbm>>
      %dma_start3A_200 = arith.constant 0 : i32
      %dma_start3A_201 = tpu.memref_slice %arg6[%add3A_191, %mul3A_20, %dma_start3A_200] : memref<256x2048x128xf32, #tpu.memory_space<hbm>> -> memref<1x128x128xf32, #tpu.memory_space<hbm>>
      %dma_start3A_202 = tpu.memref_squeeze %dma_start3A_201 : memref<1x128x128xf32, #tpu.memory_space<hbm>> -> memref<128x128xf32, #tpu.memory_space<hbm>>
      %dma_start3A_203 = arith.constant 0 : i32
      %dma_start3A_204 = arith.constant 0 : i32
      %dma_start3A_205 = tpu.memref_slice %arg12[%dma_start3A_192, %dma_start3A_203, %dma_start3A_204] : memref<2x256x128xf32, #tpu.memory_space<vmem>> -> memref<1x128x128xf32, #tpu.memory_space<vmem>>
      %dma_start3A_206 = tpu.memref_squeeze %dma_start3A_205 : memref<1x128x128xf32, #tpu.memory_space<vmem>> -> memref<128x128xf32, #tpu.memory_space<vmem>>
      tpu.enqueue_dma source(%dma_start3A_206 : memref<128x128xf32, #tpu.memory_space<vmem>>) target(%dma_start3A_202 : memref<128x128xf32, #tpu.memory_space<hbm>>) target_semaphore(%arg15 : memref<!tpu.dma_semaphore, #tpu.memory_space<semaphore_mem>>)
      %mul3A_207 = arith.constant 2 : i32
      %mul3A_208 = arith.muli %add3A_178, %mul3A_207 : i32
      %add3A_209 = arith.addi %mul3A_22, %mul3A_208 : i32
      %add3A_210 = arith.constant 1 : i32
      %add3A_211 = arith.addi %add3A_209, %add3A_210 : i32
      %dma_start3A_212 = arith.constant 1 : i32
      %dma_start3A_213 = arith.constant 128 : i32
      %dma_start3A_214 = arith.constant 0 : i32
      %dma_start3A_215 = tpu.memref_slice %arg12[%dma_start3A_212, %dma_start3A_213, %dma_start3A_214] : memref<2x256x128xf32, #tpu.memory_space<vmem>> -> memref<1x128x128xf32, #tpu.memory_space<vmem>>
      %dma_start3A_216 = tpu.memref_squeeze %dma_start3A_215 : memref<1x128x128xf32, #tpu.memory_space<vmem>> -> memref<128x128xf32, #tpu.memory_space<vmem>>
      %dma_start3A_217 = arith.constant 0 : i32
      %dma_start3A_218 = tpu.memref_slice %arg6[%add3A_211, %mul3A_20, %dma_start3A_217] : memref<256x2048x128xf32, #tpu.memory_space<hbm>> -> memref<1x128x128xf32, #tpu.memory_space<hbm>>
      %dma_start3A_219 = tpu.memref_squeeze %dma_start3A_218 : memref<1x128x128xf32, #tpu.memory_space<hbm>> -> memref<128x128xf32, #tpu.memory_space<hbm>>
      %dma_start3A_220 = arith.constant 0 : i32
      %dma_start3A_221 = tpu.memref_slice %arg6[%add3A_211, %mul3A_20, %dma_start3A_220] : memref<256x2048x128xf32, #tpu.memory_space<hbm>> -> memref<1x128x128xf32, #tpu.memory_space<hbm>>
      %dma_start3A_222 = tpu.memref_squeeze %dma_start3A_221 : memref<1x128x128xf32, #tpu.memory_space<hbm>> -> memref<128x128xf32, #tpu.memory_space<hbm>>
      %dma_start3A_223 = arith.constant 128 : i32
      %dma_start3A_224 = arith.constant 0 : i32
      %dma_start3A_225 = tpu.memref_slice %arg12[%dma_start3A_212, %dma_start3A_223, %dma_start3A_224] : memref<2x256x128xf32, #tpu.memory_space<vmem>> -> memref<1x128x128xf32, #tpu.memory_space<vmem>>
      %dma_start3A_226 = tpu.memref_squeeze %dma_start3A_225 : memref<1x128x128xf32, #tpu.memory_space<vmem>> -> memref<128x128xf32, #tpu.memory_space<vmem>>
      tpu.enqueue_dma source(%dma_start3A_226 : memref<128x128xf32, #tpu.memory_space<vmem>>) target(%dma_start3A_222 : memref<128x128xf32, #tpu.memory_space<hbm>>) target_semaphore(%arg15 : memref<!tpu.dma_semaphore, #tpu.memory_space<semaphore_mem>>)
    }
    %scan3A_51 = arith.constant 32 : i32
    %add3A_52 = arith.constant 124 : i32
    %add3A_53 = arith.addi %mul3A_22, %add3A_52 : i32
    %add3A_54 = arith.constant 0 : i32
    %add3A_55 = arith.addi %add3A_53, %add3A_54 : i32
    %dma_wait3A = arith.constant 0 : i32
    %dma_wait3A_56 = arith.constant 0 : i32
    %dma_wait3A_57 = arith.constant 0 : i32
    %dma_wait3A_58 = tpu.memref_slice %arg12[%dma_wait3A, %dma_wait3A_56, %dma_wait3A_57] : memref<2x256x128xf32, #tpu.memory_space<vmem>> -> memref<1x128x128xf32, #tpu.memory_space<vmem>>
    %dma_wait3A_59 = tpu.memref_squeeze %dma_wait3A_58 : memref<1x128x128xf32, #tpu.memory_space<vmem>> -> memref<128x128xf32, #tpu.memory_space<vmem>>
    %dma_wait3A_60 = arith.constant 0 : i32
    %dma_wait3A_61 = tpu.memref_slice %arg6[%add3A_55, %mul3A_20, %dma_wait3A_60] : memref<256x2048x128xf32, #tpu.memory_space<hbm>> -> memref<1x128x128xf32, #tpu.memory_space<hbm>>
    %dma_wait3A_62 = tpu.memref_squeeze %dma_wait3A_61 : memref<1x128x128xf32, #tpu.memory_space<hbm>> -> memref<128x128xf32, #tpu.memory_space<hbm>>
    %dma_wait3A_63 = arith.constant 0 : i32
    %dma_wait3A_64 = tpu.memref_slice %arg6[%add3A_55, %mul3A_20, %dma_wait3A_63] : memref<256x2048x128xf32, #tpu.memory_space<hbm>> -> memref<1x128x128xf32, #tpu.memory_space<hbm>>
    %dma_wait3A_65 = tpu.memref_squeeze %dma_wait3A_64 : memref<1x128x128xf32, #tpu.memory_space<hbm>> -> memref<128x128xf32, #tpu.memory_space<hbm>>
    %dma_wait3A_66 = arith.constant 0 : i32
    %dma_wait3A_67 = arith.constant 0 : i32
    %dma_wait3A_68 = tpu.memref_slice %arg12[%dma_wait3A, %dma_wait3A_66, %dma_wait3A_67] : memref<2x256x128xf32, #tpu.memory_space<vmem>> -> memref<1x128x128xf32, #tpu.memory_space<vmem>>
    %dma_wait3A_69 = tpu.memref_squeeze %dma_wait3A_68 : memref<1x128x128xf32, #tpu.memory_space<vmem>> -> memref<128x128xf32, #tpu.memory_space<vmem>>
    tpu.wait_dma2 semaphore(%arg14 : memref<!tpu.dma_semaphore, #tpu.memory_space<semaphore_mem>>) src(%dma_wait3A_69 : memref<128x128xf32, #tpu.memory_space<vmem>>) dst(%dma_wait3A_65 : memref<128x128xf32, #tpu.memory_space<hbm>>)
    %add3A_70 = arith.constant 124 : i32
    %add3A_71 = arith.addi %mul3A_22, %add3A_70 : i32
    %add3A_72 = arith.constant 1 : i32
    %add3A_73 = arith.addi %add3A_71, %add3A_72 : i32
    %dma_wait3A_74 = arith.constant 0 : i32
    %dma_wait3A_75 = arith.constant 128 : i32
    %dma_wait3A_76 = arith.constant 0 : i32
    %dma_wait3A_77 = tpu.memref_slice %arg12[%dma_wait3A_74, %dma_wait3A_75, %dma_wait3A_76] : memref<2x256x128xf32, #tpu.memory_space<vmem>> -> memref<1x128x128xf32, #tpu.memory_space<vmem>>
    %dma_wait3A_78 = tpu.memref_squeeze %dma_wait3A_77 : memref<1x128x128xf32, #tpu.memory_space<vmem>> -> memref<128x128xf32, #tpu.memory_space<vmem>>
    %dma_wait3A_79 = arith.constant 0 : i32
    %dma_wait3A_80 = tpu.memref_slice %arg6[%add3A_73, %mul3A_20, %dma_wait3A_79] : memref<256x2048x128xf32, #tpu.memory_space<hbm>> -> memref<1x128x128xf32, #tpu.memory_space<hbm>>
    %dma_wait3A_81 = tpu.memref_squeeze %dma_wait3A_80 : memref<1x128x128xf32, #tpu.memory_space<hbm>> -> memref<128x128xf32, #tpu.memory_space<hbm>>
    %dma_wait3A_82 = arith.constant 0 : i32
    %dma_wait3A_83 = tpu.memref_slice %arg6[%add3A_73, %mul3A_20, %dma_wait3A_82] : memref<256x2048x128xf32, #tpu.memory_space<hbm>> -> memref<1x128x128xf32, #tpu.memory_space<hbm>>
    %dma_wait3A_84 = tpu.memref_squeeze %dma_wait3A_83 : memref<1x128x128xf32, #tpu.memory_space<hbm>> -> memref<128x128xf32, #tpu.memory_space<hbm>>
    %dma_wait3A_85 = arith.constant 128 : i32
    %dma_wait3A_86 = arith.constant 0 : i32
    %dma_wait3A_87 = tpu.memref_slice %arg12[%dma_wait3A_74, %dma_wait3A_85, %dma_wait3A_86] : memref<2x256x128xf32, #tpu.memory_space<vmem>> -> memref<1x128x128xf32, #tpu.memory_space<vmem>>
    %dma_wait3A_88 = tpu.memref_squeeze %dma_wait3A_87 : memref<1x128x128xf32, #tpu.memory_space<vmem>> -> memref<128x128xf32, #tpu.memory_space<vmem>>
    tpu.wait_dma2 semaphore(%arg14 : memref<!tpu.dma_semaphore, #tpu.memory_space<semaphore_mem>>) src(%dma_wait3A_88 : memref<128x128xf32, #tpu.memory_space<vmem>>) dst(%dma_wait3A_84 : memref<128x128xf32, #tpu.memory_space<hbm>>)
    %add3A_89 = arith.constant 126 : i32
    %add3A_90 = arith.addi %mul3A_22, %add3A_89 : i32
    %add3A_91 = arith.constant 0 : i32
    %add3A_92 = arith.addi %add3A_90, %add3A_91 : i32
    %dma_wait3A_93 = arith.constant 1 : i32
    %dma_wait3A_94 = arith.constant 0 : i32
    %dma_wait3A_95 = arith.constant 0 : i32
    %dma_wait3A_96 = tpu.memref_slice %arg12[%dma_wait3A_93, %dma_wait3A_94, %dma_wait3A_95] : memref<2x256x128xf32, #tpu.memory_space<vmem>> -> memref<1x128x128xf32, #tpu.memory_space<vmem>>
    %dma_wait3A_97 = tpu.memref_squeeze %dma_wait3A_96 : memref<1x128x128xf32, #tpu.memory_space<vmem>> -> memref<128x128xf32, #tpu.memory_space<vmem>>
    %dma_wait3A_98 = arith.constant 0 : i32
    %dma_wait3A_99 = tpu.memref_slice %arg6[%add3A_92, %mul3A_20, %dma_wait3A_98] : memref<256x2048x128xf32, #tpu.memory_space<hbm>> -> memref<1x128x128xf32, #tpu.memory_space<hbm>>
    %dma_wait3A_100 = tpu.memref_squeeze %dma_wait3A_99 : memref<1x128x128xf32, #tpu.memory_space<hbm>> -> memref<128x128xf32, #tpu.memory_space<hbm>>
    %dma_wait3A_101 = arith.constant 0 : i32
    %dma_wait3A_102 = tpu.memref_slice %arg6[%add3A_92, %mul3A_20, %dma_wait3A_101] : memref<256x2048x128xf32, #tpu.memory_space<hbm>> -> memref<1x128x128xf32, #tpu.memory_space<hbm>>
    %dma_wait3A_103 = tpu.memref_squeeze %dma_wait3A_102 : memref<1x128x128xf32, #tpu.memory_space<hbm>> -> memref<128x128xf32, #tpu.memory_space<hbm>>
    %dma_wait3A_104 = arith.constant 0 : i32
    %dma_wait3A_105 = arith.constant 0 : i32
    %dma_wait3A_106 = tpu.memref_slice %arg12[%dma_wait3A_93, %dma_wait3A_104, %dma_wait3A_105] : memref<2x256x128xf32, #tpu.memory_space<vmem>> -> memref<1x128x128xf32, #tpu.memory_space<vmem>>
    %dma_wait3A_107 = tpu.memref_squeeze %dma_wait3A_106 : memref<1x128x128xf32, #tpu.memory_space<vmem>> -> memref<128x128xf32, #tpu.memory_space<vmem>>
    tpu.wait_dma2 semaphore(%arg15 : memref<!tpu.dma_semaphore, #tpu.memory_space<semaphore_mem>>) src(%dma_wait3A_107 : memref<128x128xf32, #tpu.memory_space<vmem>>) dst(%dma_wait3A_103 : memref<128x128xf32, #tpu.memory_space<hbm>>)
    %add3A_108 = arith.constant 126 : i32
    %add3A_109 = arith.addi %mul3A_22, %add3A_108 : i32
    %add3A_110 = arith.constant 1 : i32
    %add3A_111 = arith.addi %add3A_109, %add3A_110 : i32
    %dma_wait3A_112 = arith.constant 1 : i32
    %dma_wait3A_113 = arith.constant 128 : i32
    %dma_wait3A_114 = arith.constant 0 : i32
    %dma_wait3A_115 = tpu.memref_slice %arg12[%dma_wait3A_112, %dma_wait3A_113, %dma_wait3A_114] : memref<2x256x128xf32, #tpu.memory_space<vmem>> -> memref<1x128x128xf32, #tpu.memory_space<vmem>>
    %dma_wait3A_116 = tpu.memref_squeeze %dma_wait3A_115 : memref<1x128x128xf32, #tpu.memory_space<vmem>> -> memref<128x128xf32, #tpu.memory_space<vmem>>
    %dma_wait3A_117 = arith.constant 0 : i32
    %dma_wait3A_118 = tpu.memref_slice %arg6[%add3A_111, %mul3A_20, %dma_wait3A_117] : memref<256x2048x128xf32, #tpu.memory_space<hbm>> -> memref<1x128x128xf32, #tpu.memory_space<hbm>>
    %dma_wait3A_119 = tpu.memref_squeeze %dma_wait3A_118 : memref<1x128x128xf32, #tpu.memory_space<hbm>> -> memref<128x128xf32, #tpu.memory_space<hbm>>
    %dma_wait3A_120 = arith.constant 0 : i32
    %dma_wait3A_121 = tpu.memref_slice %arg6[%add3A_111, %mul3A_20, %dma_wait3A_120] : memref<256x2048x128xf32, #tpu.memory_space<hbm>> -> memref<1x128x128xf32, #tpu.memory_space<hbm>>
    %dma_wait3A_122 = tpu.memref_squeeze %dma_wait3A_121 : memref<1x128x128xf32, #tpu.memory_space<hbm>> -> memref<128x128xf32, #tpu.memory_space<hbm>>
    %dma_wait3A_123 = arith.constant 128 : i32
    %dma_wait3A_124 = arith.constant 0 : i32
    %dma_wait3A_125 = tpu.memref_slice %arg12[%dma_wait3A_112, %dma_wait3A_123, %dma_wait3A_124] : memref<2x256x128xf32, #tpu.memory_space<vmem>> -> memref<1x128x128xf32, #tpu.memory_space<vmem>>
    %dma_wait3A_126 = tpu.memref_squeeze %dma_wait3A_125 : memref<1x128x128xf32, #tpu.memory_space<vmem>> -> memref<128x128xf32, #tpu.memory_space<vmem>>
    tpu.wait_dma2 semaphore(%arg15 : memref<!tpu.dma_semaphore, #tpu.memory_space<semaphore_mem>>) src(%dma_wait3A_126 : memref<128x128xf32, #tpu.memory_space<vmem>>) dst(%dma_wait3A_122 : memref<128x128xf32, #tpu.memory_space<hbm>>)
    return
  }
}

</mosaic_0001>

<sc_bundles>
// kernel: kernel.3.cloned.1.call-start
scs
__scs_entry_jumppad:
0x0: {  	(pc) =	sbr.rel $0x88, $3  }
0x1: {  	(tag) =	ssettag $0x0;
	lr =	simm.s32 $0x1  }
0x2: {  	[smem:$0x3F9D] =	sst lr;
	_ =	strace $0xD0000000  }
0x3: {  	_ = 	snop  }
0x4: {  	_ = 	snop  }
0x5: {  	_ = 	snop  }
0x6: {  	_ = 	snop  }
0x7: {  	_ = 	snop  }
__scs_overlays_trampoline_lowered:
0x8: {  	[smem:$0x3FAC] =	sst s0  }
0x9: {  	[smem:$0x3FAD] =	sst s1  }
0xa: {  	[smem:$0x3FAE] =	sst s2  }
0xb: {  	[smem:$0x3FAF] =	sst s3  }
0xc: {  	[smem:$0x3FB0] =	sst s4  }
0xd: {  	[smem:$0x3FB1] =	sst s5  }
0xe: {  	[smem:$0x3FB2] =	sst s6  }
0xf: {  	[smem:$0x3FB3] =	sst s7  }
0x10: {  	[smem:$0x3FB4] =	sst s8  }
0x11: {  	[smem:$0x3FB5] =	sst s9;
	s0 =	simm.s32 @!p0 $0x0  }
0x12: {  	s1 =	sld [smem:$0x3F9B];
	s0 =	simm.s32 @p0 $0x1  }
0x13: {  	[smem:$0x3FB6] =	sst s0;
	s0 =	simm.s32 @!p1 $0x0  }
0x14: {  	s2 =	sld [smem:$0x3F9A];
	s0 =	simm.s32 @p1 $0x1  }
0x15: {  	[smem:$0x3FB7] =	sst s0;
	s0 =	simm.s32 @!p2 $0x0  }
0x16: {  	s3 =	sld [smem:$0x3FDB];
	s0 =	simm.s32 @p2 $0x1  }
0x17: {  	s4 =	simm.s32 $0x1BF5;
	[smem:$0x3FB9] =	sst s0  }
0x18: {  	s0 =	sld [smem:$0x3F9C];
	_ =	swait.ge [sflag:s4], $0x0  }
0x19: {  	s7 =	sld [smem:$0x3F9D]  }
0x1a: {  	s8 =	sadd.s32 $0xFFFFE003, lr  }
0x1b: {  	s9 =	sadd.s32 $0xFFFFFEF7, lr;
	s5 =	simm.s32 $0xFFFFFFFF;
	p2 =	slt.u32 s8, $0xFFFFF086  }
0x1c: {  	p1 =	slt.u32 s9, $0xF7A;
	s5 =	simm.s32 @!p2 $0x0  }
0x1d: {  	s5 =	simm.s32 @p1 $0x1;
	p0 =	seq.s32 s7, s2  }
0x1e: {  	s7 =	smul.u32 @!p0 $0xF7A, s2;
	p2 =	seq.s32 @!p0 s5, $0x0  }
0x1f: {  	s9 =	smul.u32 $0xF7A, s1;
	s8 =	simm.s32 @!p0 $0x1BF5;
	p2 =	por !p2, p0  }
0x20: {  	[sflag:s8] =	ssyncset.s32 @!p0 $0xFFFFF086;
	s6 =	sadd.s32 @!p0 s3, s7;
	s7 =	simm.s32 @!p0 $0x108  }
0x21: {  	s3 =	sadd.s32 s3, s9;
	s6 =	sadd.s32 @!p0 $0x88, s6;
	s7 =	simm.s32 @p2 $0x1082  }
0x22: {  	[simem:s7], [sflag:s8] =	dma.local @!p0 [hbm:s6], $0xF7A  }
0x23: {  	s9 =	sor.u32 $0xD0000000, s2;
	s6 =	simm.s32 $0x108;
	_ =	swait.ge @!p0 [sflag:s8], $0x0  }
0x24: {  	s3 =	sadd.s32 $0x88, s3;
	s6 =	simm.s32 @!p1 $0x1082;
	[sflag:s4] =	ssyncset.s32 $0xFFFFF086  }
0x25: {  	[simem:s6], [sflag:s4] =	dma.local [hbm:s3], $0xF7A  }
0x26: {  	[smem:$0x3F9D] =	sst s1;
	(tag) =	ssettag s2;
	_ =	strace s9  }
0x27: {  	s1 =	sld [smem:$0x3FAD]  }
0x28: {  	s2 =	sld [smem:$0x3FAE]  }
0x29: {  	s4 =	sld [smem:$0x3FB0]  }
0x2a: {  	p0 =	seq.s32 s5, $0x0;
	s5 =	sld [smem:$0x3FB1]  }
0x2b: {  	s6 =	sld [smem:$0x3FB2]  }
0x2c: {  	s7 =	sld [smem:$0x3FB3]  }
0x2d: {  	s3 =	simm.s32 $0x108;
	s8 =	sld [smem:$0x3FB4]  }
0x2e: {  	s3 =	simm.s32 @!p0 $0x1082;
	s9 =	sld [smem:$0x3FB5]  }
0x2f: {  	lr =	sadd.s32 s0, s3;
	s0 =	sld [smem:$0x3FAC]  }
0x30: {  	s3 =	sld [smem:$0x3FAF]  }
0x31: {  	[smem:$0x3FB8] =	sst s10  }
0x32: {  	s10 =	sld [smem:$0x3FB6];
	_ =	sdelay $0x3  }
0x33: {  	p0 =	seq.s32 s10, $0x1;
	s10 =	sld [smem:$0x3FB8];
	_ =	sdelay $0x3  }
0x34: {  	[smem:$0x3FB8] =	sst s10  }
0x35: {  	s10 =	sld [smem:$0x3FB7];
	_ =	sdelay $0x3  }
0x36: {  	p1 =	seq.s32 s10, $0x1;
	s10 =	sld [smem:$0x3FB8];
	_ =	sdelay $0x3  }
0x37: {  	[smem:$0x3FB8] =	sst s10  }
0x38: {  	s10 =	sld [smem:$0x3FB9]  }
0x39: {  	_ = 	snop;
	(pc) =	sbr.ind lr, $3  }
0x3a: {  	_ = 	snop  }
0x3b: {  	_ = 	snop  }
0x3c: {  	p2 =	seq.s32 s10, $0x1;
	s10 =	sld [smem:$0x3FB8]  }
0x3d: {  	_ =	shalt  }
0x3e: {  	_ =	shalt  }
0x3f: {  	_ =	shalt  }
0x40: {  	_ =	shalt  }
0x41: {  	_ =	shalt  }
0x42: {  	_ =	shalt  }
0x43: {  	_ =	shalt  }
0x44: {  	_ =	shalt  }
0x45: {  	_ =	shalt  }
0x46: {  	_ =	shalt  }
0x47: {  	_ =	shalt  }
0x48: {  	_ =	shalt  }
0x49: {  	_ =	shalt  }
0x4a: {  	_ =	shalt  }
0x4b: {  	_ =	shalt  }
0x4c: {  	_ =	shalt  }
0x4d: {  	_ =	shalt  }
0x4e: {  	_ =	shalt  }
0x4f: {  	_ =	shalt  }
0x50: {  	_ =	shalt  }
0x51: {  	_ =	shalt  }
0x52: {  	_ =	shalt  }
0x53: {  	_ =	shalt  }
0x54: {  	_ =	shalt  }
0x55: {  	_ =	shalt  }
0x56: {  	_ =	shalt  }
0x57: {  	_ =	shalt  }
0x58: {  	_ =	shalt  }
0x59: {  	_ =	shalt  }
0x5a: {  	_ =	shalt  }
0x5b: {  	_ =	shalt  }
0x5c: {  	_ =	shalt  }
0x5d: {  	_ =	shalt  }
0x5e: {  	_ =	shalt  }
0x5f: {  	_ =	shalt  }
0x60: {  	_ =	shalt  }
0x61: {  	_ =	shalt  }
0x62: {  	_ =	shalt  }
0x63: {  	_ =	shalt  }
0x64: {  	_ =	shalt  }
0x65: {  	_ =	shalt  }
0x66: {  	_ =	shalt  }
0x67: {  	_ =	shalt  }
0x68: {  	_ =	shalt  }
0x69: {  	_ =	shalt  }
0x6a: {  	_ =	shalt  }
0x6b: {  	_ =	shalt  }
0x6c: {  	_ =	shalt  }
0x6d: {  	_ =	shalt  }
0x6e: {  	_ =	shalt  }
0x6f: {  	_ =	shalt  }
0x70: {  	_ =	shalt  }
0x71: {  	_ =	shalt  }
0x72: {  	_ =	shalt  }
0x73: {  	_ =	shalt  }
0x74: {  	_ =	shalt  }
0x75: {  	_ =	shalt  }
0x76: {  	_ =	shalt  }
0x77: {  	_ =	shalt  }
0x78: {  	_ =	shalt  }
0x79: {  	_ =	shalt  }
0x7a: {  	_ =	shalt  }
0x7b: {  	_ =	shalt  }
0x7c: {  	_ =	shalt  }
0x7d: {  	_ =	shalt  }
0x7e: {  	_ =	shalt  }
0x7f: {  	_ =	shalt  }
0x80: {  	_ =	shalt  }
0x81: {  	_ =	shalt  }
0x82: {  	_ =	shalt  }
0x83: {  	_ =	shalt  }
0x84: {  	_ =	shalt  }
0x85: {  	_ =	shalt  }
0x86: {  	_ =	shalt  }
0x87: {  	_ =	shalt  }
.Lfunc_end0:
.L_simem_size_0:
called_computation_lowered:
.L_overlay_start_0:
0x88: {  	s2 =	sld [smem:$0x3FD9]  }
0x89: {  	s3 =	sld [smem:$0x3FFE];
	_ =	sdelay $0x1  }
0x8a: {  	s1 =	srdreg.scid  }
0x8b: {  	s0 =	sand.u32 $0x1, s1  }
0x8c: {  	s17 =	sshll.u32 s0, $0xA;
	s2 =	sadd.s32 s3, s2  }
0x8d: {  	s2 =	sadd.s32 s2, s17  }
0x8e: {  	[smem:$0x3FC4] =	sst s2  }
0x8f: {  	_ = 	snop  }
0x90: {  	s2 =	sld [smem:$0x3FC7]  }
0x91: {  	s18 =	sld [smem:$0x3FC6]  }
0x92: {  	s4 =	sld [smem:$0x3FD0];
	(tm) =	ssettm $0x1  }
0x93: {  	s5 =	sld [smem:$0x3FFB];
	_ =	sdelay $0x3  }
0x94: {  	_ =	strace s5  }
0x95: {  	s5 =	sld [smem:$0x3FFC];
	_ =	sdelay $0x3  }
0x96: {  	_ =	strace s5  }
0x97: {  	s5 =	sld [smem:$0x3FFD];
	_ =	sdelay $0x3  }
0x98: {  	_ =	strace s5  }
0x99: {  	_ =	strace $0x8FFFFFFF  }
0x9a: {  	s19 =	sld [smem:$0x3FDB];
	_ =	sdelay $0x1  }
0x9b: {  	s6 =	simm.s32 $_scs_section_size  }
0x9c: {  	s7 =	simm.s32 $_size__tile_overlayer_lowered;
	s8 =	simm.s32 $_tile_overlayer_lowered  }
0x9d: {  	s22 =	simm.s32 $0x1BFF;
	s21 =	sshll.u32 s8, $0x1;
	s5 =	sadd.s32 s6, s19  }
0x9e: {  	s9 =	simm.s32 $0x0;
	s20 =	sshll.u32 s7, $0x1;
	s7 =	sadd.s32 s21, s5  }
0x9f: {  	[timem:s9], [sflag:s22] =	dma.local [hbm:s7], s20  }
0xa0: {  	_ =	swait.ge [sflag:s22], s20  }
0xa1: {  	s6 =	ssub.s32 $0x0, s20;
	[sflag:s22] =	ssyncset.done $0x0  }
0xa2: {  	[sflag:s22] =	ssyncadd.s32 s6;
	_ =	sdelay $0x1  }
0xa3: {  	s23 =	simm.s32 $0x1B8B  }
0xa4: {  	_ =	swait.ge [sflag:s23], $0x1  }
0xa5: {  	[sflag:s23] =	ssyncset.done $0x0  }
0xa6: {  	s25 =	simm.s32 $0x1B8E;
	s24 =	sld [smem:$0x3FFE];
	[sflag:s23] =	ssyncadd.s32 $0xFFFFFFFF  }
0xa7: {  	s26 =	simm.s32 $execute0_lowered;
	[smem:$0x3FD2] =	sst s25  }
0xa8: {  	s7 =	sshll.u32 s26, $0x1;
	_ =	strace $0x80000046;
	[dreg:$0x1] =	wrdreg $0xFFFFFFFF  }
0xa9: {  	s28 =	simm.s32 $_size_execute0_lowered;
	s5 =	sadd.s32 s5, s7;
	[dreg:$0x0] =	wrdreg $0x0  }
0xaa: {  	s7 =	sshll.u32 s28, $0x1;
	[dreg:$0x2] =	wrdreg s5  }
0xab: {  	[dreg:$0x3] =	wrdreg s7  }
0xac: {  	[dreg:$0x4] =	wrdreg $0xC0  }
0xad: {  	_ =	task [dreg:s9], $0x5FFFF  }
0xae: {  	[dreg:$0x1] =	wrdreg $0xFFFFFFFF  }
0xaf: {  	[dreg:$0x0] =	wrdreg $0x60  }
0xb0: {  	[dreg:$0x2] =	wrdreg s24  }
0xb1: {  	[dreg:$0x3] =	wrdreg s2  }
0xb2: {  	[dreg:$0x4] =	wrdreg s18  }
0xb3: {  	[dreg:$0x5] =	wrdreg s4  }
0xb4: {  	[dreg:$0x6] =	wrdreg $0x9  }
0xb5: {  	_ =	task.clear_ibuf [dreg:s9], $0x7FFFF;
	_ =	strace $0x90000046  }
0xb6: {  	s29 =	simm.s32 $0x9;
	_ =	strace $0x80000048  }
0xb7: {  	_ =	swait.ge [sflag:s29], $0x1  }
0xb8: {  	[sflag:s29] =	ssyncadd.s32 $0xFFFFFFFF  }
0xb9: {  	_ =	strace $0x90000048  }
0xba: {  	_ =	sfence  }
0xbb: {  	s30 =	sld [smem:$0x0];
	_ =	sdelay $0x2  }
0xbc: {  	s31 =	sshll.u32 s1, $0xD;
	s1 =	sshrl.u32 s1, $0x2  }
0xbd: {  	s3 =	sand.u32 $0x4000, s31;
	s1 =	sadd.s32 s1, s30  }
0xbe: {  	s0 =	sor.u32 s3, s0;
	s1 =	sshll.u32 s1, $0x11  }
0xbf: {  	s0 =	sor.u32 s1, s0  }
0xc0: {  	s0 =	sadd.s32 $0x8F2B, s0  }
0xc1: {  	[sflag:s0] =	ssyncadd.remote.s32 $0x1  }
0xc2: {  	_ =	sfence.sel $0xFFFF  }
0xc3: {  	[dreg:$0x0] =	wrdreg $0xFFFFFFFF;
	(pc) =	sbr.abs _section_cstart, $3  }
0xc4: {  	[dreg:$0x1] =	wrdreg $0xFFFFFFFF  }
0xc5: {  	_ =	task.clear_ibuf [dreg:s9], $0x2FFFF;
	_ =	strace $0x9FFFFFFF  }
0xc6: {  	(tm) =	ssettm $0x7FFFFFFF  }
0xc7: {  	_ =	shalt  }
tec
execute0_lowered:
.L_overlay_start_1:
0x0: {  	(tag) =	ssettag $0x1  }
0x1: {  	s7 =	rddreg [dreg:$0x0]  }
0x2: {  	s0 =	rddreg [dreg:$0x1]  }
0x3: {  	s4 =	rddreg [dreg:$0x3];
	s1 =	srdreg.scid  }
0x4: {  	s8 =	stileid.u32;
	s5 =	simm.s32 $0x0;
	s13 =	simm.s32 $0x4000  }
0x5: {  	s14 =	simm.s32 $0x4;
	s17 =	simm.s32 $0x1;
	s18 =	simm.s32 $0xFB00  }
0x6: {  	s19 =	simm.s32 $0x13B00;
	s20 =	simm.s32 $0x17B00;
	s21 =	simm.s32 $0x1BB00  }
0x7: {  	s23 =	simm.s32 $0x3;
	s24 =	simm.s32 $0x0;
	s1 =	sand.u32 $0x1, s1  }
0x8: {  	s2 =	sand.u32 $0x7, s8;
	s3 =	sshll.u32 s8, $0xF;
	[smem:$0x7FF] =	sst s5  }
0x9: {  	s26 =	sshll.u32 s8, $0x1;
	s29 =	sshll.u32 s8, $0x16;
	s9 =	sadd.s32 $0x8000, s4  }
0xa: {  	s2 =	sshll.u32 s2, $0x8;
	s6 =	sshll.u32 s1, $0x7;
	s3 =	sand.u32 $0x40000, s3  }
0xb: {  	_ =	strace $0x80000047;
	s25 =	ssub.s32 $0x2, s1;
	s10 =	sor.u32 s6, s2  }
0xc: {  	s28 =	sshrl.u32 s25, $0x1;
	s6 =	sand.u32 $0xE, s26;
	s2 =	sor.u32 s3, s10  }
0xd: {  	s3 =	ssub.s32 s25, s28;
	s1 =	sor.u32 s1, s6;
	s6 =	sand.u32 $0x2000000, s29  }
0xe: {  	[dreg:$0x5] =	wrdreg s10;
	s12 =	ssub.s32 $0x0, s10;
	s2 =	sshrl.u32 s2, $0x3  }
0xf: {  	s30 =	sshll.u32 s1, $0xE;
	s1 =	sshll.u32 s1, $0xB;
	s31 =	smax.u32 s3, $0x1  }
0x10: {  	v0 =	vlaneseq.u32;
	s2 =	sadd.s32 s2, s7;
	s0 =	sadd.s32 s0, s1;
	[dreg:$0x7] =	wrdreg s31  }
0x11: {  	v1 =	vor.u32 $0x10, v0;
	v2 =	vor.u32 $0x20, v0;
	v3 =	vor.u32 $0x30, v0;
	s8 =	sor.u32 s30, s6;
	[dreg:$0x6] =	wrdreg s0;
	s11 =	sadd.s32 $0x800, s2  }
.LBB2_1:
0x12: {  	s0 =	rddreg [dreg:$0x0]  }
0x13: {  	[tilespmem:s13], [sflag:$0x4] =	stream.linear.gather [hbm4b:s0+s5], $0x3900, $0x38;
	[tilespmem:$0x1FB00] =	vst v63  }
0x14: {  	_ =	swait.ge [sflag:s14], $0x3900  }
0x15: {  	[sflag:s14] =	ssyncset.done $0x0  }
0x16: {  	[sflag:s14] =	ssyncadd.s32 $0xFFFFC700  }
0x17: {  	s1 =	simm.s32 $0x7900;
	s28 =	rddreg [dreg:$0x2]  }
0x18: {  	[tilespmem:s1], [sflag:$0x4] =	stream.linear.gather [hbm4b:s28+s5], $0x180, $0x38;
	[tilespmem:$0x1FB00] =	vst v63  }
0x19: {  	_ =	swait.ge [sflag:s14], $0x180  }
0x1a: {  	[sflag:s14] =	ssyncset.done $0x0  }
0x1b: {  	s30 =	simm.s32 $0x7B00;
	s29 =	rddreg [dreg:$0x6];
	[sflag:s14] =	ssyncadd.s32 $0xFFFFFE80  }
0x1c: {  	[tilespmem:s30], [sflag:$0x4] =	stream.linear.gather [hbm4b:s29+s5], $0x4000, $0x38;
	[tilespmem:$0x1FB00] =	vst v63  }
0x1d: {  	_ =	swait.ge [sflag:s14], $0x4000  }
0x1e: {  	s31 =	sadd.s32 $0x0, s11;
	s2 =	simm.s32 $0x0;
	[sflag:s14] =	ssyncset.done $0x0  }
0x1f: {  	s0 =	simm.s32 $0x80;
	s1 =	simm.s32 $0x100;
	[sflag:s14] =	ssyncadd.s32 $0xFFFFC000  }
0x20: {  	[tilespmem:s5], [sflag:$0x1] =	stream.linear.gather [hbm4b:s31+s5], $0x80, $0x38;
	[tilespmem:$0x1FB00] =	vst v63  }
.LBB2_2:
0x21: {  	p0 =	sne.s32 s1, $0x7F00  }
.Ltmp0:
0x22: {  	_ = 	snop;
	(pc) =	sbr.rel @p0 .LBB2_2-.Ltmp0, $4  }
0x23: {  	_ = 	snop  }
0x24: {  	s2 =	sadd.s32 $0x80, s2  }
0x25: {  	s3 =	sadd.s32 s1, s11;
	s1 =	sadd.s32 $0x100, s1  }
0x26: {  	[tilespmem:s2], [sflag:$0x1] =	stream.linear.gather [hbm4b:s3+s5], $0x80, $0x38;
	[tilespmem:$0x1FB00] =	vst v63  }
.LBB2_3:
0x27: {  	p0 =	sne.s32 s0, $0x1  }
.Ltmp1:
0x28: {  	_ = 	snop;
	(pc) =	sbr.rel @p0 .LBB2_3-.Ltmp1, $4  }
0x29: {  	_ = 	snop  }
0x2a: {  	_ =	swait.ge [sflag:s17], $0x80  }
0x2b: {  	[sflag:s17] =	ssyncset.done $0x0  }
0x2c: {  	s0 =	sadd.s32 $0xFFFFFFFF, s0;
	[sflag:s17] =	ssyncadd.s32 $0xFFFFFF80  }
0x2d: {  	s7 =	rddreg [dreg:$0x5]  }
0x2e: {  	s1 =	smulhi.u32 $0xAAAAAAAB, s7;
	_ =	sdelay $0x1  }
0x2f: {  	s1 =	sshrl.u32 s1, $0x1  }
0x30: {  	s0 =	simm.s32 $0x7B40;
	v5 =	vld [tilespmem:$0x7900];
	s1 =	smul.u32 $0x3, s1  }
0x31: {  	v4 =	vld [tilespmem:s0+$0xFFFFFFC0]  }
0x32: {  	s1 =	sadd.s32 s1, s12  }
0x33: {  	v6 =	vld [tilespmem:$0x7980];
	s3 =	sadd.s32 $0x80, s1  }
0x34: {  	s1 =	simm.f32 $1.131370830e+01;
	p0 =	seq.s32 s3, $0x80  }
0x35: {  	v7 =	vld [tilespmem:$0x7A00];
	s1 =	simm.s32 @!p0 $0x0  }
0x36: {  	s2 =	simm.f32 $1.131370830e+01;
	v4 =	vmul.f32 $1.131370830e+01, v4;
	p0 =	seq.s32 s3, $0x7F;
	v5 =	vmul.f32 s1, v5  }
0x37: {  	s2 =	simm.s32 @!p0 $0x0  }
0x38: {  	s6 =	simm.f32 $1.131370830e+01;
	p0 =	seq.s32 s3, $0x7E;
	v4 =	vadd.f32 v5, v4;
	v5 =	vmul.f32 s2, v6  }
0x39: {  	s6 =	simm.s32 @!p0 $0x0  }
0x3a: {  	v4 =	vadd.f32 v5, v4;
	v5 =	vmul.f32 s6, v7;
	_ =	sdelay $0x1  }
0x3b: {  	v4 =	vadd.f32 v5, v4;
	_ =	sdelay $0x1  }
0x3c: {  	[tilespmem:s0+$0xFFFFFFC0] =	vst v4;
	v4 =	vld [tilespmem:s0+$0xFFFFFFD0]  }
0x3d: {  	v5 =	vld [tilespmem:$0x7910];
	_ =	sdelay $0x1  }
0x3e: {  	v6 =	vld [tilespmem:$0x7990];
	_ =	sdelay $0x1  }
0x3f: {  	v7 =	vld [tilespmem:$0x7A10]  }
0x40: {  	v4 =	vmul.f32 $1.131370830e+01, v4;
	v5 =	vmul.f32 s1, v5;
	_ =	sdelay $0x1  }
0x41: {  	v4 =	vadd.f32 v5, v4;
	v5 =	vmul.f32 s2, v6;
	_ =	sdelay $0x1  }
0x42: {  	v4 =	vadd.f32 v5, v4;
	v5 =	vmul.f32 s6, v7;
	_ =	sdelay $0x1  }
0x43: {  	v4 =	vadd.f32 v5, v4;
	_ =	sdelay $0x1  }
0x44: {  	[tilespmem:s0+$0xFFFFFFD0] =	vst v4;
	v4 =	vld [tilespmem:s0+$0xFFFFFFE0]  }
0x45: {  	v5 =	vld [tilespmem:$0x7920];
	_ =	sdelay $0x1  }
0x46: {  	v6 =	vld [tilespmem:$0x79A0];
	_ =	sdelay $0x1  }
0x47: {  	v7 =	vld [tilespmem:$0x7A20]  }
0x48: {  	v4 =	vmul.f32 $1.131370830e+01, v4;
	v5 =	vmul.f32 s1, v5;
	_ =	sdelay $0x1  }
0x49: {  	v4 =	vadd.f32 v5, v4;
	v5 =	vmul.f32 s2, v6;
	_ =	sdelay $0x1  }
0x4a: {  	v4 =	vadd.f32 v5, v4;
	v5 =	vmul.f32 s6, v7;
	_ =	sdelay $0x1  }
0x4b: {  	v4 =	vadd.f32 v5, v4;
	_ =	sdelay $0x1  }
0x4c: {  	[tilespmem:s0+$0xFFFFFFE0] =	vst v4;
	v4 =	vld [tilespmem:s0+$0xFFFFFFF0]  }
0x4d: {  	v5 =	vld [tilespmem:$0x7930];
	_ =	sdelay $0x1  }
0x4e: {  	v6 =	vld [tilespmem:$0x79B0];
	_ =	sdelay $0x1  }
0x4f: {  	v7 =	vld [tilespmem:$0x7A30]  }
0x50: {  	v4 =	vmul.f32 $1.131370830e+01, v4;
	v5 =	vmul.f32 s1, v5;
	_ =	sdelay $0x1  }
0x51: {  	v4 =	vadd.f32 v5, v4;
	v5 =	vmul.f32 s2, v6;
	_ =	sdelay $0x1  }
0x52: {  	v4 =	vadd.f32 v5, v4;
	v5 =	vmul.f32 s6, v7;
	_ =	sdelay $0x1  }
0x53: {  	v4 =	vadd.f32 v5, v4;
	_ =	sdelay $0x1  }
0x54: {  	[tilespmem:s0+$0xFFFFFFF0] =	vst v4;
	v4 =	vld [tilespmem:s0+$0x0]  }
0x55: {  	v5 =	vld [tilespmem:$0x7940];
	_ =	sdelay $0x1  }
0x56: {  	v6 =	vld [tilespmem:$0x79C0];
	_ =	sdelay $0x1  }
0x57: {  	v7 =	vld [tilespmem:$0x7A40]  }
0x58: {  	v4 =	vmul.f32 $1.131370830e+01, v4;
	v5 =	vmul.f32 s1, v5;
	_ =	sdelay $0x1  }
0x59: {  	v4 =	vadd.f32 v5, v4;
	v5 =	vmul.f32 s2, v6;
	_ =	sdelay $0x1  }
0x5a: {  	v4 =	vadd.f32 v5, v4;
	v5 =	vmul.f32 s6, v7;
	_ =	sdelay $0x1  }
0x5b: {  	v4 =	vadd.f32 v5, v4;
	_ =	sdelay $0x1  }
0x5c: {  	[tilespmem:s0+$0x0] =	vst v4;
	v4 =	vld [tilespmem:s0+$0x10]  }
0x5d: {  	v5 =	vld [tilespmem:$0x7950];
	_ =	sdelay $0x1  }
0x5e: {  	v6 =	vld [tilespmem:$0x79D0];
	_ =	sdelay $0x1  }
0x5f: {  	v7 =	vld [tilespmem:$0x7A50]  }
0x60: {  	v4 =	vmul.f32 $1.131370830e+01, v4;
	v5 =	vmul.f32 s1, v5;
	_ =	sdelay $0x1  }
0x61: {  	v6 =	vmul.f32 s2, v6;
	v4 =	vadd.f32 v5, v4;
	_ =	sdelay $0x1  }
0x62: {  	v5 =	vmul.f32 s6, v7;
	v4 =	vadd.f32 v6, v4;
	_ =	sdelay $0x1  }
0x63: {  	v4 =	vadd.f32 v5, v4;
	_ =	sdelay $0x1  }
0x64: {  	[tilespmem:s0+$0x10] =	vst v4;
	v4 =	vld [tilespmem:s0+$0x20]  }
0x65: {  	v5 =	vld [tilespmem:$0x7960];
	_ =	sdelay $0x1  }
0x66: {  	v6 =	vld [tilespmem:$0x79E0];
	_ =	sdelay $0x1  }
0x67: {  	v7 =	vld [tilespmem:$0x7A60]  }
0x68: {  	v4 =	vmul.f32 $1.131370830e+01, v4;
	v5 =	vmul.f32 s1, v5;
	_ =	sdelay $0x1  }
0x69: {  	v6 =	vmul.f32 s2, v6;
	v4 =	vadd.f32 v5, v4;
	_ =	sdelay $0x1  }
0x6a: {  	v5 =	vmul.f32 s6, v7;
	v4 =	vadd.f32 v6, v4;
	_ =	sdelay $0x1  }
0x6b: {  	v4 =	vadd.f32 v5, v4;
	_ =	sdelay $0x1  }
0x6c: {  	[tilespmem:s0+$0x20] =	vst v4;
	v4 =	vld [tilespmem:s0+$0x30]  }
0x6d: {  	v5 =	vld [tilespmem:$0x7970];
	_ =	sdelay $0x1  }
0x6e: {  	v6 =	vld [tilespmem:$0x79F0];
	_ =	sdelay $0x1  }
0x6f: {  	v7 =	vld [tilespmem:$0x7A70]  }
0x70: {  	v4 =	vmul.f32 $1.131370830e+01, v4;
	v5 =	vmul.f32 s1, v5;
	_ =	sdelay $0x1  }
0x71: {  	v6 =	vmul.f32 s2, v6;
	v4 =	vadd.f32 v5, v4  }
0x72: {  	s3 =	sadd.s32 $0x1, s7  }
0x73: {  	s31 =	smulhi.u32 $0xAAAAAAAB, s3;
	v5 =	vmul.f32 s6, v7;
	v4 =	vadd.f32 v6, v4  }
0x74: {  	s7 =	simm.s32 $0x7E  }
0x75: {  	s1 =	simm.s32 $0x7F;
	s2 =	simm.s32 $0x7BC0;
	s6 =	sshrl.u32 s31, $0x1;
	v4 =	vadd.f32 v5, v4  }
.LBB2_5:
0x76: {  	p0 =	sne.s32 s7, $0x1;
	s6 =	smul.u32 $0x3, s6  }
0x77: {  	v5 =	vld [tilespmem:s2+$0xFFFFFFC0];
	[tilespmem:s0+$0x30] =	vst v4;
	s10 =	smov.u32 s7;
	s7 =	sadd.s32 $0xFFFFFFFF, s7;
	s0 =	smov.u32 s2  }
0x78: {  	v4 =	vld [tilespmem:$0x7900];
	s6 =	sadd.s32 s6, s12  }
0x79: {  	s6 =	sadd.s32 s6, s1  }
0x7a: {  	v6 =	vld [tilespmem:$0x7980];
	s1 =	smov.u32 s10;
	s10 =	simm.f32 $1.131370830e+01;
	p2 =	seq.s32 s6, $0x80  }
0x7b: {  	p3 =	seq.s32 s6, $0x7F;
	p1 =	seq.s32 s6, $0x7E;
	s6 =	simm.f32 $1.131370830e+01  }
0x7c: {  	s6 =	simm.s32 @!p2 $0x0;
	s10 =	simm.s32 @!p3 $0x0;
	v7 =	vld [tilespmem:$0x7A00]  }
0x7d: {  	v5 =	vmul.f32 $1.131370830e+01, v5;
	v4 =	vmul.f32 s6, v4;
	_ =	sdelay $0x1  }
0x7e: {  	s15 =	simm.f32 $1.131370830e+01;
	v4 =	vadd.f32 v4, v5;
	v5 =	vmul.f32 s10, v6  }
0x7f: {  	s15 =	simm.s32 @!p1 $0x0  }
0x80: {  	v4 =	vadd.f32 v5, v4;
	v5 =	vmul.f32 s15, v7;
	_ =	sdelay $0x1  }
0x81: {  	v4 =	vadd.f32 v5, v4;
	_ =	sdelay $0x1  }
0x82: {  	[tilespmem:s2+$0xFFFFFFC0] =	vst v4;
	v4 =	vld [tilespmem:s2+$0xFFFFFFD0]  }
0x83: {  	v5 =	vld [tilespmem:$0x7910];
	_ =	sdelay $0x1  }
0x84: {  	v6 =	vld [tilespmem:$0x7990];
	_ =	sdelay $0x1  }
0x85: {  	v7 =	vld [tilespmem:$0x7A10]  }
0x86: {  	v4 =	vmul.f32 $1.131370830e+01, v4;
	v5 =	vmul.f32 s6, v5;
	_ =	sdelay $0x1  }
0x87: {  	v4 =	vadd.f32 v5, v4;
	v5 =	vmul.f32 s10, v6;
	_ =	sdelay $0x1  }
0x88: {  	v4 =	vadd.f32 v5, v4;
	v5 =	vmul.f32 s15, v7;
	_ =	sdelay $0x1  }
0x89: {  	v4 =	vadd.f32 v5, v4;
	_ =	sdelay $0x1  }
0x8a: {  	[tilespmem:s2+$0xFFFFFFD0] =	vst v4;
	v4 =	vld [tilespmem:s2+$0xFFFFFFE0]  }
0x8b: {  	v5 =	vld [tilespmem:$0x7920];
	_ =	sdelay $0x1  }
0x8c: {  	v6 =	vld [tilespmem:$0x79A0];
	_ =	sdelay $0x1  }
0x8d: {  	v7 =	vld [tilespmem:$0x7A20]  }
0x8e: {  	v4 =	vmul.f32 $1.131370830e+01, v4;
	v5 =	vmul.f32 s6, v5;
	_ =	sdelay $0x1  }
0x8f: {  	v4 =	vadd.f32 v5, v4;
	v5 =	vmul.f32 s10, v6;
	_ =	sdelay $0x1  }
0x90: {  	v4 =	vadd.f32 v5, v4;
	v5 =	vmul.f32 s15, v7;
	_ =	sdelay $0x1  }
0x91: {  	v4 =	vadd.f32 v5, v4;
	_ =	sdelay $0x1  }
0x92: {  	[tilespmem:s2+$0xFFFFFFE0] =	vst v4;
	v4 =	vld [tilespmem:s2+$0xFFFFFFF0]  }
0x93: {  	v5 =	vld [tilespmem:$0x7930];
	_ =	sdelay $0x1  }
0x94: {  	v6 =	vld [tilespmem:$0x79B0];
	_ =	sdelay $0x1  }
0x95: {  	v7 =	vld [tilespmem:$0x7A30]  }
0x96: {  	v4 =	vmul.f32 $1.131370830e+01, v4;
	v5 =	vmul.f32 s6, v5;
	_ =	sdelay $0x1  }
0x97: {  	v4 =	vadd.f32 v5, v4;
	v5 =	vmul.f32 s10, v6;
	_ =	sdelay $0x1  }
0x98: {  	v4 =	vadd.f32 v5, v4;
	v5 =	vmul.f32 s15, v7;
	_ =	sdelay $0x1  }
0x99: {  	v4 =	vadd.f32 v5, v4;
	_ =	sdelay $0x1  }
0x9a: {  	[tilespmem:s2+$0xFFFFFFF0] =	vst v4;
	v4 =	vld [tilespmem:s2+$0x0]  }
0x9b: {  	v5 =	vld [tilespmem:$0x7940];
	_ =	sdelay $0x1  }
0x9c: {  	v6 =	vld [tilespmem:$0x79C0];
	_ =	sdelay $0x1  }
0x9d: {  	v7 =	vld [tilespmem:$0x7A40]  }
0x9e: {  	v4 =	vmul.f32 $1.131370830e+01, v4;
	v5 =	vmul.f32 s6, v5;
	_ =	sdelay $0x1  }
0x9f: {  	v4 =	vadd.f32 v5, v4;
	v5 =	vmul.f32 s10, v6;
	_ =	sdelay $0x1  }
0xa0: {  	v4 =	vadd.f32 v5, v4;
	v5 =	vmul.f32 s15, v7;
	_ =	sdelay $0x1  }
0xa1: {  	v4 =	vadd.f32 v5, v4;
	_ =	sdelay $0x1  }
0xa2: {  	[tilespmem:s2+$0x0] =	vst v4;
	v4 =	vld [tilespmem:s2+$0x10]  }
0xa3: {  	v5 =	vld [tilespmem:$0x7950]  }
0xa4: {  	v6 =	vld [tilespmem:$0x79D0]  }
0xa5: {  	v7 =	vld [tilespmem:$0x7A50];
	_ =	sdelay $0x2  }
0xa6: {  	v4 =	vmul.f32 $1.131370830e+01, v4;
	v5 =	vmul.f32 s6, v5  }
0xa7: {  	v6 =	vmul.f32 s10, v6  }
0xa8: {  	v4 =	vadd.f32 v5, v4;
	v5 =	vmul.f32 s15, v7;
	_ =	sdelay $0x1  }
0xa9: {  	v4 =	vadd.f32 v6, v4;
	_ =	sdelay $0x1  }
0xaa: {  	v4 =	vadd.f32 v5, v4;
	_ =	sdelay $0x1  }
0xab: {  	[tilespmem:s2+$0x10] =	vst v4;
	v4 =	vld [tilespmem:s2+$0x20]  }
0xac: {  	v5 =	vld [tilespmem:$0x7960]  }
0xad: {  	v6 =	vld [tilespmem:$0x79E0]  }
0xae: {  	v7 =	vld [tilespmem:$0x7A60];
	_ =	sdelay $0x2  }
0xaf: {  	v4 =	vmul.f32 $1.131370830e+01, v4;
	v5 =	vmul.f32 s6, v5  }
0xb0: {  	v6 =	vmul.f32 s10, v6  }
0xb1: {  	v4 =	vadd.f32 v5, v4;
	v5 =	vmul.f32 s15, v7;
	_ =	sdelay $0x1  }
0xb2: {  	v4 =	vadd.f32 v6, v4;
	_ =	sdelay $0x1  }
0xb3: {  	v4 =	vadd.f32 v5, v4;
	_ =	sdelay $0x1  }
0xb4: {  	[tilespmem:s2+$0x20] =	vst v4;
	v4 =	vld [tilespmem:s2+$0x30]  }
0xb5: {  	v5 =	vld [tilespmem:$0x7970]  }
0xb6: {  	v6 =	vld [tilespmem:$0x79F0]  }
0xb7: {  	v7 =	vld [tilespmem:$0x7A70];
	_ =	sdelay $0x2  }
0xb8: {  	v4 =	vmul.f32 $1.131370830e+01, v4;
	v5 =	vmul.f32 s6, v5  }
0xb9: {  	v6 =	vmul.f32 s10, v6  }
0xba: {  	v4 =	vadd.f32 v5, v4;
	v5 =	vmul.f32 s15, v7  }
.Ltmp2:
0xbb: {  	(pc) =	sbr.rel @p0 .LBB2_5-.Ltmp2, $4  }
0xbc: {  	s3 =	sadd.s32 $0x1, s3;
	v4 =	vadd.f32 v6, v4  }
0xbd: {  	s6 =	smulhi.u32 $0xAAAAAAAB, s3  }
0xbe: {  	v4 =	vadd.f32 v5, v4  }
0xbf: {  	s2 =	sadd.s32 $0x80, s2;
	s6 =	sshrl.u32 s6, $0x1  }
0xc0: {  	s3 =	smul.u32 $0x3, s6;
	v5 =	vld [tilespmem:s2+$0xFFFFFFC0];
	[tilespmem:s0+$0x30] =	vst v4  }
0xc1: {  	v4 =	vld [tilespmem:$0x7900]  }
0xc2: {  	s31 =	sadd.s32 s3, s12  }
0xc3: {  	v6 =	vld [tilespmem:$0x7980];
	s3 =	sadd.s32 s31, s1  }
0xc4: {  	s0 =	simm.f32 $1.131370830e+01;
	p0 =	seq.s32 s3, $0x80  }
0xc5: {  	v7 =	vld [tilespmem:$0x7A00];
	s0 =	simm.s32 @!p0 $0x0  }
0xc6: {  	s1 =	simm.f32 $1.131370830e+01;
	p0 =	seq.s32 s3, $0x7F;
	v5 =	vmul.f32 $1.131370830e+01, v5;
	v4 =	vmul.f32 s0, v4  }
0xc7: {  	s1 =	simm.s32 @!p0 $0x0  }
0xc8: {  	p0 =	seq.s32 s3, $0x7E;
	s3 =	simm.f32 $1.131370830e+01;
	v4 =	vadd.f32 v4, v5;
	v5 =	vmul.f32 s1, v6  }
0xc9: {  	s3 =	simm.s32 @!p0 $0x0  }
0xca: {  	v4 =	vadd.f32 v5, v4;
	v5 =	vmul.f32 s3, v7;
	_ =	sdelay $0x1  }
0xcb: {  	v4 =	vadd.f32 v5, v4;
	_ =	sdelay $0x1  }
0xcc: {  	[tilespmem:s2+$0xFFFFFFC0] =	vst v4;
	v4 =	vld [tilespmem:s2+$0xFFFFFFD0]  }
0xcd: {  	v5 =	vld [tilespmem:$0x7910];
	_ =	sdelay $0x1  }
0xce: {  	v6 =	vld [tilespmem:$0x7990];
	_ =	sdelay $0x1  }
0xcf: {  	v7 =	vld [tilespmem:$0x7A10]  }
0xd0: {  	v4 =	vmul.f32 $1.131370830e+01, v4;
	v5 =	vmul.f32 s0, v5;
	_ =	sdelay $0x1  }
0xd1: {  	v4 =	vadd.f32 v5, v4;
	v5 =	vmul.f32 s1, v6;
	_ =	sdelay $0x1  }
0xd2: {  	v4 =	vadd.f32 v5, v4;
	v5 =	vmul.f32 s3, v7;
	_ =	sdelay $0x1  }
0xd3: {  	v4 =	vadd.f32 v5, v4;
	_ =	sdelay $0x1  }
0xd4: {  	[tilespmem:s2+$0xFFFFFFD0] =	vst v4;
	v4 =	vld [tilespmem:s2+$0xFFFFFFE0]  }
0xd5: {  	v5 =	vld [tilespmem:$0x7920];
	_ =	sdelay $0x1  }
0xd6: {  	v6 =	vld [tilespmem:$0x79A0];
	_ =	sdelay $0x1  }
0xd7: {  	v7 =	vld [tilespmem:$0x7A20]  }
0xd8: {  	v4 =	vmul.f32 $1.131370830e+01, v4;
	v5 =	vmul.f32 s0, v5;
	_ =	sdelay $0x1  }
0xd9: {  	v4 =	vadd.f32 v5, v4;
	v5 =	vmul.f32 s1, v6;
	_ =	sdelay $0x1  }
0xda: {  	v4 =	vadd.f32 v5, v4;
	v5 =	vmul.f32 s3, v7;
	_ =	sdelay $0x1  }
0xdb: {  	v4 =	vadd.f32 v5, v4;
	_ =	sdelay $0x1  }
0xdc: {  	[tilespmem:s2+$0xFFFFFFE0] =	vst v4;
	v4 =	vld [tilespmem:s2+$0xFFFFFFF0]  }
0xdd: {  	v5 =	vld [tilespmem:$0x7930];
	_ =	sdelay $0x1  }
0xde: {  	v6 =	vld [tilespmem:$0x79B0];
	_ =	sdelay $0x1  }
0xdf: {  	v7 =	vld [tilespmem:$0x7A30]  }
0xe0: {  	v4 =	vmul.f32 $1.131370830e+01, v4;
	v5 =	vmul.f32 s0, v5;
	_ =	sdelay $0x1  }
0xe1: {  	v4 =	vadd.f32 v5, v4;
	v5 =	vmul.f32 s1, v6;
	_ =	sdelay $0x1  }
0xe2: {  	v4 =	vadd.f32 v5, v4;
	v5 =	vmul.f32 s3, v7;
	_ =	sdelay $0x1  }
0xe3: {  	v4 =	vadd.f32 v5, v4;
	_ =	sdelay $0x1  }
0xe4: {  	[tilespmem:s2+$0xFFFFFFF0] =	vst v4;
	v4 =	vld [tilespmem:s2+$0x0]  }
0xe5: {  	v5 =	vld [tilespmem:$0x7940];
	_ =	sdelay $0x1  }
0xe6: {  	v6 =	vld [tilespmem:$0x79C0];
	_ =	sdelay $0x1  }
0xe7: {  	v7 =	vld [tilespmem:$0x7A40]  }
0xe8: {  	v4 =	vmul.f32 $1.131370830e+01, v4;
	v5 =	vmul.f32 s0, v5;
	_ =	sdelay $0x1  }
0xe9: {  	v4 =	vadd.f32 v5, v4;
	v5 =	vmul.f32 s1, v6;
	_ =	sdelay $0x1  }
0xea: {  	v4 =	vadd.f32 v5, v4;
	v5 =	vmul.f32 s3, v7;
	_ =	sdelay $0x1  }
0xeb: {  	v4 =	vadd.f32 v5, v4;
	_ =	sdelay $0x1  }
0xec: {  	[tilespmem:s2+$0x0] =	vst v4;
	v4 =	vld [tilespmem:s2+$0x10]  }
0xed: {  	v5 =	vld [tilespmem:$0x7950];
	_ =	sdelay $0x1  }
0xee: {  	v6 =	vld [tilespmem:$0x79D0];
	_ =	sdelay $0x1  }
0xef: {  	v7 =	vld [tilespmem:$0x7A50]  }
0xf0: {  	v4 =	vmul.f32 $1.131370830e+01, v4;
	v5 =	vmul.f32 s0, v5;
	_ =	sdelay $0x1  }
0xf1: {  	v6 =	vmul.f32 s1, v6;
	v4 =	vadd.f32 v5, v4;
	_ =	sdelay $0x1  }
0xf2: {  	v5 =	vmul.f32 s3, v7;
	v4 =	vadd.f32 v6, v4;
	_ =	sdelay $0x1  }
0xf3: {  	v4 =	vadd.f32 v5, v4;
	_ =	sdelay $0x1  }
0xf4: {  	[tilespmem:s2+$0x10] =	vst v4;
	v4 =	vld [tilespmem:s2+$0x20]  }
0xf5: {  	v5 =	vld [tilespmem:$0x7960];
	_ =	sdelay $0x1  }
0xf6: {  	v6 =	vld [tilespmem:$0x79E0];
	_ =	sdelay $0x1  }
0xf7: {  	v7 =	vld [tilespmem:$0x7A60]  }
0xf8: {  	v4 =	vmul.f32 $1.131370830e+01, v4;
	v5 =	vmul.f32 s0, v5;
	_ =	sdelay $0x1  }
0xf9: {  	v6 =	vmul.f32 s1, v6;
	v4 =	vadd.f32 v5, v4;
	_ =	sdelay $0x1  }
0xfa: {  	v5 =	vmul.f32 s3, v7;
	v4 =	vadd.f32 v6, v4;
	_ =	sdelay $0x1  }
0xfb: {  	v4 =	vadd.f32 v5, v4;
	_ =	sdelay $0x1  }
0xfc: {  	[tilespmem:s2+$0x20] =	vst v4;
	v4 =	vld [tilespmem:s2+$0x30]  }
0xfd: {  	v5 =	vld [tilespmem:$0x7970];
	_ =	sdelay $0x1  }
0xfe: {  	v6 =	vld [tilespmem:$0x79F0];
	_ =	sdelay $0x1  }
0xff: {  	v7 =	vld [tilespmem:$0x7A70]  }
0x100: {  	v4 =	vmul.f32 $1.131370830e+01, v4;
	v5 =	vmul.f32 s0, v5;
	_ =	sdelay $0x1  }
0x101: {  	v6 =	vmul.f32 s1, v6;
	v4 =	vadd.f32 v5, v4;
	_ =	sdelay $0x1  }
0x102: {  	p1 =	por $0x1, $0x1;
	v5 =	vmul.f32 s3, v7;
	v4 =	vadd.f32 v6, v4  }
.Ltmp3:
0x103: {  	_ = 	snop;
	(pc) =	sbr.rel @!p1 .LBB2_7-.Ltmp3, $3  }
0x104: {  	v4 =	vadd.f32 v5, v4;
	_ =	sdelay $0x1  }
0x105: {  	s0 =	simm.s32 $0x0;
	[tilespmem:s2+$0x30] =	vst v4  }
0x106: {  	s25 =	simm.s32 $0x0;
	p0 =	por $0x0, $0x0;
	v4 =	vld [tilespmem:s0+$0x7B60]  }
0x107: {  	v8 =	vld [tilespmem:s0+$0x7B70]  }
0x108: {  	v9 =	vld [tilespmem:s0+$0x7B00]  }
0x109: {  	v10 =	vld [tilespmem:s0+$0x7B10];
	p1 =	por $0x1, $0x1  }
.Ltmp4:
0x10a: {  	v5 =	vld [tilespmem:s0+$0x7B20];
	(pc) =	sbr.rel @!p1 .LBB2_10-.Ltmp4, $4  }
0x10b: {  	v7 =	vld [tilespmem:s0+$0x7B30]  }
0x10c: {  	v6 =	vld [tilespmem:s0+$0x7B40];
	v4 =	vpack.i.f32.bf16 v8, v4  }
0x10d: {  	s1 =	simm.s32 $0x80;
	v8 =	vld [tilespmem:s0+$0x7B50];
	[tilespmem:s0+$0xBB30] =	vst v4  }
0x10e: {  	s2 =	simm.s32 $0x400;
	p0 =	por $0x1, $0x1;
	v9 =	vpack.i.f32.bf16 v10, v9;
	v4 =	vld [tilespmem:s1+$0x7B60]  }
.LBB2_9:
0x10f: {  	p1 =	sne.s32 s2, $0xFE00;
	v10 =	vld [tilespmem:s1+$0x7B70];
	[tilespmem:s0+$0xBB00] =	vst v9  }
0x110: {  	v9 =	vld [tilespmem:s1+$0x7B00];
	v5 =	vpack.i.f32.bf16 v7, v5  }
0x111: {  	v11 =	vld [tilespmem:s1+$0x7B10];
	[tilespmem:s0+$0xBB10] =	vst v5  }
.Ltmp5:
0x112: {  	v5 =	vld [tilespmem:s1+$0x7B20];
	v6 =	vpack.i.f32.bf16 v8, v6;
	(pc) =	sbr.rel @p1 .LBB2_9-.Ltmp5, $4  }
0x113: {  	v7 =	vld [tilespmem:s1+$0x7B30];
	[tilespmem:s0+$0xBB20] =	vst v6;
	s0 =	smov.u32 s1  }
0x114: {  	v6 =	vld [tilespmem:s0+$0x7B40];
	v4 =	vpack.i.f32.bf16 v10, v4  }
0x115: {  	s1 =	sshra.s32 s2, $0x2;
	v8 =	vld [tilespmem:s0+$0x7B50];
	[tilespmem:s0+$0xBB30] =	vst v4  }
0x116: {  	s2 =	sadd.s32 $0x200, s2;
	v4 =	vld [tilespmem:s1+$0x7B60];
	v9 =	vpack.i.f32.bf16 v11, v9  }
.LBB2_10:
0x117: {  	v10 =	vld [tilespmem:s1+$0x7B70];
	[tilespmem:s0+$0xBB00] =	vst @p0 v9  }
0x118: {  	v9 =	vld [tilespmem:s1+$0x7B00];
	v5 =	vpack.i.f32.bf16 @p0 v7, v5  }
0x119: {  	v62 =	vld [tilespmem:s1+$0x7B10];
	[tilespmem:s0+$0xBB10] =	vst @p0 v5  }
0x11a: {  	v5 =	vld [tilespmem:s1+$0x7B20];
	v6 =	vpack.i.f32.bf16 @p0 v8, v6  }
0x11b: {  	v63 =	vld [tilespmem:s1+$0x7B30];
	[tilespmem:s0+$0xBB20] =	vst @p0 v6  }
0x11c: {  	v6 =	vld [tilespmem:s1+$0x7B40]  }
0x11d: {  	v11 =	vld [tilespmem:s1+$0x7B50];
	_ =	sdelay $0x1  }
0x11e: {  	v4 =	vpack.i.f32.bf16 v10, v4  }
0x11f: {  	[tilespmem:s1+$0xBB30] =	vst v4;
	v4 =	vpack.i.f32.bf16 v62, v9  }
0x120: {  	[tilespmem:s1+$0xBB00] =	vst v4;
	v4 =	vpack.i.f32.bf16 v63, v5  }
0x121: {  	[tilespmem:s1+$0xBB10] =	vst v4;
	v4 =	vpack.i.f32.bf16 v11, v6  }
0x122: {  	s26 =	simm.s32 $0x0;
	[tilespmem:s1+$0xBB20] =	vst v4  }
.LBB2_11:
0x123: {  	s0 =	sadd.s32 $0xFFFFFFF8, s25  }
0x124: {  	p0 =	seq.s32 s26, $0x0;
	s1 =	sadd.s32 $0xE, s0  }
0x125: {  	v4 =	vmov s1;
	s1 =	simm.s32 @!p0 $0x2  }
0x126: {  	s16 =	sadd.s32 $0xF, s0;
	_ =	swait.ge @!p0 [sflag:s1], $0x4000  }
0x127: {  	v8 =	vmov s16;
	[sflag:s1] =	ssyncset.done @!p0 $0x0  }
0x128: {  	[sflag:s1] =	ssyncadd.s32 @!p0 $0xFFFFC000  }
0x129: {  	s2 =	sadd.s32 $0x8, s0;
	v4 =	vand.u32 $0xFFFFFFFE, v4;
	_ =	swait.ge @!p0 [sflag:s1], $0x4000  }
0x12a: {  	s3 =	sadd.s32 $0x9, s0;
	s15 =	sadd.s32 $0xA, s0;
	v5 =	vmov s2;
	v4 =	vbroadcast v4, $0x0;
	[sflag:s1] =	ssyncset.done @!p0 $0x0  }
0x12b: {  	s7 =	simm.s32 $0x80;
	s22 =	sadd.s32 $0xB, s0;
	v6 =	vmov s3;
	v7 =	vmov s15;
	v5 =	vand.u32 $0xFFFFFFF8, v5;
	[sflag:s1] =	ssyncadd.s32 @!p0 $0xFFFFC000  }
0x12c: {  	s7 =	sand.u32 $0x3C80, s7;
	s2 =	sadd.s32 $0xC, s0;
	v9 =	vmov s22;
	s15 =	simm.s32 $0x180;
	v6 =	vand.u32 $0xFFFFFFF9, v6;
	v5 =	vbroadcast v5, $0x0;
	v8 =	vld.idx.msk [tilespmem:v8+s5+$0x0], $0xffff  }
0x12d: {  	s16 =	simm.s32 $0x0;
	v10 =	vmov s2;
	v9 =	vand.u32 $0xFFFFFFFB, v9;
	s3 =	sand.u32 $0x3D80, s15;
	v6 =	vbroadcast v6, $0x0;
	v36 =	vld [tilespmem:s7+$0xBB00]  }
0x12e: {  	s0 =	sadd.s32 $0xD, s0;
	s15 =	sand.u32 $0x3C00, s16;
	v10 =	vand.u32 $0xFFFFFFFC, v10;
	v9 =	vbroadcast v9, $0x0;
	v44 =	vld [tilespmem:s3+$0xBB00]  }
0x12f: {  	s22 =	simm.s32 $0x200;
	v7 =	vand.u32 $0xFFFFFFFA, v7;
	v11 =	vmov s0;
	v10 =	vbroadcast v10, $0x0;
	v46 =	vld [tilespmem:s15+$0xBB00]  }
0x130: {  	v7 =	vbroadcast v7, $0x0;
	v11 =	vand.u32 $0xFFFFFFFD, v11;
	s1 =	sand.u32 $0x3E00, s22;
	v4 =	vld.idx.msk [tilespmem:v4+s5+$0x0], $0xffff  }
0x131: {  	v11 =	vbroadcast v11, $0x0;
	v50 =	vld [tilespmem:s1+$0xBB00]  }
0x132: {  	v5 =	vld.idx.msk [tilespmem:v5+s5+$0x0], $0xffff  }
0x133: {  	v6 =	vld.idx.msk [tilespmem:v6+s5+$0x0], $0xffff  }
0x134: {  	v9 =	vld.idx.msk [tilespmem:v9+s5+$0x0], $0xffff  }
0x135: {  	v10 =	vld.idx.msk [tilespmem:v10+s5+$0x0], $0xffff;
	v21 =	vshll.u32 v4, $0x6  }
0x136: {  	v58 =	vunpack.i.u.bf16.f32 v36;
	v4 =	vld.idx.msk [tilespmem:v7+s5+$0x0], $0xffff;
	v7 =	vshll.u32 v8, $0x6;
	v12 =	vor.u32 v0, v21  }
0x137: {  	v36 =	vunpack.i.l.bf16.f32 v36;
	v8 =	vld.idx.msk [tilespmem:v11+s5+$0x0], $0xffff;
	v5 =	vshll.u32 v5, $0x6;
	v11 =	vor.u32 v0, v7  }
0x138: {  	s6 =	simm.s32 $0x300;
	v61 =	vunpack.i.u.bf16.f32 v44;
	v6 =	vshll.u32 v6, $0x6;
	v13 =	vor.u32 v0, v5  }
0x139: {  	s6 =	sand.u32 $0x3F00, s6;
	v62 =	vunpack.i.l.bf16.f32 v44;
	v22 =	vshll.u32 v9, $0x6;
	v15 =	vor.u32 v0, v6  }
0x13a: {  	v63 =	vunpack.i.l.bf16.f32 v46;
	v9 =	vld [tilespmem:s6+$0xBB00];
	v19 =	vor.u32 v0, v22;
	v24 =	vshll.u32 v10, $0x6  }
0x13b: {  	v53 =	vunpack.i.u.bf16.f32 v50;
	v10 =	vor.u32 v0, v24;
	v4 =	vshll.u32 v4, $0x6;
	v16 =	vld.idx.msk [tilespmem:v12+s13+$0x0], $0xffff  }
0x13c: {  	v54 =	vunpack.i.u.bf16.f32 v46;
	v26 =	vshll.u32 v8, $0x6;
	v17 =	vor.u32 v0, v4;
	v8 =	vld.idx.msk [tilespmem:v11+s13+$0x0], $0xffff  }
0x13d: {  	v56 =	vunpack.i.l.bf16.f32 v50;
	v23 =	vor.u32 v1, v5;
	v11 =	vld.idx.msk [tilespmem:v13+s13+$0x0], $0xffff;
	v13 =	vor.u32 v0, v26  }
0x13e: {  	v25 =	vor.u32 v1, v6;
	v28 =	vor.u32 v1, v22;
	v18 =	vor.u32 v2, v5;
	v29 =	vld.idx.msk [tilespmem:v15+s13+$0x0], $0xffff  }
0x13f: {  	v31 =	vor.u32 v1, v21;
	v49 =	vor.u32 v2, v21;
	v20 =	vor.u32 v1, v24;
	v32 =	vld.idx.msk [tilespmem:v19+s13+$0x0], $0xffff  }
0x140: {  	v27 =	vor.u32 v1, v4;
	v14 =	vor.u32 v1, v26;
	v19 =	vor.u32 v2, v6;
	v34 =	vld.idx.msk [tilespmem:v10+s13+$0x0], $0xffff  }
0x141: {  	v30 =	vld.idx.msk [tilespmem:v17+s13+$0x0], $0xffff;
	v15 =	vunpack.i.l.bf16.f32 v16;
	v17 =	vunpack.i.l.bf16.f32 v9;
	v16 =	vunpack.i.u.bf16.f32 v16  }
0x142: {  	v9 =	vunpack.i.u.bf16.f32 v9;
	v35 =	vld.idx.msk [tilespmem:v13+s13+$0x0], $0xffff;
	v13 =	vor.u32 v2, v26;
	v33 =	vadd.f32 v17, v15  }
0x143: {  	s29 =	simm.s32 $0xFD00;
	s10 =	simm.s32 $0x100;
	v37 =	vunpack.i.l.bf16.f32 v8;
	v38 =	vunpack.i.u.bf16.f32 v11;
	v9 =	vadd.f32 v9, v16  }
0x144: {  	s10 =	sand.u32 $0x3D00, s10;
	v39 =	vunpack.i.l.bf16.f32 v11;
	v11 =	vor.u32 v3, v5;
	v40 =	vunpack.i.u.bf16.f32 v29;
	[tilespmem:s29+$0x100] =	vst v33  }
0x145: {  	v29 =	vunpack.i.l.bf16.f32 v29;
	v43 =	vunpack.i.u.bf16.f32 v32;
	[tilespmem:s29+$0x110] =	vst v9;
	v9 =	vor.u32 v3, v6;
	v6 =	vld [tilespmem:s10+$0xBB00]  }
0x146: {  	v32 =	vunpack.i.l.bf16.f32 v32;
	v5 =	vor.u32 v3, v22;
	v16 =	vor.u32 v2, v22;
	v31 =	vld.idx.msk [tilespmem:v31+s13+$0x0], $0xffff  }
0x147: {  	v22 =	vunpack.i.u.bf16.f32 v34;
	v34 =	vunpack.i.l.bf16.f32 v34;
	v29 =	vadd.f32 v36, v29;
	v41 =	vld [tilespmem:s6+$0xBB10]  }
0x148: {  	v17 =	vor.u32 v2, v4;
	v15 =	vor.u32 v2, v24;
	v34 =	vadd.f32 v56, v34  }
0x149: {  	s2 =	simm.s32 $0x280;
	v22 =	vadd.f32 v53, v22;
	v33 =	vunpack.i.u.bf16.f32 v8;
	v8 =	vor.u32 v3, v4;
	[tilespmem:s29+$0xFFFFFE80] =	vst v29  }
0x14a: {  	s16 =	simm.s32 $0x380;
	s2 =	sand.u32 $0x3E80, s2;
	v4 =	vor.u32 v3, v24;
	v24 =	vadd.f32 v58, v40;
	v29 =	vadd.f32 v62, v32;
	[tilespmem:s29+$0x0] =	vst v34  }
0x14b: {  	s0 =	sand.u32 $0x3F80, s16;
	v59 =	vld [tilespmem:s2+$0xBB00];
	[tilespmem:s29+$0x10] =	vst v22;
	v60 =	vunpack.i.u.bf16.f32 v6;
	v51 =	vunpack.i.l.bf16.f32 v6;
	v6 =	vor.u32 v3, v26  }
0x14c: {  	v36 =	vld [tilespmem:s0+$0xBB00];
	[tilespmem:s29+$0xFFFFFE90] =	vst v24;
	v26 =	vadd.f32 v61, v43;
	v47 =	vunpack.i.l.bf16.f32 v31;
	v48 =	vunpack.i.l.bf16.f32 v41  }
0x14d: {  	[tilespmem:s29+$0xFFFFFF80] =	vst v29;
	v20 =	vld.idx.msk [tilespmem:v20+s13+$0x0], $0xffff;
	v31 =	vunpack.i.u.bf16.f32 v31;
	v41 =	vunpack.i.u.bf16.f32 v41;
	v47 =	vadd.f32 v48, v47  }
0x14e: {  	v42 =	vunpack.i.u.bf16.f32 v30;
	v30 =	vunpack.i.l.bf16.f32 v30;
	v25 =	vld.idx.msk [tilespmem:v25+s13+$0x0], $0xffff;
	v31 =	vadd.f32 v41, v31;
	[tilespmem:s29+$0xFFFFFF90] =	vst v26  }
0x14f: {  	v21 =	vor.u32 v3, v21;
	v30 =	vadd.f32 v51, v30;
	v41 =	vadd.f32 v60, v42;
	v60 =	vld [tilespmem:s7+$0xBB10];
	[tilespmem:s29+$0x120] =	vst v47  }
0x150: {  	v57 =	vunpack.i.u.bf16.f32 v59;
	v12 =	vor.u32 v1, v7;
	v10 =	vor.u32 v2, v7;
	v28 =	vld.idx.msk [tilespmem:v28+s13+$0x0], $0xffff;
	[tilespmem:s29+$0x130] =	vst v31  }
0x151: {  	v38 =	vadd.f32 v54, v38;
	v58 =	vunpack.i.l.bf16.f32 v59;
	v45 =	vunpack.i.u.bf16.f32 v35;
	[tilespmem:s29+$0xFFFFFF00] =	vst v30;
	v52 =	vld.idx.msk [tilespmem:v49+s13+$0x0], $0xffff  }
0x152: {  	v35 =	vunpack.i.l.bf16.f32 v35;
	v59 =	vunpack.i.u.bf16.f32 v36;
	v31 =	vadd.f32 v63, v39;
	[tilespmem:s29+$0xFFFFFF10] =	vst v41;
	v55 =	vld [tilespmem:s6+$0xBB20]  }
0x153: {  	[tilespmem:s29+$0xFFFFFE10] =	vst v38;
	v33 =	vadd.f32 v59, v33;
	v61 =	vunpack.i.l.bf16.f32 v36;
	v30 =	vadd.f32 v58, v35;
	v62 =	vld.idx.msk [tilespmem:v27+s13+$0x0], $0xffff  }
0x154: {  	v32 =	vadd.f32 v61, v37;
	v48 =	vunpack.i.u.bf16.f32 v25;
	v49 =	vadd.f32 v57, v45;
	v50 =	vld [tilespmem:s10+$0xBB10];
	[tilespmem:s29+$0xFFFFFE00] =	vst v31  }
0x155: {  	v25 =	vunpack.i.l.bf16.f32 v25;
	[tilespmem:s29+$0x80] =	vst v30;
	v23 =	vld.idx.msk [tilespmem:v23+s13+$0x0], $0xffff;
	v51 =	vunpack.i.u.bf16.f32 v60;
	v31 =	vunpack.i.l.bf16.f32 v60  }
0x156: {  	v7 =	vor.u32 v3, v7;
	v42 =	vld [tilespmem:s15+$0xBB10];
	[tilespmem:s29+$0x90] =	vst v49;
	v53 =	vadd.f32 v51, v48;
	v25 =	vadd.f32 v31, v25  }
0x157: {  	v59 =	vunpack.i.u.bf16.f32 v28;
	v60 =	vld.idx.msk [tilespmem:v14+s13+$0x0], $0xffff;
	v14 =	vunpack.i.l.bf16.f32 v28;
	v63 =	vunpack.i.l.bf16.f32 v52  }
0x158: {  	[tilespmem:s29+$0x190] =	vst v33;
	v39 =	vld [tilespmem:s2+$0xBB10];
	v41 =	vunpack.i.l.bf16.f32 v55;
	v43 =	vunpack.i.u.bf16.f32 v52;
	v46 =	vunpack.i.u.bf16.f32 v55  }
0x159: {  	[tilespmem:s29+$0x180] =	vst v32;
	v52 =	vld [tilespmem:s3+$0xBB10];
	v56 =	vunpack.i.u.bf16.f32 v62;
	v24 =	vunpack.i.l.bf16.f32 v62;
	v58 =	vunpack.i.u.bf16.f32 v50  }
0x15a: {  	v61 =	vunpack.i.l.bf16.f32 v50;
	[tilespmem:s29+$0xFFFFFEA0] =	vst v25;
	v27 =	vadd.f32 v41, v63;
	v26 =	vadd.f32 v46, v43;
	v63 =	vld [tilespmem:s1+$0xBB10]  }
0x15b: {  	[tilespmem:s29+$0xFFFFFEB0] =	vst v53;
	v40 =	vadd.f32 v58, v56;
	v43 =	vld.idx.msk [tilespmem:v12+s13+$0x0], $0xffff;
	v22 =	vunpack.i.u.bf16.f32 v23;
	v54 =	vunpack.i.u.bf16.f32 v42  }
0x15c: {  	v19 =	vld.idx.msk [tilespmem:v19+s13+$0x0], $0xffff;
	v23 =	vunpack.i.l.bf16.f32 v23;
	v57 =	vunpack.i.l.bf16.f32 v42;
	[tilespmem:s29+$0x140] =	vst v27;
	v22 =	vadd.f32 v54, v22  }
0x15d: {  	v51 =	vld [tilespmem:s7+$0xBB20];
	[tilespmem:s29+$0x150] =	vst v26;
	v23 =	vadd.f32 v57, v23;
	v47 =	vunpack.i.u.bf16.f32 v60;
	v48 =	vunpack.i.l.bf16.f32 v60  }
0x15e: {  	v50 =	vunpack.i.u.bf16.f32 v39;
	v21 =	vld.idx.msk [tilespmem:v21+s13+$0x0], $0xffff;
	v62 =	vunpack.i.u.bf16.f32 v52;
	v38 =	vunpack.i.l.bf16.f32 v52;
	[tilespmem:s29+$0xFFFFFE30] =	vst v22  }
0x15f: {  	v55 =	vld [tilespmem:s6+$0xBB30];
	v22 =	vadd.f32 v61, v24;
	[tilespmem:s29+$0xFFFFFE20] =	vst v23;
	v24 =	vunpack.i.l.bf16.f32 v39;
	v23 =	vadd.f32 v38, v14  }
0x160: {  	[tilespmem:s29+$0xFFFFFF30] =	vst v40;
	v44 =	vld.idx.msk [tilespmem:v18+s13+$0x0], $0xffff;
	v45 =	vadd.f32 v62, v59;
	v18 =	vunpack.i.u.bf16.f32 v20;
	v20 =	vunpack.i.l.bf16.f32 v20  }
0x161: {  	v46 =	vunpack.i.u.bf16.f32 v63;
	v49 =	vld [tilespmem:s15+$0xBB20];
	v52 =	vunpack.i.l.bf16.f32 v43;
	v24 =	vadd.f32 v24, v48;
	[tilespmem:s29+$0xFFFFFF20] =	vst v22  }
0x162: {  	v57 =	vunpack.i.u.bf16.f32 v19;
	v19 =	vunpack.i.l.bf16.f32 v19;
	v61 =	vunpack.i.l.bf16.f32 v51;
	v17 =	vld.idx.msk [tilespmem:v17+s13+$0x0], $0xffff  }
0x163: {  	v60 =	vunpack.i.u.bf16.f32 v51;
	v22 =	vunpack.i.l.bf16.f32 v63;
	v19 =	vadd.f32 v61, v19;
	[tilespmem:s29+$0xFFFFFFA0] =	vst v23;
	v54 =	vld [tilespmem:s10+$0xBB20]  }
0x164: {  	v20 =	vadd.f32 v22, v20;
	v22 =	vadd.f32 v46, v18;
	v23 =	vunpack.i.u.bf16.f32 v43;
	[tilespmem:s29+$0xFFFFFFB0] =	vst v45  }
0x165: {  	s6 =	sadd.s32 $0x0, s25;
	[tilespmem:s29+$0xA0] =	vst v24;
	v41 =	vunpack.i.u.bf16.f32 v21;
	v42 =	vunpack.i.u.bf16.f32 v55;
	v14 =	vunpack.i.l.bf16.f32 v21;
	v21 =	vld [tilespmem:s0+$0xBB10]  }
0x166: {  	s22 =	sadd.s32 $0xA, s6;
	v18 =	vunpack.i.l.bf16.f32 v55;
	v16 =	vld.idx.msk [tilespmem:v16+s13+$0x0], $0xffff;
	[tilespmem:s29+$0x30] =	vst v22;
	v56 =	vunpack.i.u.bf16.f32 v44;
	v22 =	vunpack.i.u.bf16.f32 v49  }
0x167: {  	v55 =	vadd.f32 v50, v47;
	v58 =	vld [tilespmem:s3+$0xBB20];
	v47 =	vmov s22;
	[tilespmem:s29+$0x20] =	vst v20;
	v22 =	vadd.f32 v22, v56  }
0x168: {  	[tilespmem:s29+$0xFFFFFEC0] =	vst v19;
	v15 =	vld.idx.msk [tilespmem:v15+s13+$0x0], $0xffff;
	v63 =	vunpack.i.u.bf16.f32 v17;
	v17 =	vunpack.i.l.bf16.f32 v17;
	v34 =	vunpack.i.l.bf16.f32 v54  }
0x169: {  	v12 =	vadd.f32 v42, v41;
	v62 =	vld [tilespmem:s1+$0xBB20];
	[tilespmem:s29+$0xB0] =	vst v55;
	v33 =	vunpack.i.u.bf16.f32 v54;
	v17 =	vadd.f32 v34, v17  }
0x16a: {  	v13 =	vld.idx.msk [tilespmem:v13+s13+$0x0], $0xffff;
	v53 =	vunpack.i.u.bf16.f32 v21;
	v21 =	vunpack.i.l.bf16.f32 v21;
	[tilespmem:s29+$0xFFFFFE50] =	vst v22;
	v22 =	vadd.f32 v33, v63  }
0x16b: {  	v25 =	vand.u32 $0xFFFFFFFA, v47;
	v59 =	vunpack.i.l.bf16.f32 v49;
	v20 =	vadd.f32 v21, v52;
	[tilespmem:s29+$0xFFFFFF40] =	vst v17  }
0x16c: {  	v25 =	vbroadcast v25, $0x0;
	v35 =	vld [tilespmem:s2+$0xBB20];
	v21 =	vadd.f32 v53, v23;
	v23 =	vunpack.i.l.bf16.f32 v44;
	[tilespmem:s29+$0xFFFFFF50] =	vst v22  }
0x16d: {  	v36 =	vunpack.i.l.bf16.f32 v58;
	v23 =	vadd.f32 v59, v23;
	v19 =	vunpack.i.u.bf16.f32 v15;
	[tilespmem:s29+$0x1A0] =	vst v20;
	v8 =	vld.idx.msk [tilespmem:v8+s13+$0x0], $0xffff  }
0x16e: {  	v15 =	vunpack.i.l.bf16.f32 v15;
	v38 =	vunpack.i.u.bf16.f32 v62;
	v20 =	vadd.f32 v60, v57;
	[tilespmem:s29+$0x1B0] =	vst v21;
	v42 =	vld [tilespmem:s10+$0xBB30]  }
0x16f: {  	v21 =	vunpack.i.u.bf16.f32 v16;
	v16 =	vunpack.i.l.bf16.f32 v16;
	v17 =	vunpack.i.u.bf16.f32 v13;
	v10 =	vld.idx.msk [tilespmem:v10+s13+$0x0], $0xffff  }
0x170: {  	v13 =	vunpack.i.l.bf16.f32 v13;
	v19 =	vadd.f32 v38, v19;
	[tilespmem:s29+$0xFFFFFE40] =	vst v23;
	v23 =	vunpack.i.u.bf16.f32 v58;
	v37 =	vld [tilespmem:s0+$0xBB20]  }
0x171: {  	v16 =	vadd.f32 v36, v16;
	v11 =	vld.idx.msk [tilespmem:v11+s13+$0x0], $0xffff;
	[tilespmem:s29+$0xFFFFFED0] =	vst v20;
	v20 =	vadd.f32 v23, v21;
	v21 =	vunpack.i.l.bf16.f32 v62  }
0x172: {  	v23 =	vunpack.i.u.bf16.f32 v35;
	v15 =	vadd.f32 v21, v15;
	v21 =	vunpack.i.l.bf16.f32 v35  }
0x173: {  	v39 =	vld [tilespmem:s15+$0xBB30];
	v17 =	vadd.f32 v23, v17;
	v13 =	vadd.f32 v21, v13;
	[tilespmem:s29+$0xFFFFFFD0] =	vst v20;
	v20 =	vunpack.i.u.bf16.f32 v8  }
0x174: {  	[tilespmem:s29+$0x50] =	vst v19;
	v9 =	vld.idx.msk [tilespmem:v9+s13+$0x0], $0xffff;
	v46 =	vunpack.i.u.bf16.f32 v42;
	v19 =	vunpack.i.l.bf16.f32 v42;
	v22 =	vunpack.i.u.bf16.f32 v10  }
0x175: {  	s16 =	sadd.s32 $0x9, s6;
	v40 =	vld [tilespmem:s7+$0xBB30];
	v10 =	vunpack.i.l.bf16.f32 v10;
	v41 =	vunpack.i.u.bf16.f32 v37;
	v21 =	vunpack.i.l.bf16.f32 v37  }
0x176: {  	[tilespmem:s29+$0xC0] =	vst v13;
	v13 =	vmov s16;
	v42 =	vadd.f32 v46, v20;
	v23 =	vunpack.i.u.bf16.f32 v11  }
0x177: {  	s16 =	sadd.s32 $0xD, s6;
	v10 =	vadd.f32 v21, v10;
	v21 =	vadd.f32 v41, v22;
	v11 =	vunpack.i.l.bf16.f32 v11  }
0x178: {  	v22 =	vunpack.i.u.bf16.f32 v39;
	v43 =	vunpack.i.l.bf16.f32 v39;
	v49 =	vmov s16  }
0x179: {  	[tilespmem:s29+$0xFFFFFFC0] =	vst v16;
	v13 =	vand.u32 $0xFFFFFFF9, v13;
	v44 =	vunpack.i.u.bf16.f32 v9;
	v9 =	vunpack.i.l.bf16.f32 v9  }
0x17a: {  	s10 =	sadd.s32 $0xE, s6;
	v5 =	vld.idx.msk [tilespmem:v5+s13+$0x0], $0xffff;
	[tilespmem:s29+$0x40] =	vst v15;
	v45 =	vunpack.i.u.bf16.f32 v40;
	v11 =	vadd.f32 v43, v11;
	v16 =	vadd.f32 v22, v23  }
0x17b: {  	v4 =	vld.idx.msk [tilespmem:v4+s13+$0x0], $0xffff;
	v22 =	vunpack.i.l.bf16.f32 v40;
	v23 =	vunpack.i.l.bf16.f32 v8;
	v8 =	vmov s10  }
0x17c: {  	s15 =	sadd.s32 $0x8, s6;
	[tilespmem:s29+$0xD0] =	vst v17;
	v50 =	vld [tilespmem:s1+$0xBB30];
	v51 =	vand.u32 $0xFFFFFFFD, v49;
	v13 =	vbroadcast v13, $0x0;
	v15 =	vadd.f32 v22, v9  }
0x17d: {  	v6 =	vld.idx.msk [tilespmem:v6+s13+$0x0], $0xffff;
	s10 =	sadd.s32 $0xB, s6;
	v29 =	vadd.f32 v45, v44;
	v22 =	vmov s15;
	v8 =	vand.u32 $0xFFFFFFFE, v8  }
0x17e: {  	v52 =	vld [tilespmem:s2+$0xBB30];
	s15 =	sadd.s32 $0xC, s6;
	v17 =	vmov s10;
	v26 =	vbroadcast v51, $0x0;
	v63 =	vadd.f32 v19, v23  }
0x17f: {  	v9 =	vld [tilespmem:s3+$0xBB30];
	[tilespmem:s29+$0x1C0] =	vst v10;
	v8 =	vbroadcast v8, $0x0;
	v48 =	vmov s15;
	v22 =	vand.u32 $0xFFFFFFF8, v22  }
0x180: {  	s22 =	sadd.s32 $0xF, s6;
	[tilespmem:s29+$0x1D0] =	vst v21;
	v19 =	vld.idx.msk [tilespmem:v25+s5+$0x0], $0xffff;
	v10 =	vand.u32 $0xFFFFFFFB, v17;
	v53 =	vunpack.i.u.bf16.f32 v5;
	v17 =	vand.u32 $0xFFFFFFFC, v48  }
0x181: {  	s1 =	simm.s32 $0x700;
	v7 =	vld.idx.msk [tilespmem:v7+s13+$0x0], $0xffff;
	v21 =	vbroadcast v22, $0x0;
	v22 =	vmov s22;
	v10 =	vbroadcast v10, $0x0  }
0x182: {  	s6 =	sand.u32 $0x3F00, s1;
	v34 =	vld [tilespmem:s0+$0xBB30];
	v55 =	vunpack.i.u.bf16.f32 v4;
	v4 =	vunpack.i.l.bf16.f32 v4;
	v60 =	vunpack.i.u.bf16.f32 v50  }
0x183: {  	v28 =	vunpack.i.l.bf16.f32 v50;
	v61 =	vunpack.i.u.bf16.f32 v52;
	v27 =	vunpack.i.l.bf16.f32 v52;
	v52 =	vld [tilespmem:s6+$0xBB00]  }
0x184: {  	s2 =	simm.s32 $0x480;
	v17 =	vbroadcast v17, $0x0;
	v56 =	vunpack.i.u.bf16.f32 v6;
	v4 =	vadd.f32 v28, v4;
	v13 =	vld.idx.msk [tilespmem:v13+s5+$0x0], $0xffff  }
0x185: {  	s1 =	sand.u32 $0x3C80, s2;
	v58 =	vunpack.i.l.bf16.f32 v6;
	v32 =	vadd.f32 v60, v55;
	v28 =	vadd.f32 v18, v14;
	v54 =	vld.idx.msk [tilespmem:v8+s5+$0x0], $0xffff  }
0x186: {  	v5 =	vunpack.i.l.bf16.f32 v5;
	v35 =	vadd.f32 v27, v58;
	v33 =	vadd.f32 v61, v56;
	v61 =	vld [tilespmem:s1+$0xBB00]  }
0x187: {  	v57 =	vunpack.i.u.bf16.f32 v9;
	v9 =	vunpack.i.l.bf16.f32 v9;
	v37 =	vshll.u32 v19, $0x6;
	v20 =	vld.idx.msk [tilespmem:v26+s5+$0x0], $0xffff  }
0x188: {  	v6 =	vunpack.i.l.bf16.f32 v7;
	v31 =	vadd.f32 v9, v5;
	v30 =	vadd.f32 v57, v53;
	v59 =	vld.idx.msk [tilespmem:v22+s5+$0x0], $0xffff  }
0x189: {  	[tilespmem:s29+$0x170] =	vst v12;
	v12 =	vor.u32 v0, v37;
	v27 =	vor.u32 v1, v37;
	v62 =	vld.idx.msk [tilespmem:v21+s5+$0x0], $0xffff;
	v36 =	vshll.u32 v13, $0x6  }
0x18a: {  	v8 =	vunpack.i.u.bf16.f32 v7;
	v10 =	vld.idx.msk [tilespmem:v10+s5+$0x0], $0xffff;
	v13 =	vor.u32 v0, v36;
	v22 =	vshll.u32 v54, $0x6  }
0x18b: {  	[tilespmem:s29+$0xFFFFFEE0] =	vst v15;
	v21 =	vunpack.i.u.bf16.f32 v34;
	v34 =	vunpack.i.l.bf16.f32 v34;
	v17 =	vld.idx.msk [tilespmem:v17+s5+$0x0], $0xffff;
	v9 =	vor.u32 v0, v22  }
0x18c: {  	[tilespmem:s29+$0x60] =	vst v4;
	v15 =	vunpack.i.l.bf16.f32 v52;
	v4 =	vunpack.i.u.bf16.f32 v61;
	v6 =	vadd.f32 v34, v6  }
0x18d: {  	v8 =	vadd.f32 v21, v8;
	v38 =	vor.u32 v1, v36;
	v5 =	vshll.u32 v59, $0x6  }
0x18e: {  	v44 =	vshll.u32 v20, $0x6;
	v12 =	vld.idx.msk [tilespmem:v12+s13+$0x0], $0xffff;
	v14 =	vshll.u32 v62, $0x6;
	v18 =	vor.u32 v0, v5  }
0x18f: {  	v55 =	vor.u32 v0, v44;
	v10 =	vshll.u32 v10, $0x6;
	v51 =	vor.u32 v0, v14;
	v57 =	vld.idx.msk [tilespmem:v13+s13+$0x0], $0xffff  }
0x190: {  	[tilespmem:s29+$0xFFFFFE60] =	vst v11;
	v24 =	vor.u32 v1, v44;
	v11 =	vor.u32 v0, v10;
	v40 =	vshll.u32 v17, $0x6;
	v19 =	vld.idx.msk [tilespmem:v9+s13+$0x0], $0xffff  }
0x191: {  	[tilespmem:s29+$0xFFFFFF70] =	vst v42;
	v59 =	vunpack.i.u.bf16.f32 v52;
	v7 =	vor.u32 v1, v5;
	v53 =	vor.u32 v0, v40  }
0x192: {  	[tilespmem:s29+$0xFFFFFE70] =	vst v16;
	v58 =	vor.u32 v1, v22;
	v25 =	vor.u32 v1, v14;
	v26 =	vor.u32 v1, v10  }
0x193: {  	v20 =	vor.u32 v2, v14;
	v23 =	vor.u32 v1, v40;
	v17 =	vor.u32 v2, v40;
	v54 =	vld.idx.msk [tilespmem:v18+s13+$0x0], $0xffff  }
0x194: {  	s31 =	simm.s32 $0x400;
	s3 =	simm.s32 $0x500;
	[tilespmem:s29+$0xFFFFFEF0] =	vst v29;
	v46 =	vunpack.i.l.bf16.f32 v12;
	v9 =	vor.u32 v2, v36;
	v18 =	vor.u32 v2, v37;
	v56 =	vld.idx.msk [tilespmem:v51+s13+$0x0], $0xffff  }
0x195: {  	s7 =	simm.s32 $0x580;
	s10 =	sand.u32 $0x3D00, s3;
	s15 =	simm.s32 $0x600;
	[tilespmem:s29+$0xFFFFFF60] =	vst v63;
	v11 =	vld.idx.msk [tilespmem:v11+s13+$0x0], $0xffff;
	v51 =	vunpack.i.l.bf16.f32 v61;
	v62 =	vunpack.i.u.bf16.f32 v57;
	v13 =	vunpack.i.l.bf16.f32 v19  }
0x196: {  	s3 =	sand.u32 $0x3D80, s7;
	s7 =	sand.u32 $0x3E00, s15;
	s15 =	sand.u32 $0x3C00, s31;
	[tilespmem:s29+$0x70] =	vst v32;
	v60 =	vld.idx.msk [tilespmem:v53+s13+$0x0], $0xffff;
	v4 =	vadd.f32 v4, v62;
	v16 =	vunpack.i.u.bf16.f32 v19;
	v15 =	vadd.f32 v15, v13  }
0x197: {  	s30 =	simm.s32 $0x10100;
	[tilespmem:s29+$0xE0] =	vst v35;
	v35 =	vld [tilespmem:s15+$0xBB00];
	v62 =	vor.u32 v2, v22;
	v22 =	vor.u32 v3, v22;
	v29 =	vadd.f32 v59, v16  }
0x198: {  	v53 =	vld [tilespmem:s3+$0xBB00];
	v19 =	vor.u32 v2, v10;
	v43 =	vunpack.i.u.bf16.f32 v54;
	v45 =	vunpack.i.l.bf16.f32 v54;
	[tilespmem:s30+$0x100] =	vst v15  }
0x199: {  	v50 =	vunpack.i.u.bf16.f32 v56;
	[tilespmem:s30+$0x110] =	vst v29;
	v29 =	vunpack.i.l.bf16.f32 v56;
	v56 =	vunpack.i.l.bf16.f32 v57;
	v57 =	vld.idx.msk [tilespmem:v55+s13+$0x0], $0xffff  }
0x19a: {  	[tilespmem:s29+$0x160] =	vst v28;
	v10 =	vor.u32 v3, v10;
	v16 =	vor.u32 v2, v44;
	v49 =	vunpack.i.l.bf16.f32 v11;
	v63 =	vld.idx.msk [tilespmem:v58+s13+$0x0], $0xffff  }
0x19b: {  	[tilespmem:s29+$0xF0] =	vst v33;
	v52 =	vunpack.i.u.bf16.f32 v60;
	v39 =	vunpack.i.l.bf16.f32 v60;
	v15 =	vor.u32 v3, v14;
	v48 =	vld [tilespmem:s6+$0xBB10]  }
0x19c: {  	[tilespmem:s29+$0xFFFFFFE0] =	vst v31;
	v14 =	vor.u32 v3, v36;
	v36 =	vunpack.i.u.bf16.f32 v12;
	v59 =	vadd.f32 v51, v56  }
0x19d: {  	[tilespmem:s29+$0xFFFFFFF0] =	vst v30;
	v12 =	vor.u32 v3, v37;
	v37 =	vunpack.i.u.bf16.f32 v11;
	v56 =	vunpack.i.u.bf16.f32 v53  }
0x19e: {  	s16 =	simm.s32 $0x680;
	v58 =	vld [tilespmem:s10+$0xBB00];
	v37 =	vadd.f32 v56, v37;
	[tilespmem:s30+$0xFFFFFE80] =	vst v59;
	v59 =	vunpack.i.l.bf16.f32 v35;
	v35 =	vunpack.i.u.bf16.f32 v35  }
0x19f: {  	s2 =	sand.u32 $0x3E80, s16;
	v32 =	vld [tilespmem:s7+$0xBB00];
	[tilespmem:s30+$0xFFFFFE90] =	vst v4;
	v11 =	vor.u32 v3, v40;
	v29 =	vadd.f32 v59, v29;
	v35 =	vadd.f32 v35, v50  }
0x1a0: {  	v54 =	vld [tilespmem:s2+$0xBB00];
	[tilespmem:s30+$0xFFFFFF90] =	vst v37;
	v42 =	vunpack.i.u.bf16.f32 v57;
	v60 =	vunpack.i.l.bf16.f32 v63;
	v61 =	vunpack.i.l.bf16.f32 v48  }
0x1a1: {  	s22 =	simm.s32 $0x780;
	v38 =	vld.idx.msk [tilespmem:v38+s13+$0x0], $0xffff;
	v63 =	vunpack.i.u.bf16.f32 v63;
	v55 =	vunpack.i.u.bf16.f32 v48;
	[tilespmem:s30+$0xFFFFFE00] =	vst v29;
	v41 =	vadd.f32 v61, v60  }
0x1a2: {  	s0 =	sand.u32 $0x3F80, s22;
	v50 =	vld [tilespmem:s1+$0xBB10];
	v31 =	vunpack.i.l.bf16.f32 v57;
	v57 =	vunpack.i.l.bf16.f32 v53;
	[tilespmem:s30+$0xFFFFFE10] =	vst v35;
	v40 =	vadd.f32 v55, v63  }
0x1a3: {  	v4 =	vor.u32 v3, v44;
	v48 =	vld [tilespmem:s0+$0xBB00];
	v30 =	vunpack.i.l.bf16.f32 v58;
	v44 =	vadd.f32 v57, v49;
	[tilespmem:s30+$0x120] =	vst v41  }
0x1a4: {  	v13 =	vor.u32 v2, v5;
	v47 =	vunpack.i.u.bf16.f32 v58;
	v30 =	vadd.f32 v30, v46;
	v25 =	vld.idx.msk [tilespmem:v25+s13+$0x0], $0xffff;
	[tilespmem:s30+$0x130] =	vst v40  }
0x1a5: {  	v58 =	vunpack.i.u.bf16.f32 v32;
	v32 =	vunpack.i.l.bf16.f32 v32;
	v36 =	vadd.f32 v47, v36;
	[tilespmem:s30+$0xFFFFFF80] =	vst v44;
	v40 =	vld.idx.msk [tilespmem:v62+s13+$0x0], $0xffff  }
0x1a6: {  	v5 =	vor.u32 v3, v5;
	v60 =	vunpack.i.u.bf16.f32 v54;
	v32 =	vadd.f32 v32, v39;
	[tilespmem:s30+$0xFFFFFF00] =	vst v30;
	v61 =	vld [tilespmem:s6+$0xBB20]  }
0x1a7: {  	v55 =	vadd.f32 v58, v52;
	v58 =	vld [tilespmem:s15+$0xBB10];
	v28 =	vadd.f32 v60, v42;
	[tilespmem:s30+$0xFFFFFF10] =	vst v36;
	v29 =	vunpack.i.l.bf16.f32 v50  }
0x1a8: {  	v26 =	vld.idx.msk [tilespmem:v26+s13+$0x0], $0xffff;
	[tilespmem:s30+$0x0] =	vst v32;
	v62 =	vunpack.i.l.bf16.f32 v54;
	v54 =	vunpack.i.u.bf16.f32 v38;
	v38 =	vunpack.i.l.bf16.f32 v38  }
0x1a9: {  	v42 =	vld [tilespmem:s3+$0xBB10];
	[tilespmem:s30+$0x10] =	vst v55;
	v63 =	vunpack.i.u.bf16.f32 v48;
	v48 =	vunpack.i.l.bf16.f32 v48;
	v31 =	vadd.f32 v62, v31  }
0x1aa: {  	v27 =	vld.idx.msk [tilespmem:v27+s13+$0x0], $0xffff;
	[tilespmem:s30+$0x90] =	vst v28;
	v29 =	vadd.f32 v29, v38;
	v30 =	vadd.f32 v48, v45  }
0x1ab: {  	v62 =	vadd.f32 v63, v43;
	v63 =	vld [tilespmem:s10+$0xBB10];
	[tilespmem:s30+$0x80] =	vst v31;
	v56 =	vunpack.i.l.bf16.f32 v40;
	v57 =	vunpack.i.l.bf16.f32 v61  }
0x1ac: {  	v23 =	vld.idx.msk [tilespmem:v23+s13+$0x0], $0xffff;
	[tilespmem:s30+$0xFFFFFEA0] =	vst v29;
	v59 =	vunpack.i.u.bf16.f32 v40;
	v33 =	vunpack.i.u.bf16.f32 v61;
	v36 =	vadd.f32 v57, v56  }
0x1ad: {  	v39 =	vld [tilespmem:s7+$0xBB10];
	v43 =	vunpack.i.u.bf16.f32 v58;
	v47 =	vunpack.i.l.bf16.f32 v58;
	[tilespmem:s30+$0x180] =	vst v30;
	v60 =	vadd.f32 v33, v59  }
0x1ae: {  	v49 =	vunpack.i.u.bf16.f32 v26;
	v24 =	vld.idx.msk [tilespmem:v24+s13+$0x0], $0xffff;
	v26 =	vunpack.i.l.bf16.f32 v26;
	v51 =	vunpack.i.u.bf16.f32 v42;
	[tilespmem:s30+$0x140] =	vst v36  }
0x1af: {  	v34 =	vunpack.i.l.bf16.f32 v42;
	v52 =	vld [tilespmem:s2+$0xBB10];
	v61 =	vunpack.i.u.bf16.f32 v50;
	v58 =	vadd.f32 v51, v49;
	[tilespmem:s30+$0x150] =	vst v60  }
0x1b0: {  	[tilespmem:s30+$0x190] =	vst v62;
	v46 =	vunpack.i.u.bf16.f32 v27;
	v33 =	vadd.f32 v61, v54;
	v48 =	vunpack.i.u.bf16.f32 v63;
	v21 =	vld.idx.msk [tilespmem:v22+s13+$0x0], $0xffff  }
0x1b1: {  	v27 =	vunpack.i.l.bf16.f32 v27;
	[tilespmem:s30+$0xFFFFFFB0] =	vst v58;
	v28 =	vadd.f32 v48, v46;
	v22 =	vunpack.i.u.bf16.f32 v25;
	v45 =	vld [tilespmem:s6+$0xBB30]  }
0x1b2: {  	v55 =	vld.idx.msk [tilespmem:v7+s13+$0x0], $0xffff;
	v56 =	vadd.f32 v34, v26;
	[tilespmem:s30+$0xFFFFFEB0] =	vst v33;
	v25 =	vunpack.i.l.bf16.f32 v25;
	v22 =	vadd.f32 v43, v22  }
0x1b3: {  	v57 =	vld [tilespmem:s0+$0xBB10];
	v59 =	vunpack.i.u.bf16.f32 v23;
	v50 =	vunpack.i.l.bf16.f32 v63;
	v25 =	vadd.f32 v47, v25;
	[tilespmem:s30+$0xFFFFFF30] =	vst v28  }
0x1b4: {  	v23 =	vunpack.i.l.bf16.f32 v23;
	v60 =	vld.idx.msk [tilespmem:v9+s13+$0x0], $0xffff;
	v9 =	vunpack.i.u.bf16.f32 v39;
	[tilespmem:s30+$0xFFFFFE30] =	vst v22;
	v22 =	vadd.f32 v50, v27  }
0x1b5: {  	v61 =	vunpack.i.u.bf16.f32 v24;
	v24 =	vunpack.i.l.bf16.f32 v24;
	v62 =	vunpack.i.u.bf16.f32 v52;
	v63 =	vld [tilespmem:s1+$0xBB20];
	[tilespmem:s30+$0xFFFFFE20] =	vst v25  }
0x1b6: {  	v44 =	vadd.f32 v62, v61;
	v20 =	vld.idx.msk [tilespmem:v20+s13+$0x0], $0xffff;
	v53 =	vunpack.i.u.bf16.f32 v21;
	v54 =	vunpack.i.u.bf16.f32 v45;
	[tilespmem:s30+$0xFFFFFF20] =	vst v22  }
0x1b7: {  	[tilespmem:s30+$0xFFFFFFA0] =	vst v56;
	v27 =	vunpack.i.l.bf16.f32 v52;
	v7 =	vunpack.i.l.bf16.f32 v21;
	v21 =	vadd.f32 v54, v53;
	v18 =	vld.idx.msk [tilespmem:v18+s13+$0x0], $0xffff  }
0x1b8: {  	v40 =	vunpack.i.u.bf16.f32 v55;
	v41 =	vunpack.i.l.bf16.f32 v55;
	[tilespmem:s30+$0xB0] =	vst v44;
	v24 =	vadd.f32 v27, v24;
	v43 =	vld [tilespmem:s10+$0xBB20]  }
0x1b9: {  	v42 =	vunpack.i.u.bf16.f32 v57;
	v26 =	vunpack.i.l.bf16.f32 v57;
	v22 =	vunpack.i.l.bf16.f32 v39;
	[tilespmem:s30+$0x170] =	vst v21;
	v21 =	vld [tilespmem:s15+$0xBB20]  }
0x1ba: {  	v48 =	vld [tilespmem:s3+$0xBB20];
	v25 =	vadd.f32 v42, v40;
	v46 =	vunpack.i.u.bf16.f32 v60;
	v22 =	vadd.f32 v22, v23;
	[tilespmem:s30+$0xA0] =	vst v24  }
0x1bb: {  	v47 =	vunpack.i.l.bf16.f32 v60;
	v23 =	vadd.f32 v9, v59;
	v9 =	vunpack.i.l.bf16.f32 v45;
	v16 =	vld.idx.msk [tilespmem:v16+s13+$0x0], $0xffff  }
0x1bc: {  	v54 =	vld [tilespmem:s2+$0xBB20];
	[tilespmem:s30+$0x20] =	vst v22;
	v22 =	vadd.f32 v26, v41;
	v45 =	vunpack.i.u.bf16.f32 v20;
	v20 =	vunpack.i.l.bf16.f32 v20  }
0x1bd: {  	v19 =	vld.idx.msk [tilespmem:v19+s13+$0x0], $0xffff;
	[tilespmem:s30+$0x30] =	vst v23;
	v51 =	vunpack.i.u.bf16.f32 v18;
	v18 =	vunpack.i.l.bf16.f32 v18;
	v53 =	vunpack.i.l.bf16.f32 v43  }
0x1be: {  	[tilespmem:s30+$0x1B0] =	vst v25;
	v17 =	vld.idx.msk [tilespmem:v17+s13+$0x0], $0xffff;
	v18 =	vadd.f32 v53, v18;
	v23 =	vunpack.i.u.bf16.f32 v21;
	v21 =	vunpack.i.l.bf16.f32 v21  }
0x1bf: {  	v49 =	vunpack.i.u.bf16.f32 v63;
	v55 =	vunpack.i.u.bf16.f32 v48;
	v50 =	vld [tilespmem:s7+$0xBB20];
	[tilespmem:s30+$0x1A0] =	vst v22;
	v20 =	vadd.f32 v21, v20  }
0x1c0: {  	v56 =	vunpack.i.l.bf16.f32 v48;
	v21 =	vadd.f32 v23, v45;
	v23 =	vunpack.i.l.bf16.f32 v63;
	[tilespmem:s30+$0xFFFFFF40] =	vst v18  }
0x1c1: {  	v13 =	vld.idx.msk [tilespmem:v13+s13+$0x0], $0xffff;
	v61 =	vunpack.i.u.bf16.f32 v54;
	v18 =	vunpack.i.u.bf16.f32 v16;
	v22 =	vadd.f32 v23, v47;
	[tilespmem:s30+$0xFFFFFE40] =	vst v20  }
0x1c2: {  	v52 =	vunpack.i.u.bf16.f32 v43;
	v57 =	vld [tilespmem:s0+$0xBB20];
	v23 =	vadd.f32 v49, v46;
	v25 =	vadd.f32 v61, v18;
	[tilespmem:s30+$0xFFFFFE50] =	vst v21  }
0x1c3: {  	v20 =	vunpack.i.u.bf16.f32 v19;
	v19 =	vunpack.i.l.bf16.f32 v19;
	v21 =	vadd.f32 v52, v51;
	v58 =	vld.idx.msk [tilespmem:v15+s13+$0x0], $0xffff;
	[tilespmem:s30+$0xFFFFFEC0] =	vst v22  }
0x1c4: {  	v15 =	vunpack.i.u.bf16.f32 v17;
	v17 =	vunpack.i.l.bf16.f32 v17;
	v22 =	vunpack.i.u.bf16.f32 v50;
	v59 =	vld [tilespmem:s15+$0xBB30];
	[tilespmem:s30+$0xFFFFFED0] =	vst v23  }
0x1c5: {  	v19 =	vadd.f32 v56, v19;
	v20 =	vadd.f32 v55, v20;
	v23 =	vunpack.i.l.bf16.f32 v50;
	v60 =	vld.idx.msk [tilespmem:v14+s13+$0x0], $0xffff  }
0x1c6: {  	v16 =	vunpack.i.l.bf16.f32 v16;
	v62 =	vld [tilespmem:s1+$0xBB30];
	[tilespmem:s30+$0xFFFFFF50] =	vst v21;
	v17 =	vadd.f32 v23, v17;
	v21 =	vadd.f32 v22, v15  }
0x1c7: {  	v22 =	vunpack.i.l.bf16.f32 v54;
	v23 =	vunpack.i.u.bf16.f32 v57;
	v14 =	vld.idx.msk [tilespmem:v12+s13+$0x0], $0xffff;
	[tilespmem:s30+$0xFFFFFFC0] =	vst v19;
	v19 =	vunpack.i.u.bf16.f32 v13  }
0x1c8: {  	v13 =	vunpack.i.l.bf16.f32 v13;
	v15 =	vld [tilespmem:s10+$0xBB30];
	[tilespmem:s30+$0xFFFFFFD0] =	vst v20;
	v28 =	vadd.f32 v22, v16;
	v16 =	vunpack.i.l.bf16.f32 v57  }
0x1c9: {  	v12 =	vld.idx.msk [tilespmem:v10+s13+$0x0], $0xffff;
	[tilespmem:s30+$0x40] =	vst v17;
	v18 =	vadd.f32 v16, v13;
	v16 =	vadd.f32 v23, v19;
	v63 =	vunpack.i.u.bf16.f32 v58  }
0x1ca: {  	v13 =	vld [tilespmem:s3+$0xBB30];
	[tilespmem:s30+$0x50] =	vst v21;
	v17 =	vunpack.i.l.bf16.f32 v58;
	v23 =	vunpack.i.u.bf16.f32 v59;
	v19 =	vunpack.i.l.bf16.f32 v59  }
0x1cb: {  	[tilespmem:s30+$0xD0] =	vst v25;
	v10 =	vld.idx.msk [tilespmem:v11+s13+$0x0], $0xffff;
	v20 =	vunpack.i.u.bf16.f32 v60;
	v22 =	vunpack.i.l.bf16.f32 v60;
	v21 =	vunpack.i.u.bf16.f32 v62  }
0x1cc: {  	s28 =	sshll.u32 s26, $0x1;
	s3 =	simm.s32 $0x8;
	[tilespmem:s30+$0xC0] =	vst v28;
	v11 =	vld [tilespmem:s7+$0xBB30];
	v19 =	vadd.f32 v19, v17;
	v17 =	vadd.f32 v23, v63;
	v23 =	vunpack.i.l.bf16.f32 v62  }
.LBB2_12:
0x1cd: {  	s1 =	sadd.s32 s3, s25;
	v24 =	vunpack.i.u.bf16.f32 v14;
	v14 =	vunpack.i.l.bf16.f32 v14;
	v25 =	vunpack.i.u.bf16.f32 v15;
	v4 =	vld.idx.msk [tilespmem:v4+s13+$0x0], $0xffff;
	[tilespmem:s30+$0x1C0] =	vst v18  }
0x1ce: {  	v18 =	vadd.f32 v23, v22;
	v20 =	vadd.f32 v21, v20;
	v15 =	vunpack.i.l.bf16.f32 v15;
	s6 =	sadd.s32 $0x8, s1;
	s7 =	sadd.s32 $0x9, s1;
	s10 =	sadd.s32 $0xE, s1;
	v21 =	vld [tilespmem:s2+$0xBB30];
	[tilespmem:s30+$0x1D0] =	vst v16  }
0x1cf: {  	s2 =	sadd.s32 $0xA, s1;
	v16 =	vmov s6;
	v22 =	vmov s7;
	s6 =	sadd.s32 $0xB, s1;
	s7 =	sadd.s32 $0xC, s1;
	v23 =	vmov s10;
	v5 =	vld.idx.msk [tilespmem:v5+s13+$0x0], $0xffff  }
0x1d0: {  	s3 =	sadd.s32 $0x8, s3;
	v26 =	vmov s2;
	s2 =	sadd.s32 $0xD, s1;
	s1 =	sadd.s32 $0xF, s1;
	v27 =	vmov s6;
	v23 =	vand.u32 $0xFFFFFFFE, v23;
	[tilespmem:s30+$0xFFFFFE60] =	vst v19;
	v28 =	vld [tilespmem:s0+$0xBB30]  }
0x1d1: {  	p1 =	slt.u32 s3, $0xF8;
	v19 =	vmov s7;
	v29 =	vmov s2;
	v23 =	vbroadcast v23, $0x0;
	[tilespmem:s30+$0xFFFFFE70] =	vst v17  }
0x1d2: {  	v16 =	vand.u32 $0xFFFFFFF8, v16;
	v17 =	vand.u32 $0xFFFFFFF9, v22;
	v22 =	vand.u32 $0xFFFFFFFA, v26;
	[tilespmem:s30+$0xFFFFFEE0] =	vst v18  }
0x1d3: {  	v19 =	vand.u32 $0xFFFFFFFC, v19;
	v26 =	vand.u32 $0xFFFFFFFD, v29;
	v18 =	vand.u32 $0xFFFFFFFB, v27;
	[tilespmem:s30+$0xFFFFFEF0] =	vst v20  }
0x1d4: {  	v16 =	vbroadcast v16, $0x0;
	v17 =	vbroadcast v17, $0x0;
	v20 =	vmov s1;
	[tilespmem:s29+$0x1E0] =	vst v6  }
0x1d5: {  	v22 =	vbroadcast v22, $0x0;
	v27 =	vunpack.i.u.bf16.f32 v12;
	v18 =	vbroadcast v18, $0x0;
	[tilespmem:s29+$0x1F0] =	vst v8;
	s29 =	smov.u32 s30  }
0x1d6: {  	v29 =	vbroadcast v19, $0x0;
	v26 =	vbroadcast v26, $0x0;
	v12 =	vunpack.i.l.bf16.f32 v12  }
0x1d7: {  	v30 =	vunpack.i.u.bf16.f32 v10;
	v10 =	vunpack.i.l.bf16.f32 v10;
	v31 =	vunpack.i.u.bf16.f32 v4;
	v23 =	vld.idx.msk [tilespmem:v23+s5+$0x0], $0xffff  }
0x1d8: {  	v32 =	vunpack.i.u.bf16.f32 v13;
	v13 =	vunpack.i.l.bf16.f32 v13;
	v4 =	vunpack.i.l.bf16.f32 v4  }
0x1d9: {  	v34 =	vunpack.i.u.bf16.f32 v11;
	v11 =	vunpack.i.l.bf16.f32 v11;
	v35 =	vunpack.i.u.bf16.f32 v21;
	v33 =	vld.idx.msk [tilespmem:v20+s5+$0x0], $0xffff  }
0x1da: {  	v21 =	vunpack.i.l.bf16.f32 v21;
	v6 =	vunpack.i.l.bf16.f32 v5;
	v8 =	vunpack.i.u.bf16.f32 v5;
	v16 =	vld.idx.msk [tilespmem:v16+s5+$0x0], $0xffff  }
0x1db: {  	v5 =	vadd.f32 v15, v14;
	v19 =	vunpack.i.u.bf16.f32 v28;
	v20 =	vunpack.i.l.bf16.f32 v28;
	v17 =	vld.idx.msk [tilespmem:v17+s5+$0x0], $0xffff  }
0x1dc: {  	v12 =	vadd.f32 v13, v12;
	v15 =	vadd.f32 v25, v24;
	v14 =	vld.idx.msk [tilespmem:v22+s5+$0x0], $0xffff  }
0x1dd: {  	v10 =	vadd.f32 v11, v10;
	v23 =	vshll.u32 v23, $0x6;
	v13 =	vld.idx.msk [tilespmem:v18+s5+$0x0], $0xffff;
	[tilespmem:s30+$0xFFFFFF60] =	vst v5;
	v18 =	vadd.f32 v32, v27  }
0x1de: {  	v4 =	vadd.f32 v21, v4;
	v24 =	vadd.f32 v34, v30;
	v22 =	vor.u32 v0, v23;
	v11 =	vld.idx.msk [tilespmem:v29+s5+$0x0], $0xffff  }
0x1df: {  	v5 =	vshll.u32 v33, $0x6;
	v29 =	vadd.f32 v9, v7;
	v21 =	vld.idx.msk [tilespmem:v26+s5+$0x0], $0xffff;
	[tilespmem:s30+$0xFFFFFF70] =	vst v15;
	v15 =	vadd.f32 v35, v31  }
0x1e0: {  	v16 =	vshll.u32 v16, $0x6;
	v9 =	vor.u32 v0, v5;
	v7 =	vor.u32 v1, v5;
	[tilespmem:s30+$0xFFFFFFE0] =	vst v12  }
0x1e1: {  	s31 =	sadd.s32 $0x400, s31;
	v12 =	vor.u32 v0, v16;
	v26 =	vor.u32 v1, v16;
	v30 =	vshll.u32 v17, $0x6;
	[tilespmem:s30+$0xFFFFFFF0] =	vst v18  }
0x1e2: {  	s0 =	sadd.s32 $0x80, s31;
	s2 =	sadd.s32 $0x300, s31;
	s1 =	sadd.s32 $0x100, s31;
	v17 =	vor.u32 v0, v30;
	v31 =	vor.u32 v1, v30;
	v32 =	vshll.u32 v14, $0x6;
	[tilespmem:s30+$0x60] =	vst v10  }
0x1e3: {  	s15 =	sadd.s32 $0x200, s31;
	s10 =	sadd.s32 $0x180, s31;
	s6 =	sand.u32 $0x3F00, s2;
	v10 =	vor.u32 v0, v32;
	v28 =	vor.u32 v1, v32;
	v33 =	vshll.u32 v13, $0x6;
	v13 =	vld.idx.msk [tilespmem:v22+s13+$0x0], $0xffff;
	[tilespmem:s30+$0x70] =	vst v24  }
0x1e4: {  	s22 =	sadd.s32 $0x380, s31;
	s7 =	sand.u32 $0x3C80, s0;
	s0 =	sadd.s32 $0x280, s31;
	v14 =	vor.u32 v0, v33;
	v27 =	vor.u32 v1, v33;
	v34 =	vshll.u32 v11, $0x6;
	v11 =	vld [tilespmem:s6+$0xBB00];
	[tilespmem:s30+$0xE0] =	vst v4  }
0x1e5: {  	s15 =	sand.u32 $0x3E00, s15;
	s16 =	sand.u32 $0x3D80, s10;
	s1 =	sand.u32 $0x3D00, s1;
	v4 =	vor.u32 v0, v34;
	v24 =	vor.u32 v1, v34;
	v35 =	vshll.u32 v21, $0x6;
	v36 =	vld.idx.msk [tilespmem:v9+s13+$0x0], $0xffff;
	[tilespmem:s30+$0xF0] =	vst v15  }
0x1e6: {  	s10 =	sand.u32 $0x3C00, s31;
	s2 =	sand.u32 $0x3E80, s0;
	s0 =	sand.u32 $0x3F80, s22;
	v9 =	vor.u32 v2, v16;
	v38 =	vor.u32 v0, v35;
	v25 =	vor.u32 v1, v35;
	v37 =	vld.idx.msk [tilespmem:v12+s13+$0x0], $0xffff  }
0x1e7: {  	v22 =	vor.u32 v2, v30;
	v18 =	vor.u32 v2, v33;
	v21 =	vor.u32 v2, v32;
	v39 =	vld.idx.msk [tilespmem:v17+s13+$0x0], $0xffff  }
0x1e8: {  	v15 =	vor.u32 v2, v35;
	v12 =	vor.u32 v2, v5;
	v17 =	vor.u32 v2, v34;
	v10 =	vld.idx.msk [tilespmem:v10+s13+$0x0], $0xffff  }
0x1e9: {  	v42 =	vor.u32 v1, v23;
	v40 =	vld.idx.msk [tilespmem:v14+s13+$0x0], $0xffff;
	v14 =	vunpack.i.l.bf16.f32 v13;
	v41 =	vunpack.i.l.bf16.f32 v11;
	[tilespmem:s30+$0x160] =	vst v29  }
0x1ea: {  	v13 =	vunpack.i.u.bf16.f32 v13;
	v11 =	vunpack.i.u.bf16.f32 v11;
	v4 =	vld.idx.msk [tilespmem:v4+s13+$0x0], $0xffff;
	v14 =	vadd.f32 v41, v14  }
0x1eb: {  	s30 =	sadd.s32 $0x400, s30;
	v11 =	vadd.f32 v11, v13;
	v29 =	vld.idx.msk [tilespmem:v38+s13+$0x0], $0xffff;
	v38 =	vunpack.i.u.bf16.f32 v36;
	v36 =	vunpack.i.l.bf16.f32 v36  }
0x1ec: {  	v16 =	vor.u32 v3, v16;
	v41 =	vunpack.i.u.bf16.f32 v37;
	v37 =	vunpack.i.l.bf16.f32 v37;
	v43 =	vld [tilespmem:s7+$0xBB00];
	[tilespmem:s30+$0x100] =	vst v14  }
0x1ed: {  	v44 =	vunpack.i.u.bf16.f32 v39;
	v39 =	vunpack.i.l.bf16.f32 v39;
	v14 =	vor.u32 v3, v30;
	v30 =	vld [tilespmem:s1+$0xBB00];
	[tilespmem:s30+$0x110] =	vst v11  }
0x1ee: {  	v13 =	vor.u32 v3, v32;
	v45 =	vunpack.i.u.bf16.f32 v10;
	v46 =	vunpack.i.l.bf16.f32 v10;
	v32 =	vld.idx.msk [tilespmem:v42+s13+$0x0], $0xffff  }
0x1ef: {  	v11 =	vor.u32 v3, v33;
	v42 =	vunpack.i.u.bf16.f32 v40;
	v40 =	vunpack.i.l.bf16.f32 v40;
	v33 =	vld [tilespmem:s6+$0xBB10]  }
0x1f0: {  	v10 =	vor.u32 v3, v34;
	v48 =	vunpack.i.u.bf16.f32 v4;
	v49 =	vunpack.i.l.bf16.f32 v4;
	v47 =	vld [tilespmem:s16+$0xBB00]  }
0x1f1: {  	v50 =	vunpack.i.u.bf16.f32 v29;
	v29 =	vunpack.i.l.bf16.f32 v29;
	v4 =	vunpack.i.u.bf16.f32 v43;
	v34 =	vld [tilespmem:s15+$0xBB00]  }
0x1f2: {  	v43 =	vunpack.i.l.bf16.f32 v43;
	v51 =	vunpack.i.u.bf16.f32 v30;
	v30 =	vunpack.i.l.bf16.f32 v30;
	v52 =	vld [tilespmem:s2+$0xBB00]  }
0x1f3: {  	v39 =	vadd.f32 v43, v39;
	v43 =	vadd.f32 v4, v44;
	v4 =	vor.u32 v3, v35;
	v35 =	vld [tilespmem:s0+$0xBB00]  }
0x1f4: {  	v55 =	vor.u32 v2, v23;
	v53 =	vunpack.i.l.bf16.f32 v32;
	v44 =	vld [tilespmem:s10+$0xBB00];
	v54 =	vunpack.i.l.bf16.f32 v33  }
0x1f5: {  	v32 =	vunpack.i.u.bf16.f32 v32;
	v33 =	vunpack.i.u.bf16.f32 v33;
	[tilespmem:s30+$0xFFFFFE80] =	vst v39;
	v39 =	vadd.f32 v54, v53  }
0x1f6: {  	v32 =	vadd.f32 v33, v32;
	[tilespmem:s30+$0xFFFFFE90] =	vst v43;
	v43 =	vunpack.i.u.bf16.f32 v47;
	v47 =	vunpack.i.l.bf16.f32 v47  }
0x1f7: {  	v33 =	vunpack.i.u.bf16.f32 v34;
	v34 =	vunpack.i.l.bf16.f32 v34;
	v31 =	vld.idx.msk [tilespmem:v31+s13+$0x0], $0xffff;
	v53 =	vunpack.i.u.bf16.f32 v52;
	[tilespmem:s30+$0x120] =	vst v39  }
0x1f8: {  	v52 =	vunpack.i.l.bf16.f32 v52;
	v39 =	vld [tilespmem:s7+$0xBB10];
	[tilespmem:s30+$0x130] =	vst v32;
	v32 =	vunpack.i.u.bf16.f32 v35;
	v35 =	vunpack.i.l.bf16.f32 v35  }
0x1f9: {  	v30 =	vadd.f32 v30, v46;
	v54 =	vunpack.i.u.bf16.f32 v44;
	v44 =	vunpack.i.l.bf16.f32 v44;
	v46 =	vld.idx.msk [tilespmem:v55+s13+$0x0], $0xffff  }
0x1fa: {  	v5 =	vor.u32 v3, v5;
	v37 =	vadd.f32 v44, v37;
	v41 =	vadd.f32 v54, v41;
	v44 =	vld [tilespmem:s6+$0xBB20]  }
0x1fb: {  	v40 =	vadd.f32 v47, v40;
	[tilespmem:s30+$0xFFFFFF00] =	vst v30;
	v30 =	vadd.f32 v51, v45  }
0x1fc: {  	v34 =	vadd.f32 v34, v49;
	[tilespmem:s30+$0xFFFFFE00] =	vst v37;
	v37 =	vadd.f32 v43, v42  }
0x1fd: {  	v33 =	vadd.f32 v33, v48;
	v29 =	vadd.f32 v52, v29;
	[tilespmem:s30+$0xFFFFFE10] =	vst v41;
	v41 =	vunpack.i.u.bf16.f32 v31  }
0x1fe: {  	v35 =	vadd.f32 v35, v36;
	v31 =	vunpack.i.l.bf16.f32 v31;
	v26 =	vld.idx.msk [tilespmem:v26+s13+$0x0], $0xffff;
	[tilespmem:s30+$0xFFFFFF10] =	vst v30;
	v30 =	vadd.f32 v53, v50  }
0x1ff: {  	v23 =	vor.u32 v3, v23;
	v36 =	vunpack.i.l.bf16.f32 v46;
	v28 =	vld.idx.msk [tilespmem:v28+s13+$0x0], $0xffff;
	[tilespmem:s30+$0xFFFFFF80] =	vst v40;
	v40 =	vunpack.i.l.bf16.f32 v44  }
0x200: {  	v43 =	vunpack.i.u.bf16.f32 v44;
	v42 =	vld [tilespmem:s10+$0xBB10];
	[tilespmem:s30+$0xFFFFFF90] =	vst v37;
	v37 =	vunpack.i.u.bf16.f32 v46;
	v36 =	vadd.f32 v40, v36  }
0x201: {  	v32 =	vadd.f32 v32, v38;
	v40 =	vunpack.i.u.bf16.f32 v39;
	v27 =	vld.idx.msk [tilespmem:v27+s13+$0x0], $0xffff;
	[tilespmem:s30+$0x0] =	vst v34;
	v34 =	vadd.f32 v43, v37  }
0x202: {  	v6 =	vadd.f32 v20, v6;
	v37 =	vunpack.i.l.bf16.f32 v39;
	v38 =	vadd.f32 v40, v41;
	v39 =	vld [tilespmem:s1+$0xBB10];
	[tilespmem:s30+$0x140] =	vst v36  }
0x203: {  	v8 =	vadd.f32 v19, v8;
	v20 =	vadd.f32 v37, v31;
	v31 =	vld [tilespmem:s16+$0xBB10];
	[tilespmem:s30+$0x150] =	vst v34  }
0x204: {  	v19 =	vunpack.i.u.bf16.f32 v26;
	v26 =	vunpack.i.l.bf16.f32 v26;
	[tilespmem:s30+$0x10] =	vst v33;
	v23 =	vld.idx.msk [tilespmem:v23+s13+$0x0], $0xffff  }
0x205: {  	v34 =	vunpack.i.u.bf16.f32 v28;
	v28 =	vunpack.i.l.bf16.f32 v28;
	v33 =	vunpack.i.u.bf16.f32 v42;
	[tilespmem:s30+$0x80] =	vst v29;
	v29 =	vld [tilespmem:s6+$0xBB30]  }
0x206: {  	v36 =	vunpack.i.l.bf16.f32 v42;
	v19 =	vadd.f32 v33, v19;
	v24 =	vld.idx.msk [tilespmem:v24+s13+$0x0], $0xffff;
	[tilespmem:s30+$0x90] =	vst v30  }
0x207: {  	v33 =	vunpack.i.u.bf16.f32 v27;
	v27 =	vunpack.i.l.bf16.f32 v27;
	v30 =	vunpack.i.u.bf16.f32 v39;
	v25 =	vld.idx.msk [tilespmem:v25+s13+$0x0], $0xffff;
	[tilespmem:s30+$0x180] =	vst v35  }
0x208: {  	v35 =	vunpack.i.l.bf16.f32 v39;
	v37 =	vunpack.i.u.bf16.f32 v31;
	v31 =	vunpack.i.l.bf16.f32 v31;
	v39 =	vld [tilespmem:s15+$0xBB10];
	[tilespmem:s30+$0x190] =	vst v32  }
0x209: {  	v26 =	vadd.f32 v36, v26;
	[tilespmem:s30+$0xFFFFFE30] =	vst v19;
	v19 =	vadd.f32 v35, v28;
	v28 =	vld [tilespmem:s2+$0xBB10]  }
0x20a: {  	[tilespmem:s30+$0xFFFFFEA0] =	vst v20;
	v20 =	vadd.f32 v30, v34;
	v30 =	vunpack.i.u.bf16.f32 v23;
	v32 =	vunpack.i.u.bf16.f32 v29;
	v34 =	vld.idx.msk [tilespmem:v7+s13+$0x0], $0xffff  }
0x20b: {  	v7 =	vunpack.i.l.bf16.f32 v23;
	[tilespmem:s30+$0xFFFFFE20] =	vst v26;
	v26 =	vadd.f32 v31, v27;
	v23 =	vadd.f32 v32, v30;
	v27 =	vld [tilespmem:s0+$0xBB10]  }
0x20c: {  	v31 =	vadd.f32 v37, v33;
	v30 =	vld.idx.msk [tilespmem:v9+s13+$0x0], $0xffff;
	[tilespmem:s30+$0xFFFFFEB0] =	vst v38;
	v9 =	vunpack.i.u.bf16.f32 v24;
	v24 =	vunpack.i.l.bf16.f32 v24  }
0x20d: {  	v33 =	vunpack.i.u.bf16.f32 v25;
	v25 =	vunpack.i.l.bf16.f32 v25;
	v22 =	vld.idx.msk [tilespmem:v22+s13+$0x0], $0xffff;
	v32 =	vunpack.i.u.bf16.f32 v39;
	[tilespmem:s30+$0x170] =	vst v23  }
0x20e: {  	v23 =	vld [tilespmem:s10+$0xBB20];
	[tilespmem:s30+$0xFFFFFF20] =	vst v19;
	v19 =	vunpack.i.l.bf16.f32 v39;
	v35 =	vunpack.i.u.bf16.f32 v28;
	v28 =	vunpack.i.l.bf16.f32 v28  }
0x20f: {  	v36 =	vld [tilespmem:s7+$0xBB20];
	[tilespmem:s30+$0xFFFFFF30] =	vst v20;
	v19 =	vadd.f32 v19, v24;
	v20 =	vadd.f32 v32, v9;
	v9 =	vunpack.i.l.bf16.f32 v29  }
0x210: {  	v24 =	vunpack.i.u.bf16.f32 v34;
	v21 =	vld.idx.msk [tilespmem:v21+s13+$0x0], $0xffff;
	[tilespmem:s30+$0xFFFFFFA0] =	vst v26;
	v26 =	vunpack.i.l.bf16.f32 v34;
	v29 =	vunpack.i.u.bf16.f32 v27  }
0x211: {  	v25 =	vadd.f32 v28, v25;
	v28 =	vadd.f32 v35, v33;
	v27 =	vunpack.i.l.bf16.f32 v27;
	v32 =	vld [tilespmem:s1+$0xBB20];
	[tilespmem:s30+$0xFFFFFFB0] =	vst v31  }
0x212: {  	v31 =	vunpack.i.u.bf16.f32 v30;
	v24 =	vadd.f32 v29, v24;
	v18 =	vld.idx.msk [tilespmem:v18+s13+$0x0], $0xffff;
	[tilespmem:s30+$0x20] =	vst v19;
	v19 =	vadd.f32 v27, v26  }
0x213: {  	v26 =	vunpack.i.l.bf16.f32 v30;
	v27 =	vunpack.i.u.bf16.f32 v22;
	v22 =	vunpack.i.l.bf16.f32 v22;
	v29 =	vld [tilespmem:s16+$0xBB20];
	[tilespmem:s30+$0x30] =	vst v20  }
0x214: {  	v20 =	vunpack.i.u.bf16.f32 v23;
	v23 =	vunpack.i.l.bf16.f32 v23;
	v30 =	vunpack.i.u.bf16.f32 v36;
	v17 =	vld.idx.msk [tilespmem:v17+s13+$0x0], $0xffff;
	[tilespmem:s30+$0xA0] =	vst v25  }
0x215: {  	v23 =	vadd.f32 v23, v26;
	v20 =	vadd.f32 v20, v31;
	v25 =	vunpack.i.l.bf16.f32 v36;
	v26 =	vld [tilespmem:s15+$0xBB20];
	[tilespmem:s30+$0xB0] =	vst v28  }
0x216: {  	v28 =	vunpack.i.u.bf16.f32 v21;
	v21 =	vunpack.i.l.bf16.f32 v21;
	v31 =	vunpack.i.u.bf16.f32 v32;
	v15 =	vld.idx.msk [tilespmem:v15+s13+$0x0], $0xffff;
	[tilespmem:s30+$0x1A0] =	vst v19  }
0x217: {  	v19 =	vadd.f32 v25, v22;
	v22 =	vadd.f32 v30, v27;
	v25 =	vunpack.i.l.bf16.f32 v32;
	v27 =	vld [tilespmem:s2+$0xBB20];
	[tilespmem:s30+$0x1B0] =	vst v24  }
0x218: {  	[tilespmem:s30+$0xFFFFFE40] =	vst v23;
	v23 =	vunpack.i.u.bf16.f32 v18;
	v18 =	vunpack.i.l.bf16.f32 v18;
	v24 =	vunpack.i.u.bf16.f32 v29;
	v12 =	vld.idx.msk [tilespmem:v12+s13+$0x0], $0xffff  }
0x219: {  	[tilespmem:s30+$0xFFFFFE50] =	vst v20;
	v20 =	vadd.f32 v25, v21;
	v21 =	vadd.f32 v31, v28;
	v25 =	vunpack.i.l.bf16.f32 v29;
	v28 =	vld [tilespmem:s0+$0xBB20]  }
0x21a: {  	v29 =	vld.idx.msk [tilespmem:v16+s13+$0x0], $0xffff;
	[tilespmem:s30+$0xFFFFFEC0] =	vst v19;
	v16 =	vunpack.i.u.bf16.f32 v17;
	v17 =	vunpack.i.l.bf16.f32 v17;
	v19 =	vunpack.i.u.bf16.f32 v26  }
0x21b: {  	v18 =	vadd.f32 v25, v18;
	v30 =	vld [tilespmem:s10+$0xBB30];
	[tilespmem:s30+$0xFFFFFED0] =	vst v22;
	v22 =	vadd.f32 v24, v23;
	v23 =	vunpack.i.l.bf16.f32 v26  }
0x21c: {  	v25 =	vunpack.i.l.bf16.f32 v15;
	v24 =	vld.idx.msk [tilespmem:v14+s13+$0x0], $0xffff;
	[tilespmem:s30+$0xFFFFFF40] =	vst v20;
	v20 =	vunpack.i.u.bf16.f32 v15;
	v26 =	vunpack.i.u.bf16.f32 v27  }
0x21d: {  	v19 =	vadd.f32 v19, v16;
	v17 =	vadd.f32 v23, v17;
	v16 =	vunpack.i.l.bf16.f32 v27;
	v31 =	vld [tilespmem:s7+$0xBB30];
	[tilespmem:s30+$0xFFFFFF50] =	vst v21  }
0x21e: {  	v14 =	vld.idx.msk [tilespmem:v13+s13+$0x0], $0xffff;
	[tilespmem:s30+$0xFFFFFFC0] =	vst v18;
	v13 =	vunpack.i.u.bf16.f32 v12;
	v18 =	vunpack.i.l.bf16.f32 v12;
	v21 =	vunpack.i.u.bf16.f32 v28  }
.Ltmp6:
0x21f: {  	v23 =	vadd.f32 v16, v25;
	v25 =	vadd.f32 v26, v20;
	v16 =	vunpack.i.l.bf16.f32 v28;
	v15 =	vld [tilespmem:s1+$0xBB30];
	[tilespmem:s30+$0xFFFFFFD0] =	vst v22;
	(pc) =	sbr.rel @p1 .LBB2_12-.Ltmp6, $4  }
0x220: {  	v26 =	vunpack.i.u.bf16.f32 v29;
	v18 =	vadd.f32 v16, v18;
	v16 =	vadd.f32 v21, v13;
	v12 =	vld.idx.msk [tilespmem:v11+s13+$0x0], $0xffff;
	[tilespmem:s30+$0x40] =	vst v17  }
0x221: {  	v11 =	vunpack.i.l.bf16.f32 v29;
	v17 =	vunpack.i.u.bf16.f32 v30;
	v27 =	vunpack.i.l.bf16.f32 v30;
	v13 =	vld [tilespmem:s16+$0xBB30];
	[tilespmem:s30+$0x50] =	vst v19  }
0x222: {  	v20 =	vunpack.i.u.bf16.f32 v24;
	v22 =	vunpack.i.l.bf16.f32 v24;
	v21 =	vunpack.i.u.bf16.f32 v31;
	v10 =	vld.idx.msk [tilespmem:v10+s13+$0x0], $0xffff;
	[tilespmem:s30+$0xC0] =	vst v23  }
0x223: {  	v19 =	vadd.f32 v27, v11;
	v17 =	vadd.f32 v17, v26;
	v23 =	vunpack.i.l.bf16.f32 v31;
	v11 =	vld [tilespmem:s15+$0xBB30];
	[tilespmem:s30+$0xD0] =	vst v25  }
0x224: {  	[tilespmem:s30+$0x1C0] =	vst v18  }
0x225: {  	[tilespmem:s30+$0x1D0] =	vst v16  }
0x226: {  	[tilespmem:s29+$0x1E0] =	vst v6  }
0x227: {  	[tilespmem:s29+$0x1F0] =	vst v8  }
0x228: {  	v16 =	vadd.f32 v23, v22;
	[tilespmem:s30+$0xFFFFFE60] =	vst v19  }
0x229: {  	v18 =	vadd.f32 v21, v20;
	v7 =	vadd.f32 v9, v7;
	[tilespmem:s30+$0xFFFFFE70] =	vst v17;
	v17 =	vunpack.i.l.bf16.f32 v15  }
0x22a: {  	v4 =	vld.idx.msk [tilespmem:v4+s13+$0x0], $0xffff;
	v15 =	vunpack.i.u.bf16.f32 v15;
	v8 =	vunpack.i.l.bf16.f32 v12;
	[tilespmem:s30+$0xFFFFFEE0] =	vst v16;
	v16 =	vunpack.i.l.bf16.f32 v14  }
0x22b: {  	v12 =	vunpack.i.u.bf16.f32 v12;
	[tilespmem:s30+$0xFFFFFEF0] =	vst v18;
	v14 =	vunpack.i.u.bf16.f32 v14;
	v18 =	vld [tilespmem:s2+$0xBB30];
	v6 =	vadd.f32 v17, v16  }
0x22c: {  	v5 =	vld.idx.msk [tilespmem:v5+s13+$0x0], $0xffff;
	[tilespmem:s30+$0x160] =	vst v7;
	v16 =	vunpack.i.l.bf16.f32 v13;
	v14 =	vadd.f32 v15, v14;
	v13 =	vunpack.i.u.bf16.f32 v13  }
0x22d: {  	v15 =	vunpack.i.l.bf16.f32 v10;
	v10 =	vunpack.i.u.bf16.f32 v10;
	v8 =	vadd.f32 v16, v8;
	[tilespmem:s30+$0xFFFFFF60] =	vst v6;
	v6 =	vld [tilespmem:s0+$0xBB30]  }
0x22e: {  	v16 =	vunpack.i.l.bf16.f32 v11;
	v12 =	vadd.f32 v13, v12;
	v11 =	vunpack.i.u.bf16.f32 v11;
	[tilespmem:s30+$0xFFFFFF70] =	vst v14  }
0x22f: {  	v13 =	vadd.f32 v16, v15;
	v10 =	vadd.f32 v11, v10;
	[tilespmem:s30+$0xFFFFFFE0] =	vst v8  }
0x230: {  	v8 =	vunpack.i.l.bf16.f32 v4;
	[tilespmem:s30+$0xFFFFFFF0] =	vst v12;
	v4 =	vunpack.i.u.bf16.f32 v4;
	v11 =	vunpack.i.u.bf16.f32 v18  }
0x231: {  	v14 =	vunpack.i.l.bf16.f32 v18;
	[tilespmem:s30+$0x60] =	vst v13;
	v4 =	vadd.f32 v11, v4  }
0x232: {  	[tilespmem:s30+$0x70] =	vst v10;
	v10 =	vunpack.i.l.bf16.f32 v5;
	v8 =	vadd.f32 v14, v8;
	v11 =	vunpack.i.l.bf16.f32 v6  }
0x233: {  	s6 =	sshll.u32 s26, $0x14;
	v5 =	vunpack.i.u.bf16.f32 v5;
	v6 =	vunpack.i.u.bf16.f32 v6;
	[tilespmem:s30+$0xF0] =	vst v4;
	v4 =	vadd.f32 v11, v10  }
0x234: {  	s0 =	sadd.s32 s8, s6;
	[tilespmem:s30+$0xE0] =	vst v8;
	v5 =	vadd.f32 v6, v5  }
0x235: {  	s0 =	sshrl.u32 s0, $0x3;
	[tilespmem:s30+$0x1E0] =	vst v4  }
0x236: {  	s1 =	sadd.s32 s4, s0;
	[tilespmem:s30+$0x1F0] =	vst v5  }
0x237: {  	[hbm4b:s1+s5] =	stream.linear.scatter [tilespmem:s18], [sflag:$0x2], $0x4000, $0x38;
	[tilespmem:$0x1FB00] =	vst v63  }
0x238: {  	s0 =	sadd.s32 s0, s9  }
0x239: {  	[hbm4b:s0+s5] =	stream.linear.scatter [tilespmem:s19], [sflag:$0x2], $0x4000, $0x38;
	[tilespmem:$0x1FB00] =	vst v63  }
0x23a: {  	s1 =	sadd.s32 $0xFFFFFFF8, s25;
	s0 =	simm.s32 @!p0 $0x3  }
0x23b: {  	s16 =	sadd.s32 $0x10F, s1;
	_ =	swait.ge @!p0 [sflag:s0], $0x4000  }
0x23c: {  	v8 =	vmov s16;
	[sflag:s0] =	ssyncset.done @!p0 $0x0  }
0x23d: {  	s7 =	sadd.s32 $0x10E, s1;
	[sflag:s0] =	ssyncadd.s32 @!p0 $0xFFFFC000  }
0x23e: {  	s10 =	sadd.s32 $0x108, s1;
	s3 =	sadd.s32 $0x109, s1;
	_ =	swait.ge @!p0 [sflag:s0], $0x4000  }
0x23f: {  	s15 =	sadd.s32 $0x10A, s1;
	s6 =	sadd.s32 $0x10C, s1;
	[sflag:s0] =	ssyncset.done @!p0 $0x0  }
0x240: {  	v4 =	vmov s7;
	v5 =	vmov s10;
	s7 =	simm.s32 $0x300;
	s10 =	simm.s32 $0x0;
	[sflag:s0] =	ssyncadd.s32 @!p0 $0xFFFFC000  }
0x241: {  	v7 =	vmov s15;
	v10 =	vmov s6;
	s15 =	simm.s32 $0x80;
	v4 =	vand.u32 $0xFFFFFFFE, v4;
	s6 =	sand.u32 $0x3F00, s7;
	s7 =	sand.u32 $0x3C00, s10;
	v8 =	vld.idx.msk [tilespmem:v8+s5+$0x0], $0xffff  }
0x242: {  	s22 =	sadd.s32 $0x10B, s1;
	v6 =	vmov s3;
	s16 =	simm.s32 $0x100;
	v5 =	vand.u32 $0xFFFFFFF8, v5;
	s15 =	sand.u32 $0x3C80, s15;
	v4 =	vbroadcast v4, $0x0;
	v37 =	vld [tilespmem:s7+$0xBB00]  }
0x243: {  	v9 =	vmov s22;
	s22 =	simm.s32 $0x180;
	v6 =	vand.u32 $0xFFFFFFF9, v6;
	s10 =	sand.u32 $0x3D00, s16;
	v5 =	vbroadcast v5, $0x0;
	v43 =	vld [tilespmem:s15+$0xBB00]  }
0x244: {  	s2 =	simm.s32 $0x200;
	v9 =	vand.u32 $0xFFFFFFFB, v9;
	s3 =	sand.u32 $0x3D80, s22;
	v6 =	vbroadcast v6, $0x0;
	v44 =	vld [tilespmem:s10+$0xBB00]  }
0x245: {  	s2 =	sand.u32 $0x3E00, s2;
	s1 =	sadd.s32 $0x10D, s1;
	v10 =	vand.u32 $0xFFFFFFFC, v10;
	s16 =	simm.s32 $0x280;
	v9 =	vbroadcast v9, $0x0;
	v63 =	vld [tilespmem:s3+$0xBB00]  }
0x246: {  	v11 =	vmov s1;
	v10 =	vbroadcast v10, $0x0;
	s1 =	sand.u32 $0x3E80, s16;
	v52 =	vld [tilespmem:s2+$0xBB00]  }
0x247: {  	v11 =	vand.u32 $0xFFFFFFFD, v11;
	v48 =	vld [tilespmem:s1+$0xBB00]  }
0x248: {  	v11 =	vbroadcast v11, $0x0;
	v4 =	vld.idx.msk [tilespmem:v4+s5+$0x0], $0xffff  }
0x249: {  	v7 =	vand.u32 $0xFFFFFFFA, v7;
	v5 =	vld.idx.msk [tilespmem:v5+s5+$0x0], $0xffff  }
0x24a: {  	v7 =	vbroadcast v7, $0x0;
	v6 =	vld.idx.msk [tilespmem:v6+s5+$0x0], $0xffff  }
0x24b: {  	v9 =	vld.idx.msk [tilespmem:v9+s5+$0x0], $0xffff;
	v13 =	vshll.u32 v8, $0x6;
	v45 =	vunpack.i.u.bf16.f32 v37;
	v37 =	vunpack.i.l.bf16.f32 v37  }
0x24c: {  	v10 =	vld.idx.msk [tilespmem:v10+s5+$0x0], $0xffff;
	v56 =	vunpack.i.u.bf16.f32 v43;
	v43 =	vunpack.i.l.bf16.f32 v43;
	v58 =	vunpack.i.u.bf16.f32 v44  }
0x24d: {  	v44 =	vunpack.i.l.bf16.f32 v44;
	v59 =	vunpack.i.u.bf16.f32 v63;
	v60 =	vunpack.i.u.bf16.f32 v52  }
0x24e: {  	v8 =	vld.idx.msk [tilespmem:v11+s5+$0x0], $0xffff;
	v62 =	vunpack.i.u.bf16.f32 v48;
	v21 =	vshll.u32 v4, $0x6;
	v11 =	vor.u32 v0, v13  }
0x24f: {  	v48 =	vunpack.i.l.bf16.f32 v48;
	v5 =	vshll.u32 v5, $0x6;
	v12 =	vor.u32 v0, v21  }
0x250: {  	v4 =	vld.idx.msk [tilespmem:v7+s5+$0x0], $0xffff;
	v7 =	vor.u32 v1, v13;
	v6 =	vshll.u32 v6, $0x6;
	v14 =	vor.u32 v0, v5  }
0x251: {  	v26 =	vshll.u32 v9, $0x6;
	v29 =	vshll.u32 v10, $0x6;
	v16 =	vor.u32 v0, v6  }
0x252: {  	v9 =	vld [tilespmem:s6+$0xBB00];
	v23 =	vor.u32 v1, v5;
	v24 =	vor.u32 v1, v6;
	v28 =	vor.u32 v0, v26  }
0x253: {  	v22 =	vor.u32 v1, v26;
	v30 =	vor.u32 v0, v29;
	v31 =	vshll.u32 v8, $0x6;
	v8 =	vld.idx.msk [tilespmem:v11+s13+$0x0], $0xffff  }
0x254: {  	v20 =	vor.u32 v1, v29;
	v18 =	vor.u32 v2, v5;
	v17 =	vor.u32 v2, v6;
	v12 =	vld.idx.msk [tilespmem:v12+s13+$0x0], $0xffff  }
0x255: {  	v34 =	vor.u32 v1, v21;
	v47 =	vor.u32 v2, v21;
	v21 =	vor.u32 v3, v21;
	v11 =	vld.idx.msk [tilespmem:v14+s13+$0x0], $0xffff  }
0x256: {  	v4 =	vshll.u32 v4, $0x6;
	v32 =	vor.u32 v0, v31;
	v19 =	vor.u32 v1, v31;
	v33 =	vld.idx.msk [tilespmem:v16+s13+$0x0], $0xffff  }
0x257: {  	v25 =	vor.u32 v0, v4;
	v27 =	vor.u32 v1, v4;
	v15 =	vor.u32 v2, v4;
	v28 =	vld.idx.msk [tilespmem:v28+s13+$0x0], $0xffff  }
0x258: {  	v14 =	vunpack.i.l.bf16.f32 v9;
	v9 =	vunpack.i.u.bf16.f32 v9;
	v16 =	vor.u32 v2, v26  }
0x259: {  	v30 =	vld.idx.msk [tilespmem:v30+s13+$0x0], $0xffff;
	v36 =	vunpack.i.l.bf16.f32 v8;
	v10 =	vunpack.i.l.bf16.f32 v12;
	v12 =	vunpack.i.u.bf16.f32 v12  }
0x25a: {  	v38 =	vunpack.i.u.bf16.f32 v11;
	v39 =	vunpack.i.l.bf16.f32 v11;
	v35 =	vadd.f32 v14, v10  }
0x25b: {  	s29 =	simm.s32 $0x17EF0;
	v11 =	vor.u32 v3, v5;
	v40 =	vunpack.i.u.bf16.f32 v33;
	v9 =	vadd.f32 v9, v12  }
0x25c: {  	s22 =	simm.s32 $0x380;
	v32 =	vld.idx.msk [tilespmem:v32+s13+$0x0], $0xffff;
	v33 =	vunpack.i.l.bf16.f32 v33;
	v42 =	vunpack.i.u.bf16.f32 v28;
	v37 =	vadd.f32 v37, v39;
	[tilespmem:s29+$0xFFFFFF10] =	vst v35  }
0x25d: {  	s0 =	sand.u32 $0x3F80, s22;
	v25 =	vld.idx.msk [tilespmem:v25+s13+$0x0], $0xffff;
	v28 =	vunpack.i.l.bf16.f32 v28;
	v5 =	vor.u32 v3, v26;
	v38 =	vadd.f32 v45, v38;
	[tilespmem:s29+$0xFFFFFF20] =	vst v9  }
0x25e: {  	v57 =	vld [tilespmem:s0+$0xBB00];
	v26 =	vunpack.i.u.bf16.f32 v30;
	v30 =	vunpack.i.l.bf16.f32 v30;
	v33 =	vadd.f32 v43, v33;
	[tilespmem:s29+$0xFFFFFC10] =	vst v37  }
0x25f: {  	v14 =	vor.u32 v2, v29;
	v39 =	vunpack.i.l.bf16.f32 v52;
	v50 =	vadd.f32 v60, v26;
	[tilespmem:s29+$0xFFFFFC20] =	vst v38;
	v34 =	vld.idx.msk [tilespmem:v34+s13+$0x0], $0xffff  }
0x260: {  	v12 =	vor.u32 v2, v31;
	v30 =	vadd.f32 v39, v30;
	v9 =	vor.u32 v3, v6;
	[tilespmem:s29+$0xFFFFFC90] =	vst v33;
	v6 =	vld [tilespmem:s6+$0xBB10]  }
0x261: {  	v38 =	vadd.f32 v56, v40;
	[tilespmem:s29+$0xFFFFFE20] =	vst v50;
	v55 =	vunpack.i.u.bf16.f32 v32;
	v32 =	vunpack.i.l.bf16.f32 v32  }
0x262: {  	v23 =	vld.idx.msk [tilespmem:v23+s13+$0x0], $0xffff;
	[tilespmem:s29+$0xFFFFFE10] =	vst v30;
	v41 =	vunpack.i.u.bf16.f32 v25;
	v25 =	vunpack.i.l.bf16.f32 v25;
	v32 =	vadd.f32 v48, v32  }
0x263: {  	v35 =	vunpack.i.u.bf16.f32 v8;
	v8 =	vor.u32 v3, v4;
	v49 =	vld [tilespmem:s7+$0xBB10];
	[tilespmem:s29+$0xFFFFFCA0] =	vst v38;
	v25 =	vadd.f32 v44, v25  }
0x264: {  	v52 =	vadd.f32 v62, v55;
	v20 =	vld.idx.msk [tilespmem:v20+s13+$0x0], $0xffff;
	v41 =	vadd.f32 v58, v41;
	v44 =	vunpack.i.u.bf16.f32 v57;
	[tilespmem:s29+$0xFFFFFE90] =	vst v32  }
0x265: {  	v24 =	vld.idx.msk [tilespmem:v24+s13+$0x0], $0xffff;
	v35 =	vadd.f32 v44, v35;
	[tilespmem:s29+$0xFFFFFD10] =	vst v25;
	v53 =	vunpack.i.l.bf16.f32 v34;
	v46 =	vunpack.i.l.bf16.f32 v6  }
0x266: {  	v44 =	vld [tilespmem:s2+$0xBB10];
	[tilespmem:s29+$0xFFFFFD20] =	vst v41;
	v34 =	vunpack.i.u.bf16.f32 v34;
	v6 =	vunpack.i.u.bf16.f32 v6;
	v54 =	vadd.f32 v46, v53  }
0x267: {  	v4 =	vor.u32 v3, v29;
	v29 =	vunpack.i.l.bf16.f32 v63;
	[tilespmem:s29+$0xFFFFFEA0] =	vst v52;
	v27 =	vld.idx.msk [tilespmem:v27+s13+$0x0], $0xffff;
	v34 =	vadd.f32 v6, v34  }
0x268: {  	v10 =	vor.u32 v2, v13;
	v28 =	vadd.f32 v29, v28;
	v46 =	vadd.f32 v59, v42;
	v53 =	vld [tilespmem:s15+$0xBB10];
	[tilespmem:s29+$0xFFFFFF30] =	vst v54  }
0x269: {  	v51 =	vunpack.i.u.bf16.f32 v23;
	v6 =	vor.u32 v3, v31;
	v31 =	vunpack.i.l.bf16.f32 v57;
	v57 =	vld [tilespmem:s10+$0xBB10];
	[tilespmem:s29+$0xFFFFFF40] =	vst v34  }
0x26a: {  	v23 =	vunpack.i.l.bf16.f32 v23;
	v58 =	vunpack.i.u.bf16.f32 v49;
	v59 =	vunpack.i.l.bf16.f32 v49;
	[tilespmem:s29+$0xFFFFFDA0] =	vst v46;
	v46 =	vld.idx.msk [tilespmem:v19+s13+$0x0], $0xffff  }
0x26b: {  	v26 =	vadd.f32 v58, v51;
	v50 =	vunpack.i.u.bf16.f32 v20;
	v31 =	vadd.f32 v31, v36;
	v61 =	vld.idx.msk [tilespmem:v47+s13+$0x0], $0xffff  }
0x26c: {  	[tilespmem:s29+$0xFFFFFD90] =	vst v28;
	v20 =	vunpack.i.l.bf16.f32 v20;
	v23 =	vadd.f32 v59, v23;
	v19 =	vor.u32 v3, v13;
	v63 =	vld [tilespmem:s6+$0xBB20]  }
0x26d: {  	v22 =	vld.idx.msk [tilespmem:v22+s13+$0x0], $0xffff;
	[tilespmem:s29+$0xFFFFFF90] =	vst v31;
	v31 =	vunpack.i.l.bf16.f32 v44;
	v39 =	vunpack.i.u.bf16.f32 v27;
	v27 =	vunpack.i.l.bf16.f32 v27  }
0x26e: {  	[tilespmem:s29+$0xFFFFFFA0] =	vst v35;
	v60 =	vld [tilespmem:s3+$0xBB10];
	v20 =	vadd.f32 v31, v20;
	v62 =	vunpack.i.u.bf16.f32 v53;
	v42 =	vunpack.i.l.bf16.f32 v57  }
0x26f: {  	[tilespmem:s29+$0xFFFFFC30] =	vst v23;
	v23 =	vld [tilespmem:s1+$0xBB10];
	v34 =	vunpack.i.l.bf16.f32 v53;
	v41 =	vunpack.i.u.bf16.f32 v57;
	v27 =	vadd.f32 v42, v27  }
0x270: {  	[tilespmem:s29+$0xFFFFFC40] =	vst v26;
	v48 =	vld.idx.msk [tilespmem:v7+s13+$0x0], $0xffff;
	v51 =	vunpack.i.u.bf16.f32 v46;
	v52 =	vunpack.i.l.bf16.f32 v46;
	v54 =	vunpack.i.l.bf16.f32 v61  }
0x271: {  	v18 =	vld.idx.msk [tilespmem:v18+s13+$0x0], $0xffff;
	v55 =	vunpack.i.l.bf16.f32 v63;
	v56 =	vunpack.i.u.bf16.f32 v61;
	v40 =	vunpack.i.u.bf16.f32 v63  }
0x272: {  	v61 =	vunpack.i.u.bf16.f32 v24;
	v24 =	vunpack.i.l.bf16.f32 v24;
	v43 =	vunpack.i.u.bf16.f32 v22  }
0x273: {  	v53 =	vld [tilespmem:s7+$0xBB20];
	[tilespmem:s29+$0xFFFFFE30] =	vst v20;
	v22 =	vunpack.i.l.bf16.f32 v22;
	v28 =	vadd.f32 v55, v54;
	v29 =	vadd.f32 v40, v56  }
0x274: {  	v49 =	vld [tilespmem:s0+$0xBB10];
	v45 =	vunpack.i.u.bf16.f32 v60;
	[tilespmem:s29+$0xFFFFFD30] =	vst v27;
	v63 =	vadd.f32 v62, v61;
	v24 =	vadd.f32 v34, v24  }
0x275: {  	v32 =	vadd.f32 v45, v43;
	v54 =	vunpack.i.u.bf16.f32 v23;
	v23 =	vunpack.i.l.bf16.f32 v23;
	[tilespmem:s29+$0xFFFFFF50] =	vst v28  }
0x276: {  	v56 =	vunpack.i.u.bf16.f32 v48;
	v57 =	vunpack.i.u.bf16.f32 v18;
	v18 =	vunpack.i.l.bf16.f32 v18;
	[tilespmem:s29+$0xFFFFFF60] =	vst v29  }
0x277: {  	v23 =	vadd.f32 v23, v52;
	v25 =	vadd.f32 v54, v51;
	v28 =	vunpack.i.l.bf16.f32 v60;
	[tilespmem:s29+$0xFFFFFCB0] =	vst v24;
	v21 =	vld.idx.msk [tilespmem:v21+s13+$0x0], $0xffff  }
0x278: {  	v59 =	vunpack.i.l.bf16.f32 v53;
	v29 =	vadd.f32 v41, v39;
	[tilespmem:s29+$0xFFFFFCC0] =	vst v63;
	v40 =	vld [tilespmem:s6+$0xBB30];
	v22 =	vadd.f32 v28, v22;
	s6 =	sadd.s32 $0x0, s25  }
0x279: {  	v24 =	vunpack.i.l.bf16.f32 v49;
	v18 =	vadd.f32 v59, v18;
	v17 =	vld.idx.msk [tilespmem:v17+s13+$0x0], $0xffff;
	v28 =	vunpack.i.l.bf16.f32 v48;
	[tilespmem:s29+$0xFFFFFEC0] =	vst v25;
	s16 =	sadd.s32 $0x108, s6  }
0x27a: {  	v55 =	vld [tilespmem:s15+$0xBB20];
	v24 =	vadd.f32 v24, v28;
	s22 =	sadd.s32 $0x109, s6;
	[tilespmem:s29+$0xFFFFFDB0] =	vst v22;
	v22 =	vunpack.i.u.bf16.f32 v49;
	v38 =	vmov s16;
	s16 =	sadd.s32 $0x10C, s6  }
0x27b: {  	[tilespmem:s29+$0xFFFFFD40] =	vst v29;
	v39 =	vmov s22;
	v20 =	vadd.f32 v22, v56;
	v41 =	vmov s16  }
0x27c: {  	v15 =	vld.idx.msk [tilespmem:v15+s13+$0x0], $0xffff;
	[tilespmem:s29+$0xFFFFFFB0] =	vst v24;
	v24 =	vand.u32 $0xFFFFFFF8, v38;
	v25 =	vand.u32 $0xFFFFFFF9, v39;
	v43 =	vand.u32 $0xFFFFFFFC, v41  }
0x27d: {  	[tilespmem:s29+$0xFFFFFDC0] =	vst v32;
	v29 =	vld [tilespmem:s10+$0xBB20];
	v13 =	vunpack.i.u.bf16.f32 v21;
	v21 =	vunpack.i.l.bf16.f32 v21;
	v47 =	vunpack.i.u.bf16.f32 v40  }
0x27e: {  	v16 =	vld.idx.msk [tilespmem:v16+s13+$0x0], $0xffff;
	v7 =	vunpack.i.l.bf16.f32 v40;
	v22 =	vunpack.i.u.bf16.f32 v17;
	v17 =	vunpack.i.l.bf16.f32 v17  }
0x27f: {  	[tilespmem:s29+$0xFFFFFEB0] =	vst v23;
	v58 =	vld [tilespmem:s3+$0xBB20];
	v60 =	vunpack.i.u.bf16.f32 v55;
	v23 =	vunpack.i.l.bf16.f32 v55;
	v13 =	vadd.f32 v47, v13  }
0x280: {  	v12 =	vld.idx.msk [tilespmem:v12+s13+$0x0], $0xffff;
	v7 =	vadd.f32 v7, v21;
	v21 =	vunpack.i.u.bf16.f32 v44;
	v17 =	vadd.f32 v23, v17  }
0x281: {  	v30 =	vld [tilespmem:s1+$0xBB20];
	v45 =	vbroadcast v25, $0x0;
	[tilespmem:s29+$0xFFFFFFC0] =	vst v20;
	v22 =	vadd.f32 v60, v22;
	v21 =	vadd.f32 v21, v50  }
0x282: {  	[tilespmem:s29+$0xFFFFFC50] =	vst v18;
	v10 =	vld.idx.msk [tilespmem:v10+s13+$0x0], $0xffff;
	v62 =	vunpack.i.u.bf16.f32 v15;
	v15 =	vunpack.i.l.bf16.f32 v15;
	v63 =	vunpack.i.u.bf16.f32 v29  }
0x283: {  	v31 =	vld [tilespmem:s0+$0xBB20];
	v23 =	vunpack.i.l.bf16.f32 v29;
	v20 =	vunpack.i.u.bf16.f32 v16;
	v16 =	vunpack.i.l.bf16.f32 v16;
	[tilespmem:s29+$0xFFFFFCD0] =	vst v17  }
0x284: {  	v18 =	vunpack.i.u.bf16.f32 v58;
	v15 =	vadd.f32 v23, v15;
	v23 =	vadd.f32 v63, v62;
	[tilespmem:s29+$0xFFFFFCE0] =	vst v22  }
0x285: {  	v22 =	vunpack.i.u.bf16.f32 v12;
	v12 =	vunpack.i.l.bf16.f32 v12;
	[tilespmem:s29+$0xFFFFFE40] =	vst v21;
	v21 =	vunpack.i.u.bf16.f32 v53;
	v9 =	vld.idx.msk [tilespmem:v9+s13+$0x0], $0xffff  }
0x286: {  	v18 =	vadd.f32 v18, v20;
	v14 =	vld.idx.msk [tilespmem:v14+s13+$0x0], $0xffff;
	v21 =	vadd.f32 v21, v57;
	[tilespmem:s29+$0xFFFFFD50] =	vst v15;
	v15 =	vunpack.i.u.bf16.f32 v30  }
0x287: {  	v61 =	vld [tilespmem:s2+$0xBB20];
	[tilespmem:s29+$0xFFFFFD60] =	vst v23;
	v23 =	vunpack.i.l.bf16.f32 v30;
	v33 =	vunpack.i.u.bf16.f32 v10;
	v10 =	vunpack.i.l.bf16.f32 v10  }
0x288: {  	v34 =	vunpack.i.u.bf16.f32 v31;
	v12 =	vadd.f32 v23, v12;
	v23 =	vunpack.i.l.bf16.f32 v31  }
0x289: {  	v35 =	vld [tilespmem:s10+$0xBB30];
	v15 =	vadd.f32 v15, v22;
	[tilespmem:s29+$0xFFFFFC60] =	vst v21;
	v21 =	vunpack.i.l.bf16.f32 v58;
	v10 =	vadd.f32 v23, v10  }
0x28a: {  	s22 =	sadd.s32 $0x10D, s6;
	v26 =	vbroadcast v43, $0x0;
	s10 =	sadd.s32 $0x10A, s6;
	v23 =	vadd.f32 v34, v33;
	v11 =	vld.idx.msk [tilespmem:v11+s13+$0x0], $0xffff;
	v16 =	vadd.f32 v21, v16;
	[tilespmem:s29+$0xFFFFFED0] =	vst v12  }
0x28b: {  	v20 =	vld [tilespmem:s7+$0xBB30];
	v12 =	vmov s10;
	[tilespmem:s29+$0xFFFFFEE0] =	vst v15;
	v15 =	vmov s22;
	v37 =	vunpack.i.u.bf16.f32 v9  }
0x28c: {  	v8 =	vld.idx.msk [tilespmem:v8+s13+$0x0], $0xffff;
	v32 =	vunpack.i.u.bf16.f32 v14;
	v14 =	vunpack.i.l.bf16.f32 v14;
	v21 =	vunpack.i.l.bf16.f32 v61  }
0x28d: {  	v9 =	vunpack.i.l.bf16.f32 v9;
	[tilespmem:s29+$0xFFFFFFD0] =	vst v10;
	v10 =	vand.u32 $0xFFFFFFFA, v12;
	v14 =	vadd.f32 v21, v14;
	v21 =	vld [tilespmem:s15+$0xBB30]  }
0x28e: {  	v6 =	vld.idx.msk [tilespmem:v6+s13+$0x0], $0xffff;
	[tilespmem:s29+$0xFFFFFFE0] =	vst v23;
	v23 =	vbroadcast v24, $0x0;
	v15 =	vand.u32 $0xFFFFFFFD, v15;
	v17 =	vunpack.i.u.bf16.f32 v61  }
0x28f: {  	v44 =	vld [tilespmem:s1+$0xBB30];
	v10 =	vbroadcast v10, $0x0;
	v15 =	vbroadcast v15, $0x0;
	v22 =	vunpack.i.u.bf16.f32 v11  }
0x290: {  	v24 =	vld.idx.msk [tilespmem:v45+s5+$0x0], $0xffff;
	v11 =	vunpack.i.l.bf16.f32 v11;
	v36 =	vunpack.i.u.bf16.f32 v20;
	v20 =	vunpack.i.l.bf16.f32 v20  }
0x291: {  	v19 =	vld.idx.msk [tilespmem:v19+s13+$0x0], $0xffff;
	v17 =	vadd.f32 v17, v32;
	[tilespmem:s29+$0xFFFFFE50] =	vst v14;
	v14 =	vunpack.i.u.bf16.f32 v35;
	v11 =	vadd.f32 v20, v11  }
0x292: {  	[tilespmem:s29+$0xFFFFFDE0] =	vst v18;
	s15 =	sadd.s32 $0x10E, s6;
	v20 =	vadd.f32 v36, v22;
	v22 =	vunpack.i.u.bf16.f32 v8;
	v18 =	vunpack.i.l.bf16.f32 v21  }
0x293: {  	[tilespmem:s29+$0xFFFFFDD0] =	vst v16;
	v49 =	vld [tilespmem:s0+$0xBB30];
	v8 =	vunpack.i.l.bf16.f32 v8;
	v9 =	vadd.f32 v18, v9;
	v18 =	vmov s15  }
0x294: {  	v5 =	vld.idx.msk [tilespmem:v5+s13+$0x0], $0xffff;
	[tilespmem:s29+$0xFFFFFE60] =	vst v17;
	v50 =	vunpack.i.u.bf16.f32 v6;
	v53 =	vunpack.i.l.bf16.f32 v6;
	s15 =	sadd.s32 $0x10B, s6;
	s6 =	sadd.s32 $0x10F, s6;
	v18 =	vand.u32 $0xFFFFFFFE, v18  }
0x295: {  	v4 =	vld.idx.msk [tilespmem:v4+s13+$0x0], $0xffff;
	v55 =	vunpack.i.u.bf16.f32 v44;
	v46 =	vmov s6;
	v18 =	vbroadcast v18, $0x0  }
0x296: {  	v42 =	vld [tilespmem:s2+$0xBB30];
	v27 =	vunpack.i.l.bf16.f32 v44;
	v57 =	vshll.u32 v24, $0x6;
	v6 =	vunpack.i.u.bf16.f32 v19  }
0x297: {  	v23 =	vld.idx.msk [tilespmem:v23+s5+$0x0], $0xffff;
	v19 =	vunpack.i.l.bf16.f32 v19;
	v38 =	vadd.f32 v14, v22;
	v40 =	vmov s15  }
0x298: {  	v30 =	vadd.f32 v27, v53;
	v16 =	vunpack.i.u.bf16.f32 v21;
	v21 =	vld [tilespmem:s3+$0xBB30];
	v12 =	vand.u32 $0xFFFFFFFB, v40  }
0x299: {  	[tilespmem:s29+$0xFFFFFF80] =	vst v13;
	v32 =	vadd.f32 v55, v50;
	v13 =	vor.u32 v0, v57;
	v10 =	vld.idx.msk [tilespmem:v10+s5+$0x0], $0xffff;
	v12 =	vbroadcast v12, $0x0  }
0x29a: {  	v47 =	vunpack.i.u.bf16.f32 v5;
	v17 =	vadd.f32 v16, v37;
	v16 =	vunpack.i.l.bf16.f32 v35;
	v25 =	vld.idx.msk [tilespmem:v46+s5+$0x0], $0xffff  }
0x29b: {  	s7 =	simm.s32 $0x700;
	v5 =	vunpack.i.l.bf16.f32 v5;
	v8 =	vadd.f32 v16, v8;
	v16 =	vunpack.i.l.bf16.f32 v49;
	v18 =	vld.idx.msk [tilespmem:v18+s5+$0x0], $0xffff  }
0x29c: {  	v15 =	vld.idx.msk [tilespmem:v15+s5+$0x0], $0xffff;
	s6 =	sand.u32 $0x3F00, s7;
	v48 =	vunpack.i.u.bf16.f32 v4;
	v4 =	vunpack.i.l.bf16.f32 v4;
	v56 =	vshll.u32 v23, $0x6  }
0x29d: {  	v54 =	vunpack.i.u.bf16.f32 v42;
	v28 =	vunpack.i.l.bf16.f32 v42;
	v59 =	vld [tilespmem:s6+$0xBB00];
	v23 =	vor.u32 v0, v56  }
0x29e: {  	v27 =	vadd.f32 v16, v19;
	v4 =	vadd.f32 v28, v4;
	v13 =	vld.idx.msk [tilespmem:v13+s13+$0x0], $0xffff;
	v52 =	vunpack.i.l.bf16.f32 v21  }
0x29f: {  	v28 =	vadd.f32 v54, v48;
	v34 =	vadd.f32 v52, v5;
	v12 =	vld.idx.msk [tilespmem:v12+s5+$0x0], $0xffff;
	v5 =	vshll.u32 v25, $0x6  }
0x2a0: {  	[tilespmem:s29+$0xFFFFFC70] =	vst v11;
	v51 =	vunpack.i.u.bf16.f32 v21;
	v19 =	vor.u32 v0, v5;
	v21 =	vshll.u32 v18, $0x6  }
0x2a1: {  	[tilespmem:s29+$0xFFFFFC80] =	vst v20;
	v35 =	vor.u32 v1, v56;
	v58 =	vshll.u32 v10, $0x6;
	v18 =	vld.idx.msk [tilespmem:v26+s5+$0x0], $0xffff;
	v14 =	vor.u32 v0, v21  }
0x2a2: {  	[tilespmem:s29+$0xFFFFFD80] =	vst v38;
	v42 =	vshll.u32 v15, $0x6;
	v20 =	vor.u32 v2, v56;
	v29 =	vadd.f32 v51, v47;
	v61 =	vld.idx.msk [tilespmem:v23+s13+$0x0], $0xffff  }
0x2a3: {  	[tilespmem:s29+$0xFFFFFD00] =	vst v17;
	v62 =	vor.u32 v0, v42;
	v17 =	vunpack.i.l.bf16.f32 v59;
	v38 =	vunpack.i.u.bf16.f32 v13  }
0x2a4: {  	[tilespmem:s29+$0xFFFFFCF0] =	vst v9;
	v45 =	vunpack.i.l.bf16.f32 v13;
	v23 =	vor.u32 v1, v42;
	v60 =	vshll.u32 v12, $0x6  }
0x2a5: {  	v25 =	vor.u32 v1, v58;
	v16 =	vor.u32 v1, v5;
	v11 =	vor.u32 v0, v60;
	v9 =	vld.idx.msk [tilespmem:v19+s13+$0x0], $0xffff  }
0x2a6: {  	s22 =	simm.s32 $0x580;
	v26 =	vor.u32 v1, v57;
	v41 =	vshll.u32 v18, $0x6;
	v10 =	vld.idx.msk [tilespmem:v14+s13+$0x0], $0xffff;
	v14 =	vor.u32 v0, v58  }
0x2a7: {  	[tilespmem:s29+$0xFFFFFEF0] =	vst v30;
	s15 =	simm.s32 $0x480;
	s7 =	sand.u32 $0x3D80, s22;
	v63 =	vor.u32 v1, v21;
	v50 =	vunpack.i.u.bf16.f32 v61;
	v12 =	vor.u32 v0, v41  }
0x2a8: {  	s15 =	sand.u32 $0x3C80, s15;
	v30 =	vld [tilespmem:s7+$0xBB00];
	[tilespmem:s29+$0xFFFFFD70] =	vst v8;
	v43 =	vunpack.i.l.bf16.f32 v61;
	v24 =	vor.u32 v1, v60;
	v8 =	vor.u32 v3, v60  }
0x2a9: {  	[tilespmem:s29+$0xFFFFFE70] =	vst v4;
	v4 =	vld [tilespmem:s15+$0xBB00];
	v19 =	vor.u32 v2, v57;
	v18 =	vor.u32 v2, v58;
	v22 =	vor.u32 v1, v41  }
0x2aa: {  	v54 =	vld.idx.msk [tilespmem:v11+s13+$0x0], $0xffff;
	v11 =	vor.u32 v2, v5;
	v5 =	vor.u32 v3, v5;
	v39 =	vunpack.i.u.bf16.f32 v9  }
0x2ab: {  	s10 =	simm.s32 $0x400;
	v48 =	vunpack.i.l.bf16.f32 v9;
	v9 =	vor.u32 v3, v58;
	v15 =	vunpack.i.l.bf16.f32 v10;
	v52 =	vld.idx.msk [tilespmem:v14+s13+$0x0], $0xffff  }
0x2ac: {  	s16 =	simm.s32 $0x500;
	[tilespmem:s29+$0xFFFFFF70] =	vst v7;
	s1 =	sand.u32 $0x3C00, s10;
	v7 =	vunpack.i.u.bf16.f32 v10;
	v10 =	vunpack.i.u.bf16.f32 v59;
	v55 =	vld.idx.msk [tilespmem:v12+s13+$0x0], $0xffff;
	v53 =	vadd.f32 v17, v15  }
0x2ad: {  	s30 =	simm.s32 $0x182F0;
	s10 =	sand.u32 $0x3D00, s16;
	[tilespmem:s29+$0xFFFFFF00] =	vst v32;
	v14 =	vor.u32 v2, v42;
	v10 =	vadd.f32 v10, v7;
	v7 =	vunpack.i.u.bf16.f32 v49;
	v49 =	vld [tilespmem:s1+$0xBB00]  }
0x2ae: {  	v12 =	vor.u32 v3, v56;
	v17 =	vor.u32 v2, v60;
	v15 =	vor.u32 v2, v41;
	v60 =	vld [tilespmem:s10+$0xBB00];
	[tilespmem:s30+$0xFFFFFF10] =	vst v53  }
0x2af: {  	v37 =	vunpack.i.u.bf16.f32 v54;
	v44 =	vunpack.i.l.bf16.f32 v54;
	[tilespmem:s30+$0xFFFFFF20] =	vst v10;
	v10 =	vor.u32 v3, v57;
	v57 =	vld.idx.msk [tilespmem:v62+s13+$0x0], $0xffff  }
0x2b0: {  	v6 =	vadd.f32 v7, v6;
	v56 =	vld.idx.msk [tilespmem:v63+s13+$0x0], $0xffff;
	v63 =	vor.u32 v2, v21;
	v21 =	vor.u32 v3, v21  }
0x2b1: {  	[tilespmem:s29+$0xFFFFFDF0] =	vst v34;
	v13 =	vld [tilespmem:s6+$0xBB10];
	v34 =	vunpack.i.u.bf16.f32 v52;
	v36 =	vunpack.i.l.bf16.f32 v52;
	v40 =	vunpack.i.u.bf16.f32 v55  }
0x2b2: {  	[tilespmem:s29+$0xFFFFFFF0] =	vst v27;
	v31 =	vunpack.i.l.bf16.f32 v55;
	v58 =	vunpack.i.u.bf16.f32 v49;
	v59 =	vunpack.i.l.bf16.f32 v49  }
0x2b3: {  	s3 =	simm.s32 $0x600;
	[tilespmem:s29+$0xFFFFFE80] =	vst v28;
	v28 =	vunpack.i.l.bf16.f32 v60;
	v43 =	vadd.f32 v59, v43;
	v46 =	vadd.f32 v58, v50  }
0x2b4: {  	s31 =	simm.s32 $0x780;
	s22 =	sand.u32 $0x3E00, s3;
	[tilespmem:s29+$0xFFFFFE00] =	vst v29;
	v58 =	vunpack.i.l.bf16.f32 v4;
	v59 =	vunpack.i.u.bf16.f32 v60;
	v60 =	vunpack.i.u.bf16.f32 v30  }
0x2b5: {  	s16 =	simm.s32 $0x680;
	s0 =	sand.u32 $0x3F80, s31;
	v51 =	vld [tilespmem:s22+$0xBB00];
	v28 =	vadd.f32 v28, v36;
	v29 =	vunpack.i.l.bf16.f32 v57;
	v34 =	vadd.f32 v59, v34;
	[tilespmem:s30+$0xFFFFFC10] =	vst v43  }
0x2b6: {  	s2 =	sand.u32 $0x3E80, s16;
	v52 =	vld [tilespmem:s0+$0xBB00];
	v61 =	vunpack.i.l.bf16.f32 v56;
	v62 =	vunpack.i.l.bf16.f32 v13;
	v33 =	vunpack.i.u.bf16.f32 v56;
	[tilespmem:s30+$0xFFFFFC20] =	vst v46  }
0x2b7: {  	v55 =	vunpack.i.u.bf16.f32 v13;
	v13 =	vor.u32 v3, v41;
	v56 =	vld [tilespmem:s2+$0xBB00];
	[tilespmem:s30+$0xFFFFFD10] =	vst v28;
	v47 =	vadd.f32 v62, v61  }
0x2b8: {  	v41 =	vunpack.i.u.bf16.f32 v57;
	v57 =	vunpack.i.u.bf16.f32 v4;
	v33 =	vadd.f32 v55, v33;
	v35 =	vld.idx.msk [tilespmem:v35+s13+$0x0], $0xffff;
	[tilespmem:s30+$0xFFFFFD20] =	vst v34  }
0x2b9: {  	v30 =	vunpack.i.l.bf16.f32 v30;
	v61 =	vadd.f32 v58, v45;
	v38 =	vadd.f32 v57, v38;
	v57 =	vld [tilespmem:s1+$0xBB10];
	[tilespmem:s30+$0xFFFFFF30] =	vst v47  }
0x2ba: {  	v30 =	vadd.f32 v30, v44;
	v32 =	vadd.f32 v60, v37;
	v25 =	vld.idx.msk [tilespmem:v25+s13+$0x0], $0xffff;
	[tilespmem:s30+$0xFFFFFF40] =	vst v33  }
0x2bb: {  	v4 =	vor.u32 v3, v42;
	v62 =	vunpack.i.u.bf16.f32 v51;
	v55 =	vunpack.i.u.bf16.f32 v52;
	[tilespmem:s30+$0xFFFFFC90] =	vst v61;
	v45 =	vld.idx.msk [tilespmem:v63+s13+$0x0], $0xffff  }
0x2bc: {  	v27 =	vadd.f32 v62, v40;
	v50 =	vadd.f32 v55, v39;
	[tilespmem:s30+$0xFFFFFCA0] =	vst v38;
	v63 =	vunpack.i.l.bf16.f32 v51;
	v53 =	vld [tilespmem:s6+$0xBB20]  }
0x2bd: {  	[tilespmem:s30+$0xFFFFFD90] =	vst v30;
	v26 =	vld.idx.msk [tilespmem:v26+s13+$0x0], $0xffff;
	v54 =	vunpack.i.u.bf16.f32 v56;
	v49 =	vunpack.i.l.bf16.f32 v56;
	v56 =	vunpack.i.l.bf16.f32 v52  }
0x2be: {  	[tilespmem:s30+$0xFFFFFDA0] =	vst v32;
	v60 =	vld [tilespmem:s15+$0xBB10];
	v58 =	vadd.f32 v63, v31;
	v59 =	vunpack.i.u.bf16.f32 v35;
	v29 =	vadd.f32 v49, v29  }
0x2bf: {  	v24 =	vld.idx.msk [tilespmem:v24+s13+$0x0], $0xffff;
	[tilespmem:s30+$0xFFFFFE20] =	vst v27;
	v35 =	vunpack.i.l.bf16.f32 v35;
	v47 =	vadd.f32 v54, v41;
	v49 =	vunpack.i.u.bf16.f32 v57  }
0x2c0: {  	v52 =	vld [tilespmem:s7+$0xBB10];
	v36 =	vadd.f32 v56, v48;
	v51 =	vunpack.i.l.bf16.f32 v57;
	[tilespmem:s30+$0xFFFFFE10] =	vst v58;
	v31 =	vadd.f32 v49, v59  }
0x2c1: {  	v54 =	vadd.f32 v51, v35;
	v57 =	vunpack.i.u.bf16.f32 v25;
	[tilespmem:s30+$0xFFFFFE90] =	vst v29;
	v22 =	vld.idx.msk [tilespmem:v22+s13+$0x0], $0xffff;
	v61 =	vunpack.i.l.bf16.f32 v45  }
0x2c2: {  	[tilespmem:s30+$0xFFFFFEA0] =	vst v47;
	v62 =	vunpack.i.l.bf16.f32 v53;
	v63 =	vunpack.i.u.bf16.f32 v45;
	v44 =	vunpack.i.u.bf16.f32 v53;
	v45 =	vld [tilespmem:s10+$0xBB10]  }
0x2c3: {  	[tilespmem:s30+$0xFFFFFFA0] =	vst v50;
	v7 =	vunpack.i.u.bf16.f32 v26;
	v26 =	vunpack.i.l.bf16.f32 v26;
	v53 =	vunpack.i.u.bf16.f32 v60;
	v23 =	vld.idx.msk [tilespmem:v23+s13+$0x0], $0xffff  }
0x2c4: {  	[tilespmem:s30+$0xFFFFFF90] =	vst v36;
	v55 =	vunpack.i.l.bf16.f32 v60;
	v60 =	vunpack.i.u.bf16.f32 v24;
	v36 =	vld [tilespmem:s2+$0xBB10];
	v30 =	vadd.f32 v62, v61  }
0x2c5: {  	v24 =	vunpack.i.l.bf16.f32 v24;
	[tilespmem:s30+$0xFFFFFC30] =	vst v54;
	v16 =	vld.idx.msk [tilespmem:v16+s13+$0x0], $0xffff;
	v46 =	vadd.f32 v44, v63;
	v7 =	vadd.f32 v53, v7  }
0x2c6: {  	[tilespmem:s30+$0xFFFFFC40] =	vst v31;
	v40 =	vld [tilespmem:s0+$0xBB10];
	v26 =	vadd.f32 v55, v26;
	v62 =	vunpack.i.u.bf16.f32 v52;
	v63 =	vunpack.i.l.bf16.f32 v52  }
0x2c7: {  	v25 =	vunpack.i.l.bf16.f32 v25;
	v61 =	vld [tilespmem:s22+$0xBB10];
	v24 =	vadd.f32 v63, v24;
	[tilespmem:s30+$0xFFFFFF50] =	vst v30;
	v30 =	vadd.f32 v62, v60  }
0x2c8: {  	v20 =	vld.idx.msk [tilespmem:v20+s13+$0x0], $0xffff;
	[tilespmem:s30+$0xFFFFFF60] =	vst v46;
	v41 =	vunpack.i.u.bf16.f32 v22;
	v22 =	vunpack.i.l.bf16.f32 v22;
	v58 =	vunpack.i.u.bf16.f32 v45  }
0x2c9: {  	v43 =	vld [tilespmem:s1+$0xBB20];
	[tilespmem:s30+$0xFFFFFCB0] =	vst v26;
	v59 =	vunpack.i.l.bf16.f32 v45;
	v42 =	vunpack.i.u.bf16.f32 v23;
	v23 =	vunpack.i.l.bf16.f32 v23  }
0x2ca: {  	[tilespmem:s30+$0xFFFFFCC0] =	vst v7;
	v21 =	vld.idx.msk [tilespmem:v21+s13+$0x0], $0xffff;
	v45 =	vunpack.i.u.bf16.f32 v36;
	v28 =	vunpack.i.l.bf16.f32 v36;
	v47 =	vunpack.i.u.bf16.f32 v16  }
0x2cb: {  	v56 =	vld [tilespmem:s6+$0xBB30];
	[tilespmem:s30+$0xFFFFFDB0] =	vst v24;
	v16 =	vunpack.i.l.bf16.f32 v16;
	v48 =	vunpack.i.u.bf16.f32 v40;
	v25 =	vadd.f32 v59, v25  }
0x2cc: {  	v19 =	vld.idx.msk [tilespmem:v19+s13+$0x0], $0xffff;
	[tilespmem:s30+$0xFFFFFDC0] =	vst v30;
	v50 =	vunpack.i.l.bf16.f32 v40;
	v27 =	vadd.f32 v58, v57;
	v44 =	vunpack.i.l.bf16.f32 v61  }
0x2cd: {  	v46 =	vld [tilespmem:s15+$0xBB20];
	v23 =	vadd.f32 v28, v23;
	v49 =	vadd.f32 v45, v42;
	v51 =	vunpack.i.u.bf16.f32 v20;
	[tilespmem:s30+$0xFFFFFD30] =	vst v25  }
0x2ce: {  	v17 =	vld.idx.msk [tilespmem:v17+s13+$0x0], $0xffff;
	v16 =	vadd.f32 v50, v16;
	v20 =	vunpack.i.l.bf16.f32 v20;
	v26 =	vunpack.i.l.bf16.f32 v43;
	[tilespmem:s30+$0xFFFFFD40] =	vst v27  }
0x2cf: {  	v53 =	vld [tilespmem:s7+$0xBB20];
	v22 =	vadd.f32 v44, v22;
	v20 =	vadd.f32 v26, v20;
	[tilespmem:s30+$0xFFFFFEB0] =	vst v23;
	v37 =	vunpack.i.u.bf16.f32 v21  }
0x2d0: {  	[tilespmem:s30+$0xFFFFFEC0] =	vst v49;
	v38 =	vunpack.i.u.bf16.f32 v56;
	v21 =	vunpack.i.l.bf16.f32 v21;
	v29 =	vunpack.i.l.bf16.f32 v56;
	v18 =	vld.idx.msk [tilespmem:v18+s13+$0x0], $0xffff  }
0x2d1: {  	v27 =	vld [tilespmem:s10+$0xBB20];
	[tilespmem:s30+$0xFFFFFE30] =	vst v22;
	v22 =	vadd.f32 v48, v47;
	v52 =	vunpack.i.u.bf16.f32 v19;
	v19 =	vunpack.i.l.bf16.f32 v19  }
0x2d2: {  	[tilespmem:s30+$0xFFFFFFB0] =	vst v16;
	v54 =	vunpack.i.u.bf16.f32 v46;
	v14 =	vld.idx.msk [tilespmem:v14+s13+$0x0], $0xffff;
	v7 =	vadd.f32 v29, v21;
	v21 =	vunpack.i.u.bf16.f32 v61  }
0x2d3: {  	v23 =	vunpack.i.l.bf16.f32 v46;
	v58 =	vld [tilespmem:s2+$0xBB20];
	v39 =	vadd.f32 v38, v37;
	v21 =	vadd.f32 v21, v41;
	[tilespmem:s30+$0xFFFFFFC0] =	vst v22  }
0x2d4: {  	[tilespmem:s30+$0xFFFFFC50] =	vst v20;
	v16 =	vadd.f32 v23, v19;
	v19 =	vadd.f32 v54, v52;
	v11 =	vld.idx.msk [tilespmem:v11+s13+$0x0], $0xffff  }
0x2d5: {  	v20 =	vunpack.i.u.bf16.f32 v17;
	v22 =	vunpack.i.u.bf16.f32 v53;
	v59 =	vld [tilespmem:s0+$0xBB20];
	[tilespmem:s30+$0xFFFFFE40] =	vst v21;
	v21 =	vunpack.i.u.bf16.f32 v43  }
0x2d6: {  	v17 =	vunpack.i.l.bf16.f32 v17;
	[tilespmem:s30+$0xFFFFFCE0] =	vst v19;
	v19 =	vadd.f32 v22, v20;
	v15 =	vld.idx.msk [tilespmem:v15+s13+$0x0], $0xffff;
	v21 =	vadd.f32 v21, v51  }
0x2d7: {  	[tilespmem:s30+$0xFFFFFCD0] =	vst v16;
	v55 =	vld [tilespmem:s22+$0xBB20];
	v56 =	vunpack.i.u.bf16.f32 v18;
	v18 =	vunpack.i.l.bf16.f32 v18;
	v23 =	vunpack.i.l.bf16.f32 v27  }
0x2d8: {  	v22 =	vld.idx.msk [tilespmem:v10+s13+$0x0], $0xffff;
	v57 =	vunpack.i.u.bf16.f32 v27;
	v18 =	vadd.f32 v23, v18;
	v23 =	vunpack.i.l.bf16.f32 v53  }
0x2d9: {  	v62 =	vld [tilespmem:s15+$0xBB30];
	v10 =	vunpack.i.u.bf16.f32 v14;
	[tilespmem:s30+$0xFFFFFC60] =	vst v21;
	v17 =	vadd.f32 v23, v17;
	v23 =	vunpack.i.u.bf16.f32 v58  }
0x2da: {  	v21 =	vadd.f32 v57, v56;
	[tilespmem:s30+$0xFFFFFD50] =	vst v18;
	v18 =	vunpack.i.l.bf16.f32 v14;
	v23 =	vadd.f32 v23, v10  }
0x2db: {  	v60 =	vld.idx.msk [tilespmem:v12+s13+$0x0], $0xffff;
	v10 =	vunpack.i.l.bf16.f32 v59;
	[tilespmem:s30+$0xFFFFFDD0] =	vst v17;
	v17 =	vunpack.i.u.bf16.f32 v11;
	v11 =	vunpack.i.l.bf16.f32 v11  }
0x2dc: {  	v61 =	vld [tilespmem:s1+$0xBB30];
	[tilespmem:s30+$0xFFFFFD60] =	vst v21;
	v12 =	vunpack.i.u.bf16.f32 v15;
	v15 =	vunpack.i.l.bf16.f32 v15;
	v20 =	vunpack.i.l.bf16.f32 v55  }
0x2dd: {  	[tilespmem:s30+$0xFFFFFF80] =	vst v39;
	v21 =	vunpack.i.u.bf16.f32 v59;
	v16 =	vunpack.i.u.bf16.f32 v55;
	v14 =	vld [tilespmem:s10+$0xBB30];
	v15 =	vadd.f32 v20, v15  }
0x2de: {  	[tilespmem:s30+$0xFFFFFDE0] =	vst v19;
	v19 =	vunpack.i.u.bf16.f32 v62;
	v20 =	vadd.f32 v16, v12;
	v16 =	vunpack.i.l.bf16.f32 v58;
	v12 =	vld.idx.msk [tilespmem:v9+s13+$0x0], $0xffff  }
0x2df: {  	v9 =	vld.idx.msk [tilespmem:v8+s13+$0x0], $0xffff;
	v24 =	vadd.f32 v16, v18;
	v16 =	vadd.f32 v10, v11;
	v18 =	vunpack.i.u.bf16.f32 v22;
	[tilespmem:s30+$0xFFFFFE50] =	vst v15  }
0x2e0: {  	v10 =	vld [tilespmem:s7+$0xBB30];
	v63 =	vunpack.i.u.bf16.f32 v60;
	v15 =	vadd.f32 v21, v17;
	v11 =	vunpack.i.l.bf16.f32 v60;
	[tilespmem:s30+$0xFFFFFE60] =	vst v20  }
0x2e1: {  	[tilespmem:s30+$0xFFFFFEE0] =	vst v23;
	v21 =	vunpack.i.u.bf16.f32 v61;
	v17 =	vunpack.i.l.bf16.f32 v61;
	v20 =	vunpack.i.l.bf16.f32 v22;
	v8 =	vld.idx.msk [tilespmem:v13+s13+$0x0], $0xffff  }
0x2e2: {  	s28 =	sor.u32 $0x1, s28;
	s3 =	simm.s32 $0x8;
	[tilespmem:s30+$0xFFFFFED0] =	vst v24;
	v17 =	vadd.f32 v17, v11;
	v13 =	vadd.f32 v21, v63;
	v21 =	vunpack.i.l.bf16.f32 v62;
	v11 =	vld [tilespmem:s22+$0xBB30]  }
.LBB2_14:
0x2e3: {  	s1 =	sadd.s32 s3, s25;
	v22 =	vunpack.i.u.bf16.f32 v12;
	v12 =	vunpack.i.l.bf16.f32 v12;
	v23 =	vunpack.i.u.bf16.f32 v14;
	v4 =	vld.idx.msk [tilespmem:v4+s13+$0x0], $0xffff;
	[tilespmem:s30+$0xFFFFFFD0] =	vst v16  }
0x2e4: {  	v16 =	vadd.f32 v21, v20;
	v18 =	vadd.f32 v19, v18;
	v14 =	vunpack.i.l.bf16.f32 v14;
	s6 =	sadd.s32 $0x108, s1;
	s7 =	sadd.s32 $0x109, s1;
	s10 =	sadd.s32 $0x10E, s1;
	v19 =	vld [tilespmem:s2+$0xBB30];
	[tilespmem:s30+$0xFFFFFFE0] =	vst v15  }
0x2e5: {  	s2 =	sadd.s32 $0x10A, s1;
	v15 =	vmov s6;
	v20 =	vmov s7;
	s6 =	sadd.s32 $0x10B, s1;
	s7 =	sadd.s32 $0x10C, s1;
	v21 =	vmov s10;
	v5 =	vld.idx.msk [tilespmem:v5+s13+$0x0], $0xffff  }
0x2e6: {  	s3 =	sadd.s32 $0x8, s3;
	v24 =	vmov s2;
	s2 =	sadd.s32 $0x10D, s1;
	s1 =	sadd.s32 $0x10F, s1;
	v25 =	vmov s6;
	v21 =	vand.u32 $0xFFFFFFFE, v21;
	[tilespmem:s30+$0xFFFFFC70] =	vst v17;
	v26 =	vld [tilespmem:s0+$0xBB30]  }
0x2e7: {  	p0 =	slt.u32 s3, $0xF8;
	v17 =	vmov s7;
	v27 =	vmov s2;
	v21 =	vbroadcast v21, $0x0;
	[tilespmem:s30+$0xFFFFFC80] =	vst v13  }
0x2e8: {  	v13 =	vand.u32 $0xFFFFFFF8, v15;
	v15 =	vand.u32 $0xFFFFFFF9, v20;
	v20 =	vand.u32 $0xFFFFFFFA, v24;
	[tilespmem:s30+$0xFFFFFCF0] =	vst v16  }
0x2e9: {  	v17 =	vand.u32 $0xFFFFFFFC, v17;
	v24 =	vand.u32 $0xFFFFFFFD, v27;
	v16 =	vand.u32 $0xFFFFFFFB, v25;
	[tilespmem:s30+$0xFFFFFD00] =	vst v18  }
0x2ea: {  	v13 =	vbroadcast v13, $0x0;
	v15 =	vbroadcast v15, $0x0;
	v18 =	vmov s1;
	[tilespmem:s30+$0xFFFFFF70] =	vst v7  }
0x2eb: {  	v16 =	vbroadcast v16, $0x0;
	v7 =	vbroadcast v20, $0x0;
	v20 =	vunpack.i.u.bf16.f32 v9;
	[tilespmem:s29+$0x0] =	vst v6;
	s29 =	smov.u32 s30  }
0x2ec: {  	v25 =	vbroadcast v17, $0x0;
	v24 =	vbroadcast v24, $0x0;
	v9 =	vunpack.i.l.bf16.f32 v9  }
0x2ed: {  	v27 =	vunpack.i.u.bf16.f32 v8;
	v8 =	vunpack.i.l.bf16.f32 v8;
	v28 =	vunpack.i.u.bf16.f32 v4;
	v21 =	vld.idx.msk [tilespmem:v21+s5+$0x0], $0xffff  }
0x2ee: {  	v29 =	vunpack.i.u.bf16.f32 v10;
	v10 =	vunpack.i.l.bf16.f32 v10;
	v4 =	vunpack.i.l.bf16.f32 v4  }
0x2ef: {  	v30 =	vunpack.i.u.bf16.f32 v11;
	v11 =	vunpack.i.l.bf16.f32 v11;
	v31 =	vunpack.i.u.bf16.f32 v19;
	v18 =	vld.idx.msk [tilespmem:v18+s5+$0x0], $0xffff  }
0x2f0: {  	v19 =	vunpack.i.l.bf16.f32 v19;
	v32 =	vunpack.i.l.bf16.f32 v5;
	v6 =	vunpack.i.u.bf16.f32 v5;
	v13 =	vld.idx.msk [tilespmem:v13+s5+$0x0], $0xffff  }
0x2f1: {  	v5 =	vadd.f32 v14, v12;
	v17 =	vunpack.i.u.bf16.f32 v26;
	v12 =	vunpack.i.l.bf16.f32 v26;
	v15 =	vld.idx.msk [tilespmem:v15+s5+$0x0], $0xffff  }
0x2f2: {  	v9 =	vadd.f32 v10, v9;
	v14 =	vld.idx.msk [tilespmem:v7+s5+$0x0], $0xffff;
	v7 =	vadd.f32 v23, v22  }
0x2f3: {  	v8 =	vadd.f32 v11, v8;
	v21 =	vshll.u32 v21, $0x6;
	v10 =	vld.idx.msk [tilespmem:v16+s5+$0x0], $0xffff;
	[tilespmem:s30+$0xFFFFFD70] =	vst v5;
	v16 =	vadd.f32 v29, v20  }
0x2f4: {  	v4 =	vadd.f32 v19, v4;
	v22 =	vadd.f32 v30, v27;
	v20 =	vor.u32 v0, v21;
	v11 =	vld.idx.msk [tilespmem:v25+s5+$0x0], $0xffff  }
0x2f5: {  	v12 =	vadd.f32 v12, v32;
	v5 =	vshll.u32 v18, $0x6;
	v18 =	vadd.f32 v31, v28;
	v19 =	vld.idx.msk [tilespmem:v24+s5+$0x0], $0xffff;
	[tilespmem:s30+$0xFFFFFD80] =	vst v7  }
0x2f6: {  	v28 =	vshll.u32 v13, $0x6;
	v13 =	vor.u32 v0, v5;
	v7 =	vor.u32 v1, v5;
	[tilespmem:s30+$0xFFFFFDF0] =	vst v9  }
0x2f7: {  	s31 =	sadd.s32 $0x400, s31;
	v9 =	vor.u32 v0, v28;
	v27 =	vor.u32 v1, v28;
	v29 =	vshll.u32 v15, $0x6;
	[tilespmem:s30+$0xFFFFFE00] =	vst v16  }
0x2f8: {  	s0 =	sadd.s32 $0xFFFFFC80, s31;
	s2 =	sadd.s32 $0xFFFFFF80, s31;
	s1 =	sadd.s32 $0xFFFFFD00, s31;
	v15 =	vor.u32 v0, v29;
	v26 =	vor.u32 v1, v29;
	v30 =	vshll.u32 v14, $0x6;
	[tilespmem:s30+$0xFFFFFE70] =	vst v8  }
0x2f9: {  	s15 =	sadd.s32 $0xFFFFFD80, s31;
	s16 =	sadd.s32 $0xFFFFFE00, s31;
	s6 =	sand.u32 $0x3F00, s2;
	v8 =	vor.u32 v0, v30;
	v25 =	vor.u32 v1, v30;
	v31 =	vshll.u32 v10, $0x6;
	v14 =	vld.idx.msk [tilespmem:v20+s13+$0x0], $0xffff;
	[tilespmem:s30+$0xFFFFFE80] =	vst v22  }
0x2fa: {  	s10 =	sand.u32 $0x3C00, s0;
	s0 =	sadd.s32 $0xFFFFFE80, s31;
	s2 =	sadd.s32 $0xFFFFFF00, s31;
	v32 =	vor.u32 v0, v31;
	v24 =	vor.u32 v1, v31;
	v33 =	vshll.u32 v11, $0x6;
	v11 =	vld [tilespmem:s6+$0xBB00];
	[tilespmem:s30+$0xFFFFFEF0] =	vst v4  }
0x2fb: {  	s16 =	sand.u32 $0x3D80, s16;
	s7 =	sand.u32 $0x3C80, s1;
	s1 =	sand.u32 $0x3D00, s15;
	v4 =	vor.u32 v0, v33;
	v22 =	vor.u32 v1, v33;
	v34 =	vshll.u32 v19, $0x6;
	v35 =	vld.idx.msk [tilespmem:v13+s13+$0x0], $0xffff;
	[tilespmem:s30+$0xFFFFFF00] =	vst v18  }
0x2fc: {  	s2 =	sand.u32 $0x3E80, s2;
	s15 =	sand.u32 $0x3E00, s0;
	s0 =	sand.u32 $0x3F80, s31;
	v19 =	vor.u32 v2, v28;
	v36 =	vor.u32 v0, v34;
	v23 =	vor.u32 v1, v34;
	v9 =	vld.idx.msk [tilespmem:v9+s13+$0x0], $0xffff  }
0x2fd: {  	v20 =	vor.u32 v2, v29;
	v16 =	vor.u32 v2, v31;
	v18 =	vor.u32 v2, v30;
	v37 =	vld.idx.msk [tilespmem:v15+s13+$0x0], $0xffff  }
0x2fe: {  	v10 =	vor.u32 v2, v5;
	v13 =	vor.u32 v2, v34;
	v15 =	vor.u32 v2, v33;
	v8 =	vld.idx.msk [tilespmem:v8+s13+$0x0], $0xffff  }
0x2ff: {  	v40 =	vor.u32 v1, v21;
	v38 =	vunpack.i.l.bf16.f32 v14;
	v32 =	vld.idx.msk [tilespmem:v32+s13+$0x0], $0xffff;
	v39 =	vunpack.i.l.bf16.f32 v11;
	[tilespmem:s30+$0xFFFFFFF0] =	vst v12  }
0x300: {  	v12 =	vunpack.i.u.bf16.f32 v14;
	v11 =	vunpack.i.u.bf16.f32 v11;
	v4 =	vld.idx.msk [tilespmem:v4+s13+$0x0], $0xffff;
	v38 =	vadd.f32 v39, v38  }
0x301: {  	s30 =	sadd.s32 $0x400, s30;
	v11 =	vadd.f32 v11, v12;
	v39 =	vunpack.i.u.bf16.f32 v35;
	v35 =	vunpack.i.l.bf16.f32 v35;
	v36 =	vld.idx.msk [tilespmem:v36+s13+$0x0], $0xffff  }
0x302: {  	v14 =	vor.u32 v3, v28;
	v42 =	vunpack.i.u.bf16.f32 v9;
	v43 =	vunpack.i.l.bf16.f32 v9;
	v41 =	vld [tilespmem:s10+$0xBB00];
	[tilespmem:s30+$0xFFFFFF10] =	vst v38  }
0x303: {  	v12 =	vor.u32 v3, v29;
	v38 =	vunpack.i.u.bf16.f32 v37;
	v37 =	vunpack.i.l.bf16.f32 v37;
	v28 =	vld [tilespmem:s7+$0xBB00];
	[tilespmem:s30+$0xFFFFFF20] =	vst v11  }
0x304: {  	v29 =	vunpack.i.u.bf16.f32 v8;
	v44 =	vunpack.i.l.bf16.f32 v8;
	v11 =	vor.u32 v3, v30;
	v30 =	vld.idx.msk [tilespmem:v40+s13+$0x0], $0xffff  }
0x305: {  	v9 =	vor.u32 v3, v31;
	v40 =	vunpack.i.u.bf16.f32 v32;
	v32 =	vunpack.i.l.bf16.f32 v32;
	v31 =	vld [tilespmem:s6+$0xBB10]  }
0x306: {  	v8 =	vor.u32 v3, v33;
	v46 =	vunpack.i.u.bf16.f32 v4;
	v47 =	vunpack.i.l.bf16.f32 v4;
	v45 =	vld [tilespmem:s1+$0xBB00]  }
0x307: {  	v48 =	vunpack.i.u.bf16.f32 v36;
	v36 =	vunpack.i.l.bf16.f32 v36;
	v4 =	vunpack.i.u.bf16.f32 v41;
	v33 =	vld [tilespmem:s16+$0xBB00]  }
0x308: {  	v41 =	vunpack.i.l.bf16.f32 v41;
	v49 =	vunpack.i.u.bf16.f32 v28;
	v28 =	vunpack.i.l.bf16.f32 v28;
	v50 =	vld [tilespmem:s15+$0xBB00]  }
0x309: {  	v41 =	vadd.f32 v41, v43;
	v42 =	vadd.f32 v4, v42;
	v4 =	vor.u32 v3, v34;
	v43 =	vld [tilespmem:s2+$0xBB00]  }
0x30a: {  	v52 =	vor.u32 v2, v21;
	v34 =	vunpack.i.l.bf16.f32 v30;
	v51 =	vunpack.i.l.bf16.f32 v31;
	v53 =	vld [tilespmem:s0+$0xBB00]  }
0x30b: {  	v30 =	vunpack.i.u.bf16.f32 v30;
	v31 =	vunpack.i.u.bf16.f32 v31;
	[tilespmem:s30+$0xFFFFFC10] =	vst v41;
	v34 =	vadd.f32 v51, v34  }
0x30c: {  	v41 =	vunpack.i.u.bf16.f32 v45;
	v30 =	vadd.f32 v31, v30;
	[tilespmem:s30+$0xFFFFFC20] =	vst v42;
	v42 =	vunpack.i.l.bf16.f32 v45  }
0x30d: {  	v31 =	vunpack.i.u.bf16.f32 v33;
	v33 =	vunpack.i.l.bf16.f32 v33;
	v27 =	vld.idx.msk [tilespmem:v27+s13+$0x0], $0xffff;
	v45 =	vunpack.i.u.bf16.f32 v50;
	[tilespmem:s30+$0xFFFFFF30] =	vst v34  }
0x30e: {  	v50 =	vunpack.i.l.bf16.f32 v50;
	v34 =	vld [tilespmem:s10+$0xBB10];
	v51 =	vunpack.i.u.bf16.f32 v43;
	v43 =	vunpack.i.l.bf16.f32 v43;
	[tilespmem:s30+$0xFFFFFF40] =	vst v30  }
0x30f: {  	v28 =	vadd.f32 v28, v37;
	v30 =	vld.idx.msk [tilespmem:v52+s13+$0x0], $0xffff;
	v37 =	vunpack.i.u.bf16.f32 v53;
	v52 =	vunpack.i.l.bf16.f32 v53  }
0x310: {  	v5 =	vor.u32 v3, v5;
	v38 =	vadd.f32 v49, v38;
	v42 =	vadd.f32 v42, v44;
	v44 =	vld [tilespmem:s6+$0xBB20]  }
0x311: {  	[tilespmem:s30+$0xFFFFFC90] =	vst v28;
	v28 =	vadd.f32 v41, v29;
	v29 =	vadd.f32 v33, v32  }
0x312: {  	v31 =	vadd.f32 v31, v40;
	v32 =	vadd.f32 v50, v47;
	[tilespmem:s30+$0xFFFFFCA0] =	vst v38  }
0x313: {  	v36 =	vadd.f32 v43, v36;
	v33 =	vunpack.i.u.bf16.f32 v27;
	v38 =	vadd.f32 v45, v46;
	v26 =	vld.idx.msk [tilespmem:v26+s13+$0x0], $0xffff;
	[tilespmem:s30+$0xFFFFFD10] =	vst v42  }
0x314: {  	v35 =	vadd.f32 v52, v35;
	v27 =	vunpack.i.l.bf16.f32 v27;
	v40 =	vld [tilespmem:s7+$0xBB10];
	[tilespmem:s30+$0xFFFFFD20] =	vst v28;
	v28 =	vadd.f32 v51, v48  }
0x315: {  	v21 =	vor.u32 v3, v21;
	v25 =	vld.idx.msk [tilespmem:v25+s13+$0x0], $0xffff;
	[tilespmem:s30+$0xFFFFFD90] =	vst v29;
	v29 =	vunpack.i.l.bf16.f32 v30;
	v41 =	vunpack.i.l.bf16.f32 v44  }
0x316: {  	v30 =	vunpack.i.u.bf16.f32 v30;
	v42 =	vld [tilespmem:s1+$0xBB10];
	[tilespmem:s30+$0xFFFFFDA0] =	vst v31;
	v31 =	vunpack.i.u.bf16.f32 v44;
	v29 =	vadd.f32 v41, v29  }
0x317: {  	v41 =	vunpack.i.u.bf16.f32 v34;
	v24 =	vld.idx.msk [tilespmem:v24+s13+$0x0], $0xffff;
	[tilespmem:s30+$0xFFFFFE10] =	vst v32;
	v30 =	vadd.f32 v31, v30;
	v31 =	vadd.f32 v37, v39  }
0x318: {  	v6 =	vadd.f32 v17, v6;
	v32 =	vunpack.i.l.bf16.f32 v34;
	v33 =	vadd.f32 v41, v33;
	v34 =	vld [tilespmem:s16+$0xBB10];
	[tilespmem:s30+$0xFFFFFF50] =	vst v29  }
0x319: {  	v17 =	vunpack.i.u.bf16.f32 v26;
	v26 =	vunpack.i.l.bf16.f32 v26;
	v29 =	vunpack.i.u.bf16.f32 v40;
	[tilespmem:s30+$0xFFFFFF60] =	vst v30  }
0x31a: {  	v27 =	vadd.f32 v32, v27;
	v30 =	vunpack.i.l.bf16.f32 v40;
	v17 =	vadd.f32 v29, v17;
	[tilespmem:s30+$0xFFFFFE20] =	vst v38;
	v21 =	vld.idx.msk [tilespmem:v21+s13+$0x0], $0xffff  }
0x31b: {  	v29 =	vunpack.i.u.bf16.f32 v25;
	v25 =	vunpack.i.l.bf16.f32 v25;
	v32 =	vunpack.i.u.bf16.f32 v42;
	[tilespmem:s30+$0xFFFFFE90] =	vst v36;
	v36 =	vld [tilespmem:s6+$0xBB30]  }
0x31c: {  	v26 =	vadd.f32 v30, v26;
	v30 =	vunpack.i.l.bf16.f32 v42;
	v29 =	vadd.f32 v32, v29;
	v22 =	vld.idx.msk [tilespmem:v22+s13+$0x0], $0xffff;
	[tilespmem:s30+$0xFFFFFEA0] =	vst v28  }
0x31d: {  	v28 =	vunpack.i.u.bf16.f32 v24;
	v24 =	vunpack.i.l.bf16.f32 v24;
	v32 =	vunpack.i.u.bf16.f32 v34;
	v23 =	vld.idx.msk [tilespmem:v23+s13+$0x0], $0xffff;
	[tilespmem:s30+$0xFFFFFF90] =	vst v35  }
0x31e: {  	v25 =	vadd.f32 v30, v25;
	v30 =	vunpack.i.l.bf16.f32 v34;
	v28 =	vadd.f32 v32, v28;
	v32 =	vld [tilespmem:s15+$0xBB10];
	[tilespmem:s30+$0xFFFFFFA0] =	vst v31  }
0x31f: {  	v24 =	vadd.f32 v30, v24;
	[tilespmem:s30+$0xFFFFFC30] =	vst v27;
	v27 =	vld [tilespmem:s2+$0xBB10]  }
0x320: {  	v30 =	vunpack.i.u.bf16.f32 v21;
	v21 =	vunpack.i.l.bf16.f32 v21;
	[tilespmem:s30+$0xFFFFFC40] =	vst v33;
	v31 =	vunpack.i.u.bf16.f32 v36;
	v33 =	vld.idx.msk [tilespmem:v7+s13+$0x0], $0xffff  }
0x321: {  	v7 =	vunpack.i.l.bf16.f32 v36;
	[tilespmem:s30+$0xFFFFFCB0] =	vst v26;
	v26 =	vadd.f32 v31, v30;
	v30 =	vld [tilespmem:s0+$0xBB10]  }
0x322: {  	v7 =	vadd.f32 v7, v21;
	v19 =	vld.idx.msk [tilespmem:v19+s13+$0x0], $0xffff;
	[tilespmem:s30+$0xFFFFFCC0] =	vst v17;
	v17 =	vunpack.i.u.bf16.f32 v22;
	v22 =	vunpack.i.l.bf16.f32 v22  }
0x323: {  	v31 =	vunpack.i.u.bf16.f32 v23;
	v23 =	vunpack.i.l.bf16.f32 v23;
	v20 =	vld.idx.msk [tilespmem:v20+s13+$0x0], $0xffff;
	v21 =	vunpack.i.u.bf16.f32 v32;
	[tilespmem:s30+$0xFFFFFF80] =	vst v26  }
0x324: {  	v26 =	vld [tilespmem:s10+$0xBB20];
	[tilespmem:s30+$0xFFFFFD30] =	vst v25;
	v25 =	vunpack.i.l.bf16.f32 v32;
	v32 =	vunpack.i.u.bf16.f32 v27;
	v27 =	vunpack.i.l.bf16.f32 v27  }
0x325: {  	v17 =	vadd.f32 v21, v17;
	v34 =	vld [tilespmem:s7+$0xBB20];
	[tilespmem:s30+$0xFFFFFD40] =	vst v29;
	v22 =	vadd.f32 v25, v22  }
0x326: {  	v21 =	vunpack.i.u.bf16.f32 v33;
	v18 =	vld.idx.msk [tilespmem:v18+s13+$0x0], $0xffff;
	[tilespmem:s30+$0xFFFFFDB0] =	vst v24;
	v24 =	vunpack.i.l.bf16.f32 v33;
	v25 =	vunpack.i.u.bf16.f32 v30  }
0x327: {  	v23 =	vadd.f32 v27, v23;
	v27 =	vadd.f32 v32, v31;
	v29 =	vld [tilespmem:s1+$0xBB20];
	[tilespmem:s30+$0xFFFFFDC0] =	vst v28;
	v28 =	vunpack.i.l.bf16.f32 v30  }
0x328: {  	v30 =	vunpack.i.u.bf16.f32 v19;
	v21 =	vadd.f32 v25, v21;
	v16 =	vld.idx.msk [tilespmem:v16+s13+$0x0], $0xffff;
	[tilespmem:s30+$0xFFFFFE30] =	vst v22;
	v22 =	vadd.f32 v28, v24  }
0x329: {  	v19 =	vunpack.i.l.bf16.f32 v19;
	v24 =	vunpack.i.u.bf16.f32 v20;
	v20 =	vunpack.i.l.bf16.f32 v20;
	v25 =	vld [tilespmem:s16+$0xBB20];
	[tilespmem:s30+$0xFFFFFE40] =	vst v17  }
0x32a: {  	v17 =	vunpack.i.u.bf16.f32 v26;
	v26 =	vunpack.i.l.bf16.f32 v26;
	v28 =	vunpack.i.u.bf16.f32 v34;
	v15 =	vld.idx.msk [tilespmem:v15+s13+$0x0], $0xffff;
	[tilespmem:s30+$0xFFFFFEB0] =	vst v23  }
0x32b: {  	v19 =	vadd.f32 v26, v19;
	v17 =	vadd.f32 v17, v30;
	v23 =	vunpack.i.l.bf16.f32 v34;
	v26 =	vld [tilespmem:s15+$0xBB20];
	[tilespmem:s30+$0xFFFFFEC0] =	vst v27  }
0x32c: {  	v27 =	vunpack.i.u.bf16.f32 v18;
	v18 =	vunpack.i.l.bf16.f32 v18;
	v30 =	vunpack.i.u.bf16.f32 v29;
	v13 =	vld.idx.msk [tilespmem:v13+s13+$0x0], $0xffff;
	[tilespmem:s30+$0xFFFFFFB0] =	vst v22  }
0x32d: {  	v20 =	vadd.f32 v23, v20;
	v22 =	vadd.f32 v28, v24;
	v23 =	vunpack.i.l.bf16.f32 v29;
	v24 =	vld [tilespmem:s2+$0xBB20];
	[tilespmem:s30+$0xFFFFFFC0] =	vst v21  }
0x32e: {  	[tilespmem:s30+$0xFFFFFC50] =	vst v19;
	v19 =	vunpack.i.u.bf16.f32 v16;
	v16 =	vunpack.i.l.bf16.f32 v16;
	v21 =	vunpack.i.u.bf16.f32 v25;
	v10 =	vld.idx.msk [tilespmem:v10+s13+$0x0], $0xffff  }
0x32f: {  	[tilespmem:s30+$0xFFFFFC60] =	vst v17;
	v17 =	vadd.f32 v23, v18;
	v18 =	vadd.f32 v30, v27;
	v23 =	vunpack.i.l.bf16.f32 v25;
	v25 =	vld [tilespmem:s0+$0xBB20]  }
0x330: {  	v27 =	vld.idx.msk [tilespmem:v14+s13+$0x0], $0xffff;
	[tilespmem:s30+$0xFFFFFCD0] =	vst v20;
	v14 =	vunpack.i.u.bf16.f32 v15;
	v15 =	vunpack.i.l.bf16.f32 v15;
	v20 =	vunpack.i.u.bf16.f32 v26  }
0x331: {  	v19 =	vadd.f32 v21, v19;
	v16 =	vadd.f32 v23, v16;
	v21 =	vunpack.i.l.bf16.f32 v26;
	v28 =	vld [tilespmem:s10+$0xBB30];
	[tilespmem:s30+$0xFFFFFCE0] =	vst v22  }
0x332: {  	v22 =	vld.idx.msk [tilespmem:v12+s13+$0x0], $0xffff;
	[tilespmem:s30+$0xFFFFFD50] =	vst v17;
	v17 =	vunpack.i.u.bf16.f32 v13;
	v13 =	vunpack.i.l.bf16.f32 v13;
	v23 =	vunpack.i.u.bf16.f32 v24  }
0x333: {  	v15 =	vadd.f32 v21, v15;
	v26 =	vld [tilespmem:s7+$0xBB30];
	[tilespmem:s30+$0xFFFFFD60] =	vst v18;
	v18 =	vadd.f32 v20, v14;
	v20 =	vunpack.i.l.bf16.f32 v24  }
0x334: {  	v12 =	vld.idx.msk [tilespmem:v11+s13+$0x0], $0xffff;
	[tilespmem:s30+$0xFFFFFDD0] =	vst v16;
	v11 =	vunpack.i.u.bf16.f32 v10;
	v10 =	vunpack.i.l.bf16.f32 v10;
	v21 =	vunpack.i.u.bf16.f32 v25  }
.Ltmp7:
0x335: {  	v23 =	vadd.f32 v23, v17;
	v13 =	vadd.f32 v20, v13;
	v16 =	vunpack.i.l.bf16.f32 v25;
	v14 =	vld [tilespmem:s1+$0xBB30];
	[tilespmem:s30+$0xFFFFFDE0] =	vst v19;
	(pc) =	sbr.rel @p0 .LBB2_14-.Ltmp7, $4  }
0x336: {  	v24 =	vunpack.i.u.bf16.f32 v27;
	v16 =	vadd.f32 v16, v10;
	v9 =	vld.idx.msk [tilespmem:v9+s13+$0x0], $0xffff;
	[tilespmem:s30+$0xFFFFFE50] =	vst v15;
	v15 =	vadd.f32 v21, v11  }
0x337: {  	v11 =	vunpack.i.l.bf16.f32 v27;
	v21 =	vunpack.i.u.bf16.f32 v28;
	v17 =	vunpack.i.l.bf16.f32 v28;
	v10 =	vld [tilespmem:s16+$0xBB30];
	[tilespmem:s30+$0xFFFFFE60] =	vst v18  }
0x338: {  	v18 =	vunpack.i.u.bf16.f32 v22;
	v20 =	vunpack.i.l.bf16.f32 v22;
	v19 =	vunpack.i.u.bf16.f32 v26;
	v8 =	vld.idx.msk [tilespmem:v8+s13+$0x0], $0xffff;
	[tilespmem:s30+$0xFFFFFED0] =	vst v13  }
0x339: {  	v17 =	vadd.f32 v17, v11;
	v13 =	vadd.f32 v21, v24;
	v21 =	vunpack.i.l.bf16.f32 v26;
	v11 =	vld [tilespmem:s15+$0xBB30];
	[tilespmem:s30+$0xFFFFFEE0] =	vst v23  }
0x33a: {  	[tilespmem:s30+$0xFFFFFFD0] =	vst v16  }
0x33b: {  	[tilespmem:s30+$0xFFFFFFE0] =	vst v15  }
0x33c: {  	[tilespmem:s30+$0xFFFFFF70] =	vst v7  }
0x33d: {  	[tilespmem:s29+$0x0] =	vst v6  }
0x33e: {  	v41 =	vadd.f32 v21, v20;
	[tilespmem:s30+$0xFFFFFC70] =	vst v17  }
0x33f: {  	v42 =	vadd.f32 v19, v18;
	v43 =	vunpack.i.l.bf16.f32 v12;
	v4 =	vld.idx.msk [tilespmem:v4+s13+$0x0], $0xffff;
	v44 =	vunpack.i.l.bf16.f32 v14;
	[tilespmem:s30+$0xFFFFFC80] =	vst v13  }
0x340: {  	v45 =	vunpack.i.u.bf16.f32 v12;
	v46 =	vunpack.i.u.bf16.f32 v14;
	v47 =	vld [tilespmem:s2+$0xBB30];
	v48 =	vadd.f32 v44, v43;
	[tilespmem:s30+$0xFFFFFCF0] =	vst v41  }
0x341: {  	v5 =	vld.idx.msk [tilespmem:v5+s13+$0x0], $0xffff;
	v49 =	vunpack.i.l.bf16.f32 v9;
	v12 =	vadd.f32 v46, v45;
	[tilespmem:s30+$0xFFFFFD00] =	vst v42;
	v50 =	vunpack.i.l.bf16.f32 v10  }
0x342: {  	v51 =	vld [tilespmem:s0+$0xBB30];
	v52 =	vunpack.i.u.bf16.f32 v9;
	v53 =	vunpack.i.u.bf16.f32 v10;
	v6 =	vadd.f32 v50, v49;
	[tilespmem:s30+$0xFFFFFD70] =	vst v48  }
0x343: {  	v54 =	vunpack.i.l.bf16.f32 v8;
	v9 =	vadd.f32 v53, v52;
	[tilespmem:s30+$0xFFFFFD80] =	vst v12;
	v55 =	vunpack.i.l.bf16.f32 v11  }
0x344: {  	v56 =	vunpack.i.u.bf16.f32 v8;
	v57 =	vunpack.i.u.bf16.f32 v11;
	v7 =	vadd.f32 v55, v54;
	[tilespmem:s30+$0xFFFFFDF0] =	vst v6  }
0x345: {  	v58 =	vunpack.i.l.bf16.f32 v4;
	v59 =	vunpack.i.l.bf16.f32 v47;
	v8 =	vadd.f32 v57, v56;
	[tilespmem:s30+$0xFFFFFE00] =	vst v9  }
0x346: {  	v4 =	vunpack.i.u.bf16.f32 v4;
	v60 =	vunpack.i.u.bf16.f32 v47;
	v6 =	vadd.f32 v59, v58;
	[tilespmem:s30+$0xFFFFFE70] =	vst v7  }
0x347: {  	v61 =	vunpack.i.l.bf16.f32 v5;
	v62 =	vunpack.i.l.bf16.f32 v51;
	v4 =	vadd.f32 v60, v4;
	[tilespmem:s30+$0xFFFFFE80] =	vst v8  }
0x348: {  	s31 =	sshll.u32 s28, $0x13;
	s26 =	sadd.s32 $0x1, s26;
	v5 =	vunpack.i.u.bf16.f32 v5;
	v63 =	vunpack.i.u.bf16.f32 v51;
	v7 =	vadd.f32 v62, v61;
	[tilespmem:s30+$0xFFFFFEF0] =	vst v6  }
0x349: {  	s0 =	sadd.s32 s8, s31;
	p0 =	sne.s32 s26, $0x20;
	[tilespmem:s30+$0xFFFFFF00] =	vst v4;
	v4 =	vadd.f32 v63, v5  }
.Ltmp8:
0x34a: {  	s0 =	sshrl.u32 s0, $0x3;
	[tilespmem:s30+$0xFFFFFFF0] =	vst v7;
	(pc) =	sbr.rel @p0 .LBB2_11-.Ltmp8, $4  }
0x34b: {  	s1 =	sadd.s32 s4, s0;
	[tilespmem:s30+$0x0] =	vst v4  }
0x34c: {  	[hbm4b:s1+s5] =	stream.linear.scatter [tilespmem:s20], [sflag:$0x3], $0x4000, $0x38;
	[tilespmem:$0x1FB00] =	vst v63  }
0x34d: {  	s25 =	sadd.s32 $0x200, s25;
	s0 =	sadd.s32 s0, s9  }
0x34e: {  	[hbm4b:s0+s5] =	stream.linear.scatter [tilespmem:s21], [sflag:$0x3], $0x4000, $0x38;
	[tilespmem:$0x1FB00] =	vst v63  }
0x34f: {  	s0 =	simm.s32 $0x2  }
0x350: {  	_ =	swait.ge [sflag:s0], $0x4000  }
0x351: {  	[sflag:s0] =	ssyncset.done $0x0  }
0x352: {  	[sflag:s0] =	ssyncadd.s32 $0xFFFFC000  }
0x353: {  	_ =	swait.ge [sflag:s0], $0x4000  }
0x354: {  	[sflag:s0] =	ssyncset.done $0x0  }
0x355: {  	[sflag:s0] =	ssyncadd.s32 $0xFFFFC000  }
0x356: {  	_ =	swait.ge [sflag:s23], $0x4000  }
0x357: {  	[sflag:s23] =	ssyncset.done $0x0  }
0x358: {  	[sflag:s23] =	ssyncadd.s32 $0xFFFFC000  }
0x359: {  	_ =	swait.ge [sflag:s23], $0x4000  }
0x35a: {  	s24 =	sadd.s32 $0x1, s24;
	s31 =	rddreg [dreg:$0x7]  }
0x35b: {  	p0 =	sne.s32 s24, s31  }
.Ltmp9:
0x35c: {  	_ = 	snop;
	(pc) =	sbr.rel @p0 .LBB2_1-.Ltmp9, $4  }
.Ltmp10:
0x35d: {  	_ = 	snop;
	(pc) =	sbr.rel @!p0 .LBB2_17-.Ltmp10, $4  }
0x35e: {  	_ = 	snop  }
0x35f: {  	[sflag:s23] =	ssyncset.done $0x0  }
0x360: {  	[sflag:s23] =	ssyncadd.s32 $0xFFFFC000  }
0x361: {  	_ = 	snop  }
.LBB2_7:
.Ltmp11:
0x362: {  	(pc) =	sbr.rel .LBB2_10-.Ltmp11, $2  }
0x363: {  	_ =	sdelay $0x2  }
0x364: {  	s1 =	simm.s32 $0x0  }
.LBB2_17:
0x365: {  	_ =	sfence.sel $0x180000  }
0x366: {  	[bflag:$0x0] =	sbarrier.arrive $0xFFFF  }
0x367: {  	_ =	strace $0x90000047  }
0x368: {  	s0 =	stileid.u32;
	[bflag:$0x2] =	sbarrier.arrive $0xFFFF  }
0x369: {  	p0 =	sne.s32 s0, $0x0;
	s0 =	rddreg [dreg:$0x4]  }
0x36a: {  	s0 =	sadd.s32 @!p0 $0x100000, s0  }
0x36b: {  	[sflag:s0] =	ssyncadd.tile.s32 @!p0 $0x1;
	_ =	shalt  }
.Lfunc_end2:
_tile_overlayer_lowered:
.L_overlay_start_2:
0x36c: {  	(tag) =	ssettag $0x2  }
0x36d: {  	s0 =	rddreg [dreg:$0x0];
	s2 =	stileid.u32  }
0x36e: {  	s1 =	rddreg [dreg:$0x1];
	p0 =	sne.s32 s2, $0x0  }
0x36f: {  	s3 =	rddreg [dreg:$0x2];
	[bflag:$0x3] =	sbarrier.arrive $0xFFFF;
	s2 =	simm.s32 @!p0 $0x1C04  }
0x370: {  	[timem:s3], [sflag:s2] =	dma.local @!p0 [hbm:s0], s1  }
0x371: {  	s0 =	simm.s32 @!p0 $0x4  }
0x372: {  	_ =	swait.ge @!p0 [sflag:s0], s1  }
0x373: {  	s1 =	ssub.s32 @!p0 $0x0, s1;
	[sflag:s0] =	ssyncset.done @!p0 $0x0  }
0x374: {  	[sflag:s0] =	ssyncadd.s32 @!p0 s1  }
0x375: {  	[bflag:$0x3] =	sbarrier.arrive $0xFFFF  }
0x376: {  	_ =	shalt  }

</sc_bundles>
